<compile_context>
chip_gen: v7x
topology: tpu7x:2x2x1
jax: 0.10.2.dev20260603
libtpu: 0.0.44.dev20260713+nightly
codegen_flags: <defaults>
</compile_context>

<pallas_src>
import jax
import jax.numpy as jnp
from jax import lax
from jax.experimental import pallas as pl
from jax.experimental.pallas import tpu as pltpu
from jax.experimental.pallas import tpu_sc as plsc

_MAX_L = 2
_NWAVE = 8
_N_NODES = 10000
_N_EDGES = 640000
_LANES = 16
_CHUNK = 4000
_NCHUNKS = _N_EDGES // _CHUNK
_NPARTS = 4
_CHUNKS_PER_PART = _NCHUNKS // _NPARTS
_PACK_CHUNKS_PER_TILE = _NCHUNKS // 32


def _sc_pack_body(neigh_hbm, center_hbm, cut_hbm, cartt_hbm, out_hbm,
                  nb0, cb0, ub0, xb0, yb0, zb0,
                  nb1, cb1, ub1, xb1, yb1, zb1, ob, sem0, sem1):
    nc = plsc.get_sparse_core_info().num_cores
    wid = lax.axis_index("s") * nc + lax.axis_index("c")
    bufs = ((nb0, cb0, ub0, xb0, yb0, zb0, sem0),
            (nb1, cb1, ub1, xb1, yb1, zb1, sem1))

    def _pairs(g, buf):
        nb, cb, ub, xb, yb, zb, sem = buf
        off = g * _CHUNK
        return ((neigh_hbm.at[pl.ds(off, _CHUNK)], nb),
                (center_hbm.at[pl.ds(off, _CHUNK)], cb),
                (cut_hbm.at[pl.ds(off, _CHUNK)], ub),
                (cartt_hbm.at[pl.ds(off, _CHUNK)], xb),
                (cartt_hbm.at[pl.ds(_N_EDGES + off, _CHUNK)], yb),
                (cartt_hbm.at[pl.ds(2 * _N_EDGES + off, _CHUNK)], zb))

    def _fire(g, buf):
        for src, dst in _pairs(g, buf):
            pltpu.async_copy(src, dst, buf[6])

    def _drain(g, buf):
        for src, dst in _pairs(g, buf):
            pltpu.make_async_copy(src, dst, buf[6]).wait()

    g_base = wid * _PACK_CHUNKS_PER_TILE
    _fire(g_base, bufs[0])
    for k in range(_PACK_CHUNKS_PER_TILE):
        g = g_base + k
        buf = bufs[k % 2]
        _drain(g, buf)
        if k + 1 < _PACK_CHUNKS_PER_TILE:
            _fire(g + 1, bufs[(k + 1) % 2])
        nb, cb, ub, xb, yb, zb, _ = buf

        @plsc.parallel_loop(0, _CHUNK // _LANES, unroll=2)
        def _vec(i):
            s = pl.ds(i * _LANES, _LANES)
            u = ub[s]
            ob[s] = nb[s] | (cb[s] << 16)
            ob[pl.ds(_CHUNK + i * _LANES, _LANES)] = plsc.bitcast(
                u, jnp.int32)
            ob[pl.ds(2 * _CHUNK + i * _LANES, _LANES)] = plsc.bitcast(
                u * xb[s], jnp.int32)
            ob[pl.ds(3 * _CHUNK + i * _LANES, _LANES)] = plsc.bitcast(
                u * yb[s], jnp.int32)
            ob[pl.ds(4 * _CHUNK + i * _LANES, _LANES)] = plsc.bitcast(
                u * zb[s], jnp.int32)

        pltpu.sync_copy(ob, out_hbm.at[pl.ds(5 * g * _CHUNK, 5 * _CHUNK)])


def _sc_pack(neigh, center, cut, cart_t):
    mesh = plsc.VectorSubcoreMesh(core_axis_name="c", subcore_axis_name="s")
    f = pl.kernel(
        _sc_pack_body,
        out_type=jax.ShapeDtypeStruct((5 * _N_EDGES,), jnp.int32),
        mesh=mesh,
        scratch_types=(
            ([pltpu.VMEM((_CHUNK,), jnp.int32)] * 2
             + [pltpu.VMEM((_CHUNK,), jnp.float32)] * 4) * 2
            + [pltpu.VMEM((5 * _CHUNK,), jnp.int32)]
            + [pltpu.SemaphoreType.DMA] * 2
        ),
        compiler_params=pltpu.CompilerParams(needs_layout_passes=False),
    )
    return f(neigh, center, cut, cart_t.reshape(-1))


def _sc_scatter_body(coeff_hbm, pack_hbm, out_hbm,
                     c0, c1, c2, c3, a0, a1, a2, a3,
                     bp0, bp1, wb0, wb1, sem0, sem1):
    nc = plsc.get_sparse_core_info().num_cores
    wid = lax.axis_index("s") * nc + lax.axis_index("c")

    q = wid & 7
    p = wid >> 3
    is_dis = q < 2
    col_base = jnp.where(is_dis, 4 * q, 9 + 4 * ((q - 2) % 2))
    wrow = jnp.where(is_dis, 1, 2 + (q - 2) // 2)
    ch_base = jnp.where(is_dis, 4 * q, 8 + 8 * ((q - 2) // 2)
                        + 4 * ((q - 2) % 2))
    g0 = p * _CHUNKS_PER_PART

    cols = (c0, c1, c2, c3)
    accs = (a0, a1, a2, a3)
    bufs = ((bp0, wb0, sem0), (bp1, wb1, sem1))

    def _fire(g, bp, wb, sem):
        pltpu.async_copy(pack_hbm.at[pl.ds(5 * g * _CHUNK, _CHUNK)], bp, sem)
        pltpu.async_copy(pack_hbm.at[pl.ds((5 * g + wrow) * _CHUNK, _CHUNK)],
                         wb, sem)

    def _drain(g, bp, wb, sem):
        pltpu.make_async_copy(
            pack_hbm.at[pl.ds(5 * g * _CHUNK, _CHUNK)], bp, sem).wait()
        pltpu.make_async_copy(
            pack_hbm.at[pl.ds((5 * g + wrow) * _CHUNK, _CHUNK)],
            wb, sem).wait()

    _fire(g0, *bufs[0])
    _fire(g0 + 1, *bufs[1])

    for l in range(4):
        pltpu.sync_copy(coeff_hbm.at[pl.ds((col_base + l) * _N_NODES,
                                           _N_NODES)], cols[l])

    @plsc.parallel_loop(0, _N_NODES // _LANES, unroll=8)
    def _zero(i):
        z = jnp.zeros((_LANES,), jnp.float32)
        for l in range(4):
            accs[l][pl.ds(i * _LANES, _LANES)] = z

    def _chunk_pair(gg, _):
        for b in range(2):
            g = g0 + gg * 2 + b
            bp, wb, sem = bufs[b]
            _drain(g, bp, wb, sem)

            @plsc.parallel_loop(0, _CHUNK // _LANES, unroll=2)
            def _vec(i):
                s = pl.ds(i * _LANES, _LANES)
                v = bp[s]
                ni = v & 0xFFFF
                ci = v >> 16
                w = plsc.bitcast(wb[s], jnp.float32)
                for l in range(4):
                    g16 = plsc.load_gather(cols[l], [ni])
                    plsc.addupdate_scatter(accs[l], [ci], w * g16)

            @pl.when(gg * 2 + b + 2 < _CHUNKS_PER_PART)
            def _():
                _fire(g + 2, bp, wb, sem)
        return 0

    lax.fori_loop(0, _CHUNKS_PER_PART // 2, _chunk_pair, 0)

    for l in range(4):
        pltpu.sync_copy(
            accs[l],
            out_hbm.at[pl.ds((p * 32 + ch_base + l) * _N_NODES, _N_NODES)])


def _sc_scatter(coeff_t, pack):
    mesh = plsc.VectorSubcoreMesh(core_axis_name="c", subcore_axis_name="s")
    f = pl.kernel(
        _sc_scatter_body,
        out_type=jax.ShapeDtypeStruct((_NPARTS * 32 * _N_NODES,),
                                      jnp.float32),
        mesh=mesh,
        scratch_types=(
            [pltpu.VMEM((_N_NODES,), jnp.float32)] * 4
            + [pltpu.VMEM((_N_NODES,), jnp.float32)] * 4
            + [pltpu.VMEM((_CHUNK,), jnp.int32)] * 2
            + [pltpu.VMEM((_CHUNK,), jnp.int32)] * 2
            + [pltpu.SemaphoreType.DMA] * 2
        ),
        compiler_params=pltpu.CompilerParams(needs_layout_passes=False),
    )
    return f(coeff_t.reshape(-1), pack).reshape(_NPARTS, 32, _N_NODES)


def _tc_stage2_body(acc_ref, scale_ref, mp_dis_ref, mp_cart_ref,
                    w1t_ref, b1_ref, w2t_ref, b2_ref, out_ref):
    a4 = acc_ref[...]
    acc = a4[0] + a4[1] + a4[2] + a4[3]
    sd = scale_ref[0:1, :]
    sc = scale_ref[1:2, :]

    md = (acc[0:8, :] + mp_dis_ref[...]) * sd
    h = jnp.dot(w1t_ref[...], md,
                preferred_element_type=jnp.float32) + b1_ref[...]
    h = h * (1.0 / (1.0 + jnp.exp(-h)))
    radial = jnp.dot(w2t_ref[...], h,
                     preferred_element_type=jnp.float32) + b2_ref[...]

    mc = (acc[8:32, :] + mp_cart_ref[...]) * sc
    x = mc[0:8, :]
    y = mc[8:16, :]
    z = mc[16:24, :]
    r2 = x * x + y * y + z * z
    s4 = x * y
    s5 = y * z
    s6 = 3.0 * z * z - r2
    s7 = x * z
    s8 = x * x - y * y
    ang2 = s4 * s4 + s5 * s5 + s6 * s6 + s7 * s7 + s8 * s8

    out_ref[0:8, :] = radial
    out_ref[8:16, :] = radial * r2
    out_ref[16:24, :] = radial * ang2


def _tc_stage2(acc, scale, mp_dis_t, mp_cart_f, w1t, b1c, w2t, b2c):
    return pl.pallas_call(
        _tc_stage2_body,
        out_shape=jax.ShapeDtypeStruct((24, _N_NODES), jnp.float32),
    )(acc, scale, mp_dis_t, mp_cart_f, w1t, b1c, w2t, b2c)


@jax.jit
def kernel(cart, cut_distances, iter_coeff, index_center, index_neigh,
           MP_dis, MP_cart, W1, b1, W2, b2):
    n = iter_coeff.shape[0]
    coeff_t = iter_coeff.T

    pack = _sc_pack(index_neigh, index_center, cut_distances,
                    cart.T)
    acc = _sc_scatter(coeff_t, pack)

    scale = jnp.stack([iter_coeff[:, _NWAVE], iter_coeff[:, -1]], axis=0)
    mp_dis_t = MP_dis.T
    mp_cart_f = MP_cart.reshape(24, n)
    dens = _tc_stage2(acc, scale, mp_dis_t, mp_cart_f,
                      W1.T, b1[:, None], W2.T, b2[:, None])
    return dens.reshape(_MAX_L + 1, _NWAVE, n).transpose(2, 0, 1)

# --- scband reference (transcript-rebuilt; emitter-appended) ---
"""Pipeline reference for scband-get-density-89756226552535 (READ-ONLY COPY).

The authoritative reference and input builder live on the scoring server;
editing this copy changes nothing except your own understanding.
"""

import jax, jax.numpy as jnp
import numpy as np

MAX_L = 2
NWAVE = 8
N_NODES = 10000
N_EDGES = 640000
HIDDEN = 64


def _sph_cal(v):
    # v: [3, nwave, N] cartesian components; real solid harmonics up to l=2
    x, y, z = v[0], v[1], v[2]
    r2 = x * x + y * y + z * z
    return jnp.stack([
        jnp.ones_like(x),          # l=0
        x, y, z,                   # l=1
        x * y, y * z, 3.0 * z * z - r2, x * z, x * x - y * y,  # l=2
    ], axis=0)  # [(MAX_L+1)**2, nwave, N]


def _radial_nn(t, W1, b1, W2, b2):
    h = jax.nn.silu(t @ W1 + b1)
    return h @ W2 + b2


def setup_inputs(seed: int = 0):
    key = jax.random.key(seed)
    ks = jax.random.split(key, 8)
    C = 2 * NWAVE + 2
    cart = jax.random.normal(ks[0], (N_EDGES, 3), dtype=jnp.float32)
    cut_distances = jax.random.uniform(ks[1], (N_EDGES,), dtype=jnp.float32)
    iter_coeff = jax.random.normal(ks[2], (N_NODES, C), dtype=jnp.float32)
    index_center = jax.random.randint(ks[3], (N_EDGES,), 0, N_NODES, dtype=jnp.int32)
    index_neigh = jax.random.randint(ks[4], (N_EDGES,), 0, N_NODES, dtype=jnp.int32)
    MP_dis = jnp.zeros((N_NODES, NWAVE), dtype=jnp.float32)
    MP_cart = jnp.zeros((3, NWAVE, N_NODES), dtype=jnp.float32)
    W1 = jax.random.normal(ks[5], (NWAVE, HIDDEN), dtype=jnp.float32) / np.sqrt(NWAVE)
    b1 = jnp.zeros((HIDDEN,), dtype=jnp.float32)
    W2 = jax.random.normal(ks[6], (HIDDEN, NWAVE), dtype=jnp.float32) / np.sqrt(HIDDEN)
    b2 = jnp.zeros((NWAVE,), dtype=jnp.float32)
    return {"cart": cart, "cut_distances": cut_distances, "iter_coeff": iter_coeff,
            "index_center": index_center, "index_neigh": index_neigh,
            "MP_dis": MP_dis, "MP_cart": MP_cart,
            "W1": W1, "b1": b1, "W2": W2, "b2": b2}


def reference(cart, cut_distances, iter_coeff, index_center, index_neigh, MP_dis, MP_cart, W1, b1, W2, b2):
    nwave = NWAVE
    # gather per-neighbor coefficients
    neigh_coeff = iter_coeff[index_neigh]                          # [E, 2*nwave+2]
    # distance message: einsum('i,ij->ij', cut_distances, neigh_coeff[:, :nwave])
    weight_dis = cut_distances[:, None] * neigh_coeff[:, :nwave]   # [E, nwave]
    # index_add over dim 0 onto centers
    MP_dis = MP_dis.at[index_center].add(weight_dis)               # [N, nwave]
    # per-center scaling by the nwave-th coefficient
    MP_center_dis = MP_dis * iter_coeff[:, nwave][:, None]         # [N, nwave]
    radial_func = _radial_nn(MP_center_dis, W1, b1, W2, b2)        # [N, nwave]
    # cartesian message: einsum('i,ij,ik->jki', ...)
    weight_cart = jnp.einsum('i,ij,ik->jki', cut_distances, cart, neigh_coeff[:, nwave + 1:-1])  # [3, nwave, E]
    # index_add over dim 2 onto centers
    MP_cart = MP_cart.at[:, :, index_center].add(weight_cart)      # [3, nwave, N]
    MP_center_cart = MP_cart * iter_coeff[:, -1][None, None, :]    # [3, nwave, N]
    MP_sph = _sph_cal(MP_center_cart)                              # [9, nwave, N]
    index_l = jnp.asarray([l for l in range(MAX_L + 1) for _ in range(2 * l + 1)])
    angular = jnp.zeros((MAX_L + 1, nwave, iter_coeff.shape[0]), dtype=cart.dtype)
    angular = angular.at[index_l].add(jnp.square(MP_sph))          # [L+1, nwave, N]
    density = jnp.einsum('ij,kji->ikj', radial_func, angular)      # [N, L+1, nwave]
    return density

if __name__ == "__main__":
    import jax
    _d = setup_inputs()
    print(jax.jit(kernel)(*tuple(_d.values())))

</pallas_src>

<mosaic_0001>
#map = affine_map<(d0, d1) -> (0)>
module attributes {stable_mosaic.version = 14 : i64} {
  func.func @_sc_scatter_body(%arg0: i32, %arg1: i32, %arg2: memref<180000xf32, #tpu.memory_space<hbm>>, %arg3: memref<3200000xi32, #tpu.memory_space<hbm>>, %arg4: memref<1280000xf32, #tpu.memory_space<hbm>>, %arg5: memref<10000xf32, #tpu.memory_space<vmem>>, %arg6: memref<10000xf32, #tpu.memory_space<vmem>>, %arg7: memref<10000xf32, #tpu.memory_space<vmem>>, %arg8: memref<10000xf32, #tpu.memory_space<vmem>>, %arg9: memref<10000xf32, #tpu.memory_space<vmem>>, %arg10: memref<10000xf32, #tpu.memory_space<vmem>>, %arg11: memref<10000xf32, #tpu.memory_space<vmem>>, %arg12: memref<10000xf32, #tpu.memory_space<vmem>>, %arg13: memref<4000xi32, #tpu.memory_space<vmem>>, %arg14: memref<4000xi32, #tpu.memory_space<vmem>>, %arg15: memref<4000xi32, #tpu.memory_space<vmem>>, %arg16: memref<4000xi32, #tpu.memory_space<vmem>>, %arg17: memref<!tpu.dma_semaphore, #tpu.memory_space<semaphore_mem>>, %arg18: memref<!tpu.dma_semaphore, #tpu.memory_space<semaphore_mem>>) attributes {dimension_semantics = [#tpu.dimension_semantics<core_parallel>, #tpu.dimension_semantics<subcore_parallel>], iteration_bounds = array<i64: 2, 16>, scalar_prefetch = 0 : i64, scratch_operands = 14 : i64, tpu.core_type = #tpu.core_type<sc_vector_subcore>, window_params = [{transform_indices = #map}, {transform_indices = #map}, {transform_indices = #map}]} {
    %mul3A = arith.constant 2 : i32
    %mul3A_0 = arith.muli %arg1, %mul3A : i32
    %add3A = arith.addi %mul3A_0, %arg0 : i32
    %and3A = arith.constant 7 : i32
    %and3A_1 = arith.andi %add3A, %and3A : i32
    %shift_right_arithmetic3A = arith.constant 3 : i32
    %shift_right_arithmetic3A_2 = arith.shrsi %add3A, %shift_right_arithmetic3A : i32
    %lt3A = arith.constant 2 : i32
    %lt3A_3 = arith.cmpi slt, %and3A_1, %lt3A : i32
    %mul3A_4 = arith.constant 4 : i32
    %mul3A_5 = arith.muli %mul3A_4, %and3A_1 : i32
    %sub3A = arith.constant 2 : i32
    %sub3A_6 = arith.subi %and3A_1, %sub3A : i32
    %jit3A = arith.constant 2 : i32
    %eq3A = arith.constant 0 : i32
    %eq3A_7 = arith.cmpi eq, %jit3A, %eq3A : i32
    %jit3A_8 = arith.constant 1 : i32
    %select_n3A = arith.select %eq3A_7, %jit3A_8, %jit3A : i32
    %rem3A = arith.remsi %sub3A_6, %select_n3A : i32
    %ne3A = arith.constant 0 : i32
    %ne3A_9 = arith.cmpi ne, %rem3A, %ne3A : i32
    %lt3A_10 = arith.constant 0 : i32
    %lt3A_11 = arith.cmpi slt, %rem3A, %lt3A_10 : i32
    %lt3A_12 = arith.constant 0 : i32
    %lt3A_13 = arith.cmpi slt, %select_n3A, %lt3A_12 : i32
    %ne3A_14 = arith.xori %lt3A_11, %lt3A_13 : i1
    %and3A_15 = arith.andi %ne3A_14, %ne3A_9 : i1
    %add3A_16 = arith.addi %rem3A, %select_n3A : i32
    %select_n3A_17 = arith.select %and3A_15, %add3A_16, %rem3A : i32
    %mul3A_18 = arith.constant 4 : i32
    %mul3A_19 = arith.muli %mul3A_18, %select_n3A_17 : i32
    %add3A_20 = arith.constant 9 : i32
    %add3A_21 = arith.addi %add3A_20, %mul3A_19 : i32
    %select_n3A_22 = arith.select %lt3A_3, %mul3A_5, %add3A_21 : i32
    %sub3A_23 = arith.constant 2 : i32
    %sub3A_24 = arith.subi %and3A_1, %sub3A_23 : i32
    %jit3A_25 = arith.constant 2 : i32
    %div3A = arith.divsi %sub3A_24, %jit3A_25 : i32
    %sign3A = arith.constant 0 : i32
    %sign3A_26 = arith.cmpi sgt, %sub3A_24, %sign3A : i32
    %sign3A_27 = arith.extui %sign3A_26 : i1 to i32
    %sign3A_28 = arith.constant 0 : i32
    %sign3A_29 = arith.cmpi slt, %sub3A_24, %sign3A_28 : i32
    %sign3A_30 = arith.extui %sign3A_29 : i1 to i32
    %sign3A_31 = arith.subi %sign3A_27, %sign3A_30 : i32
    %sign3A_32 = arith.constant 0 : i32
    %sign3A_33 = arith.cmpi sgt, %jit3A_25, %sign3A_32 : i32
    %sign3A_34 = arith.extui %sign3A_33 : i1 to i32
    %sign3A_35 = arith.constant 0 : i32
    %sign3A_36 = arith.cmpi slt, %jit3A_25, %sign3A_35 : i32
    %sign3A_37 = arith.extui %sign3A_36 : i1 to i32
    %sign3A_38 = arith.subi %sign3A_34, %sign3A_37 : i32
    %ne3A_39 = arith.cmpi ne, %sign3A_31, %sign3A_38 : i32
    %rem3A_40 = arith.remsi %sub3A_24, %jit3A_25 : i32
    %ne3A_41 = arith.constant 0 : i32
    %ne3A_42 = arith.cmpi ne, %rem3A_40, %ne3A_41 : i32
    %and3A_43 = arith.andi %ne3A_39, %ne3A_42 : i1
    %sub3A_44 = arith.constant 1 : i32
    %sub3A_45 = arith.subi %div3A, %sub3A_44 : i32
    %select_n3A_46 = arith.select %and3A_43, %sub3A_45, %div3A : i32
    %add3A_47 = arith.constant 2 : i32
    %add3A_48 = arith.addi %add3A_47, %select_n3A_46 : i32
    %jit3A_49 = arith.constant 1 : i32
    %select_n3A_50 = arith.select %lt3A_3, %jit3A_49, %add3A_48 : i32
    %mul3A_51 = arith.constant 4 : i32
    %mul3A_52 = arith.muli %mul3A_51, %and3A_1 : i32
    %sub3A_53 = arith.constant 2 : i32
    %sub3A_54 = arith.subi %and3A_1, %sub3A_53 : i32
    %jit3A_55 = arith.constant 2 : i32
    %div3A_56 = arith.divsi %sub3A_54, %jit3A_55 : i32
    %sign3A_57 = arith.constant 0 : i32
    %sign3A_58 = arith.cmpi sgt, %sub3A_54, %sign3A_57 : i32
    %sign3A_59 = arith.extui %sign3A_58 : i1 to i32
    %sign3A_60 = arith.constant 0 : i32
    %sign3A_61 = arith.cmpi slt, %sub3A_54, %sign3A_60 : i32
    %sign3A_62 = arith.extui %sign3A_61 : i1 to i32
    %sign3A_63 = arith.subi %sign3A_59, %sign3A_62 : i32
    %sign3A_64 = arith.constant 0 : i32
    %sign3A_65 = arith.cmpi sgt, %jit3A_55, %sign3A_64 : i32
    %sign3A_66 = arith.extui %sign3A_65 : i1 to i32
    %sign3A_67 = arith.constant 0 : i32
    %sign3A_68 = arith.cmpi slt, %jit3A_55, %sign3A_67 : i32
    %sign3A_69 = arith.extui %sign3A_68 : i1 to i32
    %sign3A_70 = arith.subi %sign3A_66, %sign3A_69 : i32
    %ne3A_71 = arith.cmpi ne, %sign3A_63, %sign3A_70 : i32
    %rem3A_72 = arith.remsi %sub3A_54, %jit3A_55 : i32
    %ne3A_73 = arith.constant 0 : i32
    %ne3A_74 = arith.cmpi ne, %rem3A_72, %ne3A_73 : i32
    %and3A_75 = arith.andi %ne3A_71, %ne3A_74 : i1
    %sub3A_76 = arith.constant 1 : i32
    %sub3A_77 = arith.subi %div3A_56, %sub3A_76 : i32
    %select_n3A_78 = arith.select %and3A_75, %sub3A_77, %div3A_56 : i32
    %mul3A_79 = arith.constant 8 : i32
    %mul3A_80 = arith.muli %mul3A_79, %select_n3A_78 : i32
    %add3A_81 = arith.constant 8 : i32
    %add3A_82 = arith.addi %add3A_81, %mul3A_80 : i32
    %sub3A_83 = arith.constant 2 : i32
    %sub3A_84 = arith.subi %and3A_1, %sub3A_83 : i32
    %jit3A_85 = arith.constant 2 : i32
    %eq3A_86 = arith.constant 0 : i32
    %eq3A_87 = arith.cmpi eq, %jit3A_85, %eq3A_86 : i32
    %jit3A_88 = arith.constant 1 : i32
    %select_n3A_89 = arith.select %eq3A_87, %jit3A_88, %jit3A_85 : i32
    %rem3A_90 = arith.remsi %sub3A_84, %select_n3A_89 : i32
    %ne3A_91 = arith.constant 0 : i32
    %ne3A_92 = arith.cmpi ne, %rem3A_90, %ne3A_91 : i32
    %lt3A_93 = arith.constant 0 : i32
    %lt3A_94 = arith.cmpi slt, %rem3A_90, %lt3A_93 : i32
    %lt3A_95 = arith.constant 0 : i32
    %lt3A_96 = arith.cmpi slt, %select_n3A_89, %lt3A_95 : i32
    %ne3A_97 = arith.xori %lt3A_94, %lt3A_96 : i1
    %and3A_98 = arith.andi %ne3A_97, %ne3A_92 : i1
    %add3A_99 = arith.addi %rem3A_90, %select_n3A_89 : i32
    %select_n3A_100 = arith.select %and3A_98, %add3A_99, %rem3A_90 : i32
    %mul3A_101 = arith.constant 4 : i32
    %mul3A_102 = arith.muli %mul3A_101, %select_n3A_100 : i32
    %add3A_103 = arith.addi %add3A_82, %mul3A_102 : i32
    %select_n3A_104 = arith.select %lt3A_3, %mul3A_52, %add3A_103 : i32
    %mul3A_105 = arith.constant 40 : i32
    %mul3A_106 = arith.muli %shift_right_arithmetic3A_2, %mul3A_105 : i32
    %mul3A_107 = arith.constant 5 : i32
    %mul3A_108 = arith.muli %mul3A_107, %mul3A_106 : i32
    %mul3A_109 = arith.constant 4000 : i32
    %mul3A_110 = arith.muli %mul3A_108, %mul3A_109 : i32
    %dma_start3A = tpu.memref_slice %arg3[%mul3A_110] : memref<3200000xi32, #tpu.memory_space<hbm>> -> memref<4000xi32, #tpu.memory_space<hbm>>
    %dma_start3A_111 = tpu.memref_slice %arg3[%mul3A_110] : memref<3200000xi32, #tpu.memory_space<hbm>> -> memref<4000xi32, #tpu.memory_space<hbm>>
    tpu.enqueue_dma source(%dma_start3A_111 : memref<4000xi32, #tpu.memory_space<hbm>>) target(%arg13 : memref<4000xi32, #tpu.memory_space<vmem>>) target_semaphore(%arg17 : memref<!tpu.dma_semaphore, #tpu.memory_space<semaphore_mem>>)
    %mul3A_112 = arith.constant 5 : i32
    %mul3A_113 = arith.muli %mul3A_112, %mul3A_106 : i32
    %add3A_114 = arith.addi %mul3A_113, %select_n3A_50 : i32
    %mul3A_115 = arith.constant 4000 : i32
    %mul3A_116 = arith.muli %add3A_114, %mul3A_115 : i32
    %dma_start3A_117 = tpu.memref_slice %arg3[%mul3A_116] : memref<3200000xi32, #tpu.memory_space<hbm>> -> memref<4000xi32, #tpu.memory_space<hbm>>
    %dma_start3A_118 = tpu.memref_slice %arg3[%mul3A_116] : memref<3200000xi32, #tpu.memory_space<hbm>> -> memref<4000xi32, #tpu.memory_space<hbm>>
    tpu.enqueue_dma source(%dma_start3A_118 : memref<4000xi32, #tpu.memory_space<hbm>>) target(%arg15 : memref<4000xi32, #tpu.memory_space<vmem>>) target_semaphore(%arg17 : memref<!tpu.dma_semaphore, #tpu.memory_space<semaphore_mem>>)
    %add3A_119 = arith.constant 1 : i32
    %add3A_120 = arith.addi %mul3A_106, %add3A_119 : i32
    %mul3A_121 = arith.constant 5 : i32
    %mul3A_122 = arith.muli %mul3A_121, %add3A_120 : i32
    %mul3A_123 = arith.constant 4000 : i32
    %mul3A_124 = arith.muli %mul3A_122, %mul3A_123 : i32
    %dma_start3A_125 = tpu.memref_slice %arg3[%mul3A_124] : memref<3200000xi32, #tpu.memory_space<hbm>> -> memref<4000xi32, #tpu.memory_space<hbm>>
    %dma_start3A_126 = tpu.memref_slice %arg3[%mul3A_124] : memref<3200000xi32, #tpu.memory_space<hbm>> -> memref<4000xi32, #tpu.memory_space<hbm>>
    tpu.enqueue_dma source(%dma_start3A_126 : memref<4000xi32, #tpu.memory_space<hbm>>) target(%arg14 : memref<4000xi32, #tpu.memory_space<vmem>>) target_semaphore(%arg18 : memref<!tpu.dma_semaphore, #tpu.memory_space<semaphore_mem>>)
    %mul3A_127 = arith.constant 5 : i32
    %mul3A_128 = arith.muli %mul3A_127, %add3A_120 : i32
    %add3A_129 = arith.addi %mul3A_128, %select_n3A_50 : i32
    %mul3A_130 = arith.constant 4000 : i32
    %mul3A_131 = arith.muli %add3A_129, %mul3A_130 : i32
    %dma_start3A_132 = tpu.memref_slice %arg3[%mul3A_131] : memref<3200000xi32, #tpu.memory_space<hbm>> -> memref<4000xi32, #tpu.memory_space<hbm>>
    %dma_start3A_133 = tpu.memref_slice %arg3[%mul3A_131] : memref<3200000xi32, #tpu.memory_space<hbm>> -> memref<4000xi32, #tpu.memory_space<hbm>>
    tpu.enqueue_dma source(%dma_start3A_133 : memref<4000xi32, #tpu.memory_space<hbm>>) target(%arg16 : memref<4000xi32, #tpu.memory_space<vmem>>) target_semaphore(%arg18 : memref<!tpu.dma_semaphore, #tpu.memory_space<semaphore_mem>>)
    %add3A_134 = arith.constant 0 : i32
    %add3A_135 = arith.addi %select_n3A_22, %add3A_134 : i32
    %mul3A_136 = arith.constant 10000 : i32
    %mul3A_137 = arith.muli %add3A_135, %mul3A_136 : i32
    "tpu.region"() ({
      %run_scoped3A = tpu.sem_alloc : memref<!tpu.dma_semaphore, #tpu.memory_space<semaphore_mem>>
      %dma_start3A_186 = tpu.memref_slice %arg2[%mul3A_137] : memref<180000xf32, #tpu.memory_space<hbm>> -> memref<10000xf32, #tpu.memory_space<hbm>>
      %dma_start3A_187 = tpu.memref_slice %arg2[%mul3A_137] : memref<180000xf32, #tpu.memory_space<hbm>> -> memref<10000xf32, #tpu.memory_space<hbm>>
      tpu.enqueue_dma source(%dma_start3A_187 : memref<10000xf32, #tpu.memory_space<hbm>>) target(%arg5 : memref<10000xf32, #tpu.memory_space<vmem>>) target_semaphore(%run_scoped3A : memref<!tpu.dma_semaphore, #tpu.memory_space<semaphore_mem>>)
      %dma_wait3A = tpu.memref_slice %arg2[%mul3A_137] : memref<180000xf32, #tpu.memory_space<hbm>> -> memref<10000xf32, #tpu.memory_space<hbm>>
      %dma_wait3A_188 = tpu.memref_slice %arg2[%mul3A_137] : memref<180000xf32, #tpu.memory_space<hbm>> -> memref<10000xf32, #tpu.memory_space<hbm>>
      tpu.wait_dma2 semaphore(%run_scoped3A : memref<!tpu.dma_semaphore, #tpu.memory_space<semaphore_mem>>) src(%dma_wait3A_188 : memref<10000xf32, #tpu.memory_space<hbm>>) dst(%arg5 : memref<10000xf32, #tpu.memory_space<vmem>>)
      tpu.yield
    }) : () -> ()
    %add3A_138 = arith.constant 1 : i32
    %add3A_139 = arith.addi %select_n3A_22, %add3A_138 : i32
    %mul3A_140 = arith.constant 10000 : i32
    %mul3A_141 = arith.muli %add3A_139, %mul3A_140 : i32
    "tpu.region"() ({
      %run_scoped3A = tpu.sem_alloc : memref<!tpu.dma_semaphore, #tpu.memory_space<semaphore_mem>>
      %dma_start3A_186 = tpu.memref_slice %arg2[%mul3A_141] : memref<180000xf32, #tpu.memory_space<hbm>> -> memref<10000xf32, #tpu.memory_space<hbm>>
      %dma_start3A_187 = tpu.memref_slice %arg2[%mul3A_141] : memref<180000xf32, #tpu.memory_space<hbm>> -> memref<10000xf32, #tpu.memory_space<hbm>>
      tpu.enqueue_dma source(%dma_start3A_187 : memref<10000xf32, #tpu.memory_space<hbm>>) target(%arg6 : memref<10000xf32, #tpu.memory_space<vmem>>) target_semaphore(%run_scoped3A : memref<!tpu.dma_semaphore, #tpu.memory_space<semaphore_mem>>)
      %dma_wait3A = tpu.memref_slice %arg2[%mul3A_141] : memref<180000xf32, #tpu.memory_space<hbm>> -> memref<10000xf32, #tpu.memory_space<hbm>>
      %dma_wait3A_188 = tpu.memref_slice %arg2[%mul3A_141] : memref<180000xf32, #tpu.memory_space<hbm>> -> memref<10000xf32, #tpu.memory_space<hbm>>
      tpu.wait_dma2 semaphore(%run_scoped3A : memref<!tpu.dma_semaphore, #tpu.memory_space<semaphore_mem>>) src(%dma_wait3A_188 : memref<10000xf32, #tpu.memory_space<hbm>>) dst(%arg6 : memref<10000xf32, #tpu.memory_space<vmem>>)
      tpu.yield
    }) : () -> ()
    %add3A_142 = arith.constant 2 : i32
    %add3A_143 = arith.addi %select_n3A_22, %add3A_142 : i32
    %mul3A_144 = arith.constant 10000 : i32
    %mul3A_145 = arith.muli %add3A_143, %mul3A_144 : i32
    "tpu.region"() ({
      %run_scoped3A = tpu.sem_alloc : memref<!tpu.dma_semaphore, #tpu.memory_space<semaphore_mem>>
      %dma_start3A_186 = tpu.memref_slice %arg2[%mul3A_145] : memref<180000xf32, #tpu.memory_space<hbm>> -> memref<10000xf32, #tpu.memory_space<hbm>>
      %dma_start3A_187 = tpu.memref_slice %arg2[%mul3A_145] : memref<180000xf32, #tpu.memory_space<hbm>> -> memref<10000xf32, #tpu.memory_space<hbm>>
      tpu.enqueue_dma source(%dma_start3A_187 : memref<10000xf32, #tpu.memory_space<hbm>>) target(%arg7 : memref<10000xf32, #tpu.memory_space<vmem>>) target_semaphore(%run_scoped3A : memref<!tpu.dma_semaphore, #tpu.memory_space<semaphore_mem>>)
      %dma_wait3A = tpu.memref_slice %arg2[%mul3A_145] : memref<180000xf32, #tpu.memory_space<hbm>> -> memref<10000xf32, #tpu.memory_space<hbm>>
      %dma_wait3A_188 = tpu.memref_slice %arg2[%mul3A_145] : memref<180000xf32, #tpu.memory_space<hbm>> -> memref<10000xf32, #tpu.memory_space<hbm>>
      tpu.wait_dma2 semaphore(%run_scoped3A : memref<!tpu.dma_semaphore, #tpu.memory_space<semaphore_mem>>) src(%dma_wait3A_188 : memref<10000xf32, #tpu.memory_space<hbm>>) dst(%arg7 : memref<10000xf32, #tpu.memory_space<vmem>>)
      tpu.yield
    }) : () -> ()
    %add3A_146 = arith.constant 3 : i32
    %add3A_147 = arith.addi %select_n3A_22, %add3A_146 : i32
    %mul3A_148 = arith.constant 10000 : i32
    %mul3A_149 = arith.muli %add3A_147, %mul3A_148 : i32
    "tpu.region"() ({
      %run_scoped3A = tpu.sem_alloc : memref<!tpu.dma_semaphore, #tpu.memory_space<semaphore_mem>>
      %dma_start3A_186 = tpu.memref_slice %arg2[%mul3A_149] : memref<180000xf32, #tpu.memory_space<hbm>> -> memref<10000xf32, #tpu.memory_space<hbm>>
      %dma_start3A_187 = tpu.memref_slice %arg2[%mul3A_149] : memref<180000xf32, #tpu.memory_space<hbm>> -> memref<10000xf32, #tpu.memory_space<hbm>>
      tpu.enqueue_dma source(%dma_start3A_187 : memref<10000xf32, #tpu.memory_space<hbm>>) target(%arg8 : memref<10000xf32, #tpu.memory_space<vmem>>) target_semaphore(%run_scoped3A : memref<!tpu.dma_semaphore, #tpu.memory_space<semaphore_mem>>)
      %dma_wait3A = tpu.memref_slice %arg2[%mul3A_149] : memref<180000xf32, #tpu.memory_space<hbm>> -> memref<10000xf32, #tpu.memory_space<hbm>>
      %dma_wait3A_188 = tpu.memref_slice %arg2[%mul3A_149] : memref<180000xf32, #tpu.memory_space<hbm>> -> memref<10000xf32, #tpu.memory_space<hbm>>
      tpu.wait_dma2 semaphore(%run_scoped3A : memref<!tpu.dma_semaphore, #tpu.memory_space<semaphore_mem>>) src(%dma_wait3A_188 : memref<10000xf32, #tpu.memory_space<hbm>>) dst(%arg8 : memref<10000xf32, #tpu.memory_space<vmem>>)
      tpu.yield
    }) : () -> ()
    %parallel_loop3A = arith.constant 0 : i32
    %parallel_loop3A_150 = arith.constant 625 : i32
    %parallel_loop3A_151 = arith.constant 1 : i32
    scf.for %parallel_loop3A_186 = %parallel_loop3A to %parallel_loop3A_150 step %parallel_loop3A_151  : i32 {
      %parallel_loop3A_187 = arith.constant 0.000000e+00 : f32
      %parallel_loop3A_188 = vector.broadcast %parallel_loop3A_187 : f32 to vector<16xf32>
      %parallel_loop3A_189 = arith.constant 16 : i32
      %parallel_loop3A_190 = arith.muli %parallel_loop3A_186, %parallel_loop3A_189 : i32
      %parallel_loop3A_191 = arith.index_cast %parallel_loop3A_190 : i32 to index
      %parallel_loop3A_192 = tpu.vector_load %arg9[%parallel_loop3A_191] {strides = array<i32>} : memref<10000xf32, #tpu.memory_space<vmem>>, vector<16xf32>,
      tpu.vector_store %arg9[%parallel_loop3A_191], %parallel_loop3A_188 {strides = array<i32>} : memref<10000xf32, #tpu.memory_space<vmem>>, vector<16xf32>,
      %parallel_loop3A_193 = arith.constant 16 : i32
      %parallel_loop3A_194 = arith.muli %parallel_loop3A_186, %parallel_loop3A_193 : i32
      %parallel_loop3A_195 = arith.index_cast %parallel_loop3A_194 : i32 to index
      %parallel_loop3A_196 = tpu.vector_load %arg10[%parallel_loop3A_195] {strides = array<i32>} : memref<10000xf32, #tpu.memory_space<vmem>>, vector<16xf32>,
      tpu.vector_store %arg10[%parallel_loop3A_195], %parallel_loop3A_188 {strides = array<i32>} : memref<10000xf32, #tpu.memory_space<vmem>>, vector<16xf32>,
      %parallel_loop3A_197 = arith.constant 16 : i32
      %parallel_loop3A_198 = arith.muli %parallel_loop3A_186, %parallel_loop3A_197 : i32
      %parallel_loop3A_199 = arith.index_cast %parallel_loop3A_198 : i32 to index
      %parallel_loop3A_200 = tpu.vector_load %arg11[%parallel_loop3A_199] {strides = array<i32>} : memref<10000xf32, #tpu.memory_space<vmem>>, vector<16xf32>,
      tpu.vector_store %arg11[%parallel_loop3A_199], %parallel_loop3A_188 {strides = array<i32>} : memref<10000xf32, #tpu.memory_space<vmem>>, vector<16xf32>,
      %parallel_loop3A_201 = arith.constant 16 : i32
      %parallel_loop3A_202 = arith.muli %parallel_loop3A_186, %parallel_loop3A_201 : i32
      %parallel_loop3A_203 = arith.index_cast %parallel_loop3A_202 : i32 to index
      %parallel_loop3A_204 = tpu.vector_load %arg12[%parallel_loop3A_203] {strides = array<i32>} : memref<10000xf32, #tpu.memory_space<vmem>>, vector<16xf32>,
      tpu.vector_store %arg12[%parallel_loop3A_203], %parallel_loop3A_188 {strides = array<i32>} : memref<10000xf32, #tpu.memory_space<vmem>>, vector<16xf32>,
    } {sc.loop_unroll_factor = 8 : i64, sc.parallel_access}
    %scan3A = arith.constant 0 : i32
    %scan3A_152 = arith.constant 0 : i32
    %scan3A_153 = arith.constant 20 : i32
    %scan3A_154 = arith.addi %scan3A_152, %scan3A_153 : i32
    %scan3A_155 = arith.constant 1 : i32
    %scan3A_156 = scf.for %scan3A_186 = %scan3A_152 to %scan3A_154 step %scan3A_155 iter_args(%scan3A_187 = %scan3A) -> (i32)  : i32 {
      %mul3A_188 = arith.constant 2 : i32
      %mul3A_189 = arith.muli %scan3A_186, %mul3A_188 : i32
      %add3A_190 = arith.addi %mul3A_106, %mul3A_189 : i32
      %add3A_191 = arith.constant 0 : i32
      %add3A_192 = arith.addi %add3A_190, %add3A_191 : i32
      %mul3A_193 = arith.constant 5 : i32
      %mul3A_194 = arith.muli %mul3A_193, %add3A_192 : i32
      %mul3A_195 = arith.constant 4000 : i32
      %mul3A_196 = arith.muli %mul3A_194, %mul3A_195 : i32
      %dma_wait3A = tpu.memref_slice %arg3[%mul3A_196] : memref<3200000xi32, #tpu.memory_space<hbm>> -> memref<4000xi32, #tpu.memory_space<hbm>>
      %dma_wait3A_197 = tpu.memref_slice %arg3[%mul3A_196] : memref<3200000xi32, #tpu.memory_space<hbm>> -> memref<4000xi32, #tpu.memory_space<hbm>>
      tpu.wait_dma2 semaphore(%arg17 : memref<!tpu.dma_semaphore, #tpu.memory_space<semaphore_mem>>) src(%dma_wait3A_197 : memref<4000xi32, #tpu.memory_space<hbm>>) dst(%arg13 : memref<4000xi32, #tpu.memory_space<vmem>>)
      %mul3A_198 = arith.constant 5 : i32
      %mul3A_199 = arith.muli %mul3A_198, %add3A_192 : i32
      %add3A_200 = arith.addi %mul3A_199, %select_n3A_50 : i32
      %mul3A_201 = arith.constant 4000 : i32
      %mul3A_202 = arith.muli %add3A_200, %mul3A_201 : i32
      %dma_wait3A_203 = tpu.memref_slice %arg3[%mul3A_202] : memref<3200000xi32, #tpu.memory_space<hbm>> -> memref<4000xi32, #tpu.memory_space<hbm>>
      %dma_wait3A_204 = tpu.memref_slice %arg3[%mul3A_202] : memref<3200000xi32, #tpu.memory_space<hbm>> -> memref<4000xi32, #tpu.memory_space<hbm>>
      tpu.wait_dma2 semaphore(%arg17 : memref<!tpu.dma_semaphore, #tpu.memory_space<semaphore_mem>>) src(%dma_wait3A_204 : memref<4000xi32, #tpu.memory_space<hbm>>) dst(%arg15 : memref<4000xi32, #tpu.memory_space<vmem>>)
      %parallel_loop3A_205 = arith.constant 0 : i32
      %parallel_loop3A_206 = arith.constant 250 : i32
      %parallel_loop3A_207 = arith.constant 1 : i32
      scf.for %parallel_loop3A_250 = %parallel_loop3A_205 to %parallel_loop3A_206 step %parallel_loop3A_207  : i32 {
        %parallel_loop3A_251 = arith.constant 16 : i32
        %parallel_loop3A_252 = arith.muli %parallel_loop3A_250, %parallel_loop3A_251 : i32
        %parallel_loop3A_253 = arith.index_cast %parallel_loop3A_252 : i32 to index
        %parallel_loop3A_254 = tpu.vector_load %arg13[%parallel_loop3A_253] {strides = array<i32>} : memref<4000xi32, #tpu.memory_space<vmem>>, vector<16xi32>,
        %parallel_loop3A_255 = arith.constant 65535 : i32
        %parallel_loop3A_256 = vector.broadcast %parallel_loop3A_255 : i32 to vector<16xi32>
        %parallel_loop3A_257 = arith.andi %parallel_loop3A_254, %parallel_loop3A_256 : vector<16xi32>
        %parallel_loop3A_258 = arith.constant 16 : i32
        %parallel_loop3A_259 = vector.broadcast %parallel_loop3A_258 : i32 to vector<16xi32>
        %parallel_loop3A_260 = arith.shrsi %parallel_loop3A_254, %parallel_loop3A_259 : vector<16xi32>
        %parallel_loop3A_261 = arith.index_cast %parallel_loop3A_252 : i32 to index
        %parallel_loop3A_262 = tpu.vector_load %arg15[%parallel_loop3A_261] {strides = array<i32>} : memref<4000xi32, #tpu.memory_space<vmem>>, vector<16xi32>,
        %parallel_loop3A_263 = vector.bitcast %parallel_loop3A_262 : vector<16xi32> to vector<16xf32>
        %parallel_loop3A_264 = tpu.vector_load_idx %arg5[%parallel_loop3A_257] : memref<10000xf32, #tpu.memory_space<vmem>>[vector<16xi32>], vector<16xf32>,
        %parallel_loop3A_265 = arith.mulf %parallel_loop3A_263, %parallel_loop3A_264 : vector<16xf32>
        tpu.vector_store_idx %arg9[%parallel_loop3A_260], %parallel_loop3A_265 {add = true} : memref<10000xf32, #tpu.memory_space<vmem>>[vector<16xi32>], vector<16xf32>,
        %parallel_loop3A_266 = tpu.vector_load_idx %arg6[%parallel_loop3A_257] : memref<10000xf32, #tpu.memory_space<vmem>>[vector<16xi32>], vector<16xf32>,
        %parallel_loop3A_267 = arith.mulf %parallel_loop3A_263, %parallel_loop3A_266 : vector<16xf32>
        tpu.vector_store_idx %arg10[%parallel_loop3A_260], %parallel_loop3A_267 {add = true} : memref<10000xf32, #tpu.memory_space<vmem>>[vector<16xi32>], vector<16xf32>,
        %parallel_loop3A_268 = tpu.vector_load_idx %arg7[%parallel_loop3A_257] : memref<10000xf32, #tpu.memory_space<vmem>>[vector<16xi32>], vector<16xf32>,
        %parallel_loop3A_269 = arith.mulf %parallel_loop3A_263, %parallel_loop3A_268 : vector<16xf32>
        tpu.vector_store_idx %arg11[%parallel_loop3A_260], %parallel_loop3A_269 {add = true} : memref<10000xf32, #tpu.memory_space<vmem>>[vector<16xi32>], vector<16xf32>,
        %parallel_loop3A_270 = tpu.vector_load_idx %arg8[%parallel_loop3A_257] : memref<10000xf32, #tpu.memory_space<vmem>>[vector<16xi32>], vector<16xf32>,
        %parallel_loop3A_271 = arith.mulf %parallel_loop3A_263, %parallel_loop3A_270 : vector<16xf32>
        tpu.vector_store_idx %arg12[%parallel_loop3A_260], %parallel_loop3A_271 {add = true} : memref<10000xf32, #tpu.memory_space<vmem>>[vector<16xi32>], vector<16xf32>,
      } {sc.loop_unroll_factor = 2 : i64, sc.parallel_access}
      %mul3A_208 = arith.constant 2 : i32
      %mul3A_209 = arith.muli %scan3A_186, %mul3A_208 : i32
      %add3A_210 = arith.constant 0 : i32
      %add3A_211 = arith.addi %mul3A_209, %add3A_210 : i32
      %add3A_212 = arith.constant 2 : i32
      %add3A_213 = arith.addi %add3A_211, %add3A_212 : i32
      %lt3A_214 = arith.constant 40 : i32
      %lt3A_215 = arith.cmpi slt, %add3A_213, %lt3A_214 : i32
      %convert_element_type3A = arith.extui %lt3A_215 : i1 to i32
      %cond3A = arith.constant 0 : i32
      %cond3A_216 = arith.cmpi ne, %convert_element_type3A, %cond3A : i32
      scf.if %cond3A_216 {
        %add3A_250 = arith.constant 2 : i32
        %add3A_251 = arith.addi %add3A_192, %add3A_250 : i32
        %mul3A_252 = arith.constant 5 : i32
        %mul3A_253 = arith.muli %mul3A_252, %add3A_251 : i32
        %mul3A_254 = arith.constant 4000 : i32
        %mul3A_255 = arith.muli %mul3A_253, %mul3A_254 : i32
        %dma_start3A_256 = tpu.memref_slice %arg3[%mul3A_255] : memref<3200000xi32, #tpu.memory_space<hbm>> -> memref<4000xi32, #tpu.memory_space<hbm>>
        %dma_start3A_257 = tpu.memref_slice %arg3[%mul3A_255] : memref<3200000xi32, #tpu.memory_space<hbm>> -> memref<4000xi32, #tpu.memory_space<hbm>>
        tpu.enqueue_dma source(%dma_start3A_257 : memref<4000xi32, #tpu.memory_space<hbm>>) target(%arg13 : memref<4000xi32, #tpu.memory_space<vmem>>) target_semaphore(%arg17 : memref<!tpu.dma_semaphore, #tpu.memory_space<semaphore_mem>>)
        %mul3A_258 = arith.constant 5 : i32
        %mul3A_259 = arith.muli %mul3A_258, %add3A_251 : i32
        %add3A_260 = arith.addi %mul3A_259, %select_n3A_50 : i32
        %mul3A_261 = arith.constant 4000 : i32
        %mul3A_262 = arith.muli %add3A_260, %mul3A_261 : i32
        %dma_start3A_263 = tpu.memref_slice %arg3[%mul3A_262] : memref<3200000xi32, #tpu.memory_space<hbm>> -> memref<4000xi32, #tpu.memory_space<hbm>>
        %dma_start3A_264 = tpu.memref_slice %arg3[%mul3A_262] : memref<3200000xi32, #tpu.memory_space<hbm>> -> memref<4000xi32, #tpu.memory_space<hbm>>
        tpu.enqueue_dma source(%dma_start3A_264 : memref<4000xi32, #tpu.memory_space<hbm>>) target(%arg15 : memref<4000xi32, #tpu.memory_space<vmem>>) target_semaphore(%arg17 : memref<!tpu.dma_semaphore, #tpu.memory_space<semaphore_mem>>)
      } else {
      }
      %mul3A_217 = arith.constant 2 : i32
      %mul3A_218 = arith.muli %scan3A_186, %mul3A_217 : i32
      %add3A_219 = arith.addi %mul3A_106, %mul3A_218 : i32
      %add3A_220 = arith.constant 1 : i32
      %add3A_221 = arith.addi %add3A_219, %add3A_220 : i32
      %mul3A_222 = arith.constant 5 : i32
      %mul3A_223 = arith.muli %mul3A_222, %add3A_221 : i32
      %mul3A_224 = arith.constant 4000 : i32
      %mul3A_225 = arith.muli %mul3A_223, %mul3A_224 : i32
      %dma_wait3A_226 = tpu.memref_slice %arg3[%mul3A_225] : memref<3200000xi32, #tpu.memory_space<hbm>> -> memref<4000xi32, #tpu.memory_space<hbm>>
      %dma_wait3A_227 = tpu.memref_slice %arg3[%mul3A_225] : memref<3200000xi32, #tpu.memory_space<hbm>> -> memref<4000xi32, #tpu.memory_space<hbm>>
      tpu.wait_dma2 semaphore(%arg18 : memref<!tpu.dma_semaphore, #tpu.memory_space<semaphore_mem>>) src(%dma_wait3A_227 : memref<4000xi32, #tpu.memory_space<hbm>>) dst(%arg14 : memref<4000xi32, #tpu.memory_space<vmem>>)
      %mul3A_228 = arith.constant 5 : i32
      %mul3A_229 = arith.muli %mul3A_228, %add3A_221 : i32
      %add3A_230 = arith.addi %mul3A_229, %select_n3A_50 : i32
      %mul3A_231 = arith.constant 4000 : i32
      %mul3A_232 = arith.muli %add3A_230, %mul3A_231 : i32
      %dma_wait3A_233 = tpu.memref_slice %arg3[%mul3A_232] : memref<3200000xi32, #tpu.memory_space<hbm>> -> memref<4000xi32, #tpu.memory_space<hbm>>
      %dma_wait3A_234 = tpu.memref_slice %arg3[%mul3A_232] : memref<3200000xi32, #tpu.memory_space<hbm>> -> memref<4000xi32, #tpu.memory_space<hbm>>
      tpu.wait_dma2 semaphore(%arg18 : memref<!tpu.dma_semaphore, #tpu.memory_space<semaphore_mem>>) src(%dma_wait3A_234 : memref<4000xi32, #tpu.memory_space<hbm>>) dst(%arg16 : memref<4000xi32, #tpu.memory_space<vmem>>)
      %parallel_loop3A_235 = arith.constant 0 : i32
      %parallel_loop3A_236 = arith.constant 250 : i32
      %parallel_loop3A_237 = arith.constant 1 : i32
      scf.for %parallel_loop3A_250 = %parallel_loop3A_235 to %parallel_loop3A_236 step %parallel_loop3A_237  : i32 {
        %parallel_loop3A_251 = arith.constant 16 : i32
        %parallel_loop3A_252 = arith.muli %parallel_loop3A_250, %parallel_loop3A_251 : i32
        %parallel_loop3A_253 = arith.index_cast %parallel_loop3A_252 : i32 to index
        %parallel_loop3A_254 = tpu.vector_load %arg14[%parallel_loop3A_253] {strides = array<i32>} : memref<4000xi32, #tpu.memory_space<vmem>>, vector<16xi32>,
        %parallel_loop3A_255 = arith.constant 65535 : i32
        %parallel_loop3A_256 = vector.broadcast %parallel_loop3A_255 : i32 to vector<16xi32>
        %parallel_loop3A_257 = arith.andi %parallel_loop3A_254, %parallel_loop3A_256 : vector<16xi32>
        %parallel_loop3A_258 = arith.constant 16 : i32
        %parallel_loop3A_259 = vector.broadcast %parallel_loop3A_258 : i32 to vector<16xi32>
        %parallel_loop3A_260 = arith.shrsi %parallel_loop3A_254, %parallel_loop3A_259 : vector<16xi32>
        %parallel_loop3A_261 = arith.index_cast %parallel_loop3A_252 : i32 to index
        %parallel_loop3A_262 = tpu.vector_load %arg16[%parallel_loop3A_261] {strides = array<i32>} : memref<4000xi32, #tpu.memory_space<vmem>>, vector<16xi32>,
        %parallel_loop3A_263 = vector.bitcast %parallel_loop3A_262 : vector<16xi32> to vector<16xf32>
        %parallel_loop3A_264 = tpu.vector_load_idx %arg5[%parallel_loop3A_257] : memref<10000xf32, #tpu.memory_space<vmem>>[vector<16xi32>], vector<16xf32>,
        %parallel_loop3A_265 = arith.mulf %parallel_loop3A_263, %parallel_loop3A_264 : vector<16xf32>
        tpu.vector_store_idx %arg9[%parallel_loop3A_260], %parallel_loop3A_265 {add = true} : memref<10000xf32, #tpu.memory_space<vmem>>[vector<16xi32>], vector<16xf32>,
        %parallel_loop3A_266 = tpu.vector_load_idx %arg6[%parallel_loop3A_257] : memref<10000xf32, #tpu.memory_space<vmem>>[vector<16xi32>], vector<16xf32>,
        %parallel_loop3A_267 = arith.mulf %parallel_loop3A_263, %parallel_loop3A_266 : vector<16xf32>
        tpu.vector_store_idx %arg10[%parallel_loop3A_260], %parallel_loop3A_267 {add = true} : memref<10000xf32, #tpu.memory_space<vmem>>[vector<16xi32>], vector<16xf32>,
        %parallel_loop3A_268 = tpu.vector_load_idx %arg7[%parallel_loop3A_257] : memref<10000xf32, #tpu.memory_space<vmem>>[vector<16xi32>], vector<16xf32>,
        %parallel_loop3A_269 = arith.mulf %parallel_loop3A_263, %parallel_loop3A_268 : vector<16xf32>
        tpu.vector_store_idx %arg11[%parallel_loop3A_260], %parallel_loop3A_269 {add = true} : memref<10000xf32, #tpu.memory_space<vmem>>[vector<16xi32>], vector<16xf32>,
        %parallel_loop3A_270 = tpu.vector_load_idx %arg8[%parallel_loop3A_257] : memref<10000xf32, #tpu.memory_space<vmem>>[vector<16xi32>], vector<16xf32>,
        %parallel_loop3A_271 = arith.mulf %parallel_loop3A_263, %parallel_loop3A_270 : vector<16xf32>
        tpu.vector_store_idx %arg12[%parallel_loop3A_260], %parallel_loop3A_271 {add = true} : memref<10000xf32, #tpu.memory_space<vmem>>[vector<16xi32>], vector<16xf32>,
      } {sc.loop_unroll_factor = 2 : i64, sc.parallel_access}
      %mul3A_238 = arith.constant 2 : i32
      %mul3A_239 = arith.muli %scan3A_186, %mul3A_238 : i32
      %add3A_240 = arith.constant 1 : i32
      %add3A_241 = arith.addi %mul3A_239, %add3A_240 : i32
      %add3A_242 = arith.constant 2 : i32
      %add3A_243 = arith.addi %add3A_241, %add3A_242 : i32
      %lt3A_244 = arith.constant 40 : i32
      %lt3A_245 = arith.cmpi slt, %add3A_243, %lt3A_244 : i32
      %convert_element_type3A_246 = arith.extui %lt3A_245 : i1 to i32
      %cond3A_247 = arith.constant 0 : i32
      %cond3A_248 = arith.cmpi ne, %convert_element_type3A_246, %cond3A_247 : i32
      scf.if %cond3A_248 {
        %add3A_250 = arith.constant 2 : i32
        %add3A_251 = arith.addi %add3A_221, %add3A_250 : i32
        %mul3A_252 = arith.constant 5 : i32
        %mul3A_253 = arith.muli %mul3A_252, %add3A_251 : i32
        %mul3A_254 = arith.constant 4000 : i32
        %mul3A_255 = arith.muli %mul3A_253, %mul3A_254 : i32
        %dma_start3A_256 = tpu.memref_slice %arg3[%mul3A_255] : memref<3200000xi32, #tpu.memory_space<hbm>> -> memref<4000xi32, #tpu.memory_space<hbm>>
        %dma_start3A_257 = tpu.memref_slice %arg3[%mul3A_255] : memref<3200000xi32, #tpu.memory_space<hbm>> -> memref<4000xi32, #tpu.memory_space<hbm>>
        tpu.enqueue_dma source(%dma_start3A_257 : memref<4000xi32, #tpu.memory_space<hbm>>) target(%arg14 : memref<4000xi32, #tpu.memory_space<vmem>>) target_semaphore(%arg18 : memref<!tpu.dma_semaphore, #tpu.memory_space<semaphore_mem>>)
        %mul3A_258 = arith.constant 5 : i32
        %mul3A_259 = arith.muli %mul3A_258, %add3A_251 : i32
        %add3A_260 = arith.addi %mul3A_259, %select_n3A_50 : i32
        %mul3A_261 = arith.constant 4000 : i32
        %mul3A_262 = arith.muli %add3A_260, %mul3A_261 : i32
        %dma_start3A_263 = tpu.memref_slice %arg3[%mul3A_262] : memref<3200000xi32, #tpu.memory_space<hbm>> -> memref<4000xi32, #tpu.memory_space<hbm>>
        %dma_start3A_264 = tpu.memref_slice %arg3[%mul3A_262] : memref<3200000xi32, #tpu.memory_space<hbm>> -> memref<4000xi32, #tpu.memory_space<hbm>>
        tpu.enqueue_dma source(%dma_start3A_264 : memref<4000xi32, #tpu.memory_space<hbm>>) target(%arg16 : memref<4000xi32, #tpu.memory_space<vmem>>) target_semaphore(%arg18 : memref<!tpu.dma_semaphore, #tpu.memory_space<semaphore_mem>>)
      } else {
      }
      %scan3A_249 = arith.constant 0 : i32
      scf.yield %scan3A_249 : i32
    }
    %scan3A_157 = arith.constant 20 : i32
    %mul3A_158 = arith.constant 32 : i32
    %mul3A_159 = arith.muli %shift_right_arithmetic3A_2, %mul3A_158 : i32
    %add3A_160 = arith.addi %mul3A_159, %select_n3A_104 : i32
    %add3A_161 = arith.constant 0 : i32
    %add3A_162 = arith.addi %add3A_160, %add3A_161 : i32
    %mul3A_163 = arith.constant 10000 : i32
    %mul3A_164 = arith.muli %add3A_162, %mul3A_163 : i32
    "tpu.region"() ({
      %run_scoped3A = tpu.sem_alloc : memref<!tpu.dma_semaphore, #tpu.memory_space<semaphore_mem>>
      %dma_start3A_186 = tpu.memref_slice %arg4[%mul3A_164] : memref<1280000xf32, #tpu.memory_space<hbm>> -> memref<10000xf32, #tpu.memory_space<hbm>>
      %dma_start3A_187 = tpu.memref_slice %arg4[%mul3A_164] : memref<1280000xf32, #tpu.memory_space<hbm>> -> memref<10000xf32, #tpu.memory_space<hbm>>
      tpu.enqueue_dma source(%arg9 : memref<10000xf32, #tpu.memory_space<vmem>>) target(%dma_start3A_187 : memref<10000xf32, #tpu.memory_space<hbm>>) target_semaphore(%run_scoped3A : memref<!tpu.dma_semaphore, #tpu.memory_space<semaphore_mem>>)
      %dma_wait3A = tpu.memref_slice %arg4[%mul3A_164] : memref<1280000xf32, #tpu.memory_space<hbm>> -> memref<10000xf32, #tpu.memory_space<hbm>>
      %dma_wait3A_188 = tpu.memref_slice %arg4[%mul3A_164] : memref<1280000xf32, #tpu.memory_space<hbm>> -> memref<10000xf32, #tpu.memory_space<hbm>>
      tpu.wait_dma2 semaphore(%run_scoped3A : memref<!tpu.dma_semaphore, #tpu.memory_space<semaphore_mem>>) src(%arg9 : memref<10000xf32, #tpu.memory_space<vmem>>) dst(%dma_wait3A_188 : memref<10000xf32, #tpu.memory_space<hbm>>)
      tpu.yield
    }) : () -> ()
    %mul3A_165 = arith.constant 32 : i32
    %mul3A_166 = arith.muli %shift_right_arithmetic3A_2, %mul3A_165 : i32
    %add3A_167 = arith.addi %mul3A_166, %select_n3A_104 : i32
    %add3A_168 = arith.constant 1 : i32
    %add3A_169 = arith.addi %add3A_167, %add3A_168 : i32
    %mul3A_170 = arith.constant 10000 : i32
    %mul3A_171 = arith.muli %add3A_169, %mul3A_170 : i32
    "tpu.region"() ({
      %run_scoped3A = tpu.sem_alloc : memref<!tpu.dma_semaphore, #tpu.memory_space<semaphore_mem>>
      %dma_start3A_186 = tpu.memref_slice %arg4[%mul3A_171] : memref<1280000xf32, #tpu.memory_space<hbm>> -> memref<10000xf32, #tpu.memory_space<hbm>>
      %dma_start3A_187 = tpu.memref_slice %arg4[%mul3A_171] : memref<1280000xf32, #tpu.memory_space<hbm>> -> memref<10000xf32, #tpu.memory_space<hbm>>
      tpu.enqueue_dma source(%arg10 : memref<10000xf32, #tpu.memory_space<vmem>>) target(%dma_start3A_187 : memref<10000xf32, #tpu.memory_space<hbm>>) target_semaphore(%run_scoped3A : memref<!tpu.dma_semaphore, #tpu.memory_space<semaphore_mem>>)
      %dma_wait3A = tpu.memref_slice %arg4[%mul3A_171] : memref<1280000xf32, #tpu.memory_space<hbm>> -> memref<10000xf32, #tpu.memory_space<hbm>>
      %dma_wait3A_188 = tpu.memref_slice %arg4[%mul3A_171] : memref<1280000xf32, #tpu.memory_space<hbm>> -> memref<10000xf32, #tpu.memory_space<hbm>>
      tpu.wait_dma2 semaphore(%run_scoped3A : memref<!tpu.dma_semaphore, #tpu.memory_space<semaphore_mem>>) src(%arg10 : memref<10000xf32, #tpu.memory_space<vmem>>) dst(%dma_wait3A_188 : memref<10000xf32, #tpu.memory_space<hbm>>)
      tpu.yield
    }) : () -> ()
    %mul3A_172 = arith.constant 32 : i32
    %mul3A_173 = arith.muli %shift_right_arithmetic3A_2, %mul3A_172 : i32
    %add3A_174 = arith.addi %mul3A_173, %select_n3A_104 : i32
    %add3A_175 = arith.constant 2 : i32
    %add3A_176 = arith.addi %add3A_174, %add3A_175 : i32
    %mul3A_177 = arith.constant 10000 : i32
    %mul3A_178 = arith.muli %add3A_176, %mul3A_177 : i32
    "tpu.region"() ({
      %run_scoped3A = tpu.sem_alloc : memref<!tpu.dma_semaphore, #tpu.memory_space<semaphore_mem>>
      %dma_start3A_186 = tpu.memref_slice %arg4[%mul3A_178] : memref<1280000xf32, #tpu.memory_space<hbm>> -> memref<10000xf32, #tpu.memory_space<hbm>>
      %dma_start3A_187 = tpu.memref_slice %arg4[%mul3A_178] : memref<1280000xf32, #tpu.memory_space<hbm>> -> memref<10000xf32, #tpu.memory_space<hbm>>
      tpu.enqueue_dma source(%arg11 : memref<10000xf32, #tpu.memory_space<vmem>>) target(%dma_start3A_187 : memref<10000xf32, #tpu.memory_space<hbm>>) target_semaphore(%run_scoped3A : memref<!tpu.dma_semaphore, #tpu.memory_space<semaphore_mem>>)
      %dma_wait3A = tpu.memref_slice %arg4[%mul3A_178] : memref<1280000xf32, #tpu.memory_space<hbm>> -> memref<10000xf32, #tpu.memory_space<hbm>>
      %dma_wait3A_188 = tpu.memref_slice %arg4[%mul3A_178] : memref<1280000xf32, #tpu.memory_space<hbm>> -> memref<10000xf32, #tpu.memory_space<hbm>>
      tpu.wait_dma2 semaphore(%run_scoped3A : memref<!tpu.dma_semaphore, #tpu.memory_space<semaphore_mem>>) src(%arg11 : memref<10000xf32, #tpu.memory_space<vmem>>) dst(%dma_wait3A_188 : memref<10000xf32, #tpu.memory_space<hbm>>)
      tpu.yield
    }) : () -> ()
    %mul3A_179 = arith.constant 32 : i32
    %mul3A_180 = arith.muli %shift_right_arithmetic3A_2, %mul3A_179 : i32
    %add3A_181 = arith.addi %mul3A_180, %select_n3A_104 : i32
    %add3A_182 = arith.constant 3 : i32
    %add3A_183 = arith.addi %add3A_181, %add3A_182 : i32
    %mul3A_184 = arith.constant 10000 : i32
    %mul3A_185 = arith.muli %add3A_183, %mul3A_184 : i32
    "tpu.region"() ({
      %run_scoped3A = tpu.sem_alloc : memref<!tpu.dma_semaphore, #tpu.memory_space<semaphore_mem>>
      %dma_start3A_186 = tpu.memref_slice %arg4[%mul3A_185] : memref<1280000xf32, #tpu.memory_space<hbm>> -> memref<10000xf32, #tpu.memory_space<hbm>>
      %dma_start3A_187 = tpu.memref_slice %arg4[%mul3A_185] : memref<1280000xf32, #tpu.memory_space<hbm>> -> memref<10000xf32, #tpu.memory_space<hbm>>
      tpu.enqueue_dma source(%arg12 : memref<10000xf32, #tpu.memory_space<vmem>>) target(%dma_start3A_187 : memref<10000xf32, #tpu.memory_space<hbm>>) target_semaphore(%run_scoped3A : memref<!tpu.dma_semaphore, #tpu.memory_space<semaphore_mem>>)
      %dma_wait3A = tpu.memref_slice %arg4[%mul3A_185] : memref<1280000xf32, #tpu.memory_space<hbm>> -> memref<10000xf32, #tpu.memory_space<hbm>>
      %dma_wait3A_188 = tpu.memref_slice %arg4[%mul3A_185] : memref<1280000xf32, #tpu.memory_space<hbm>> -> memref<10000xf32, #tpu.memory_space<hbm>>
      tpu.wait_dma2 semaphore(%run_scoped3A : memref<!tpu.dma_semaphore, #tpu.memory_space<semaphore_mem>>) src(%arg12 : memref<10000xf32, #tpu.memory_space<vmem>>) dst(%dma_wait3A_188 : memref<10000xf32, #tpu.memory_space<hbm>>)
      tpu.yield
    }) : () -> ()
    return
  }
}

#map = affine_map<(d0, d1) -> (0)>
module attributes {stable_mosaic.version = 14 : i64} {
  func.func @_sc_pack_body(%arg0: i32, %arg1: i32, %arg2: memref<640000xi32, #tpu.memory_space<hbm>>, %arg3: memref<640000xi32, #tpu.memory_space<hbm>>, %arg4: memref<640000xf32, #tpu.memory_space<hbm>>, %arg5: memref<1920000xf32, #tpu.memory_space<hbm>>, %arg6: memref<3200000xi32, #tpu.memory_space<hbm>>, %arg7: memref<4000xi32, #tpu.memory_space<vmem>>, %arg8: memref<4000xi32, #tpu.memory_space<vmem>>, %arg9: memref<4000xf32, #tpu.memory_space<vmem>>, %arg10: memref<4000xf32, #tpu.memory_space<vmem>>, %arg11: memref<4000xf32, #tpu.memory_space<vmem>>, %arg12: memref<4000xf32, #tpu.memory_space<vmem>>, %arg13: memref<4000xi32, #tpu.memory_space<vmem>>, %arg14: memref<4000xi32, #tpu.memory_space<vmem>>, %arg15: memref<4000xf32, #tpu.memory_space<vmem>>, %arg16: memref<4000xf32, #tpu.memory_space<vmem>>, %arg17: memref<4000xf32, #tpu.memory_space<vmem>>, %arg18: memref<4000xf32, #tpu.memory_space<vmem>>, %arg19: memref<20000xi32, #tpu.memory_space<vmem>>, %arg20: memref<!tpu.dma_semaphore, #tpu.memory_space<semaphore_mem>>, %arg21: memref<!tpu.dma_semaphore, #tpu.memory_space<semaphore_mem>>) attributes {dimension_semantics = [#tpu.dimension_semantics<core_parallel>, #tpu.dimension_semantics<subcore_parallel>], iteration_bounds = array<i64: 2, 16>, scalar_prefetch = 0 : i64, scratch_operands = 15 : i64, tpu.core_type = #tpu.core_type<sc_vector_subcore>, window_params = [{transform_indices = #map}, {transform_indices = #map}, {transform_indices = #map}, {transform_indices = #map}, {transform_indices = #map}]} {
    %mul3A = arith.constant 2 : i32
    %mul3A_0 = arith.muli %arg1, %mul3A : i32
    %add3A = arith.addi %mul3A_0, %arg0 : i32
    %mul3A_1 = arith.constant 5 : i32
    %mul3A_2 = arith.muli %add3A, %mul3A_1 : i32
    %mul3A_3 = arith.constant 4000 : i32
    %mul3A_4 = arith.muli %mul3A_2, %mul3A_3 : i32
    %add3A_5 = arith.constant 640000 : i32
    %add3A_6 = arith.addi %add3A_5, %mul3A_4 : i32
    %add3A_7 = arith.constant 1280000 : i32
    %add3A_8 = arith.addi %add3A_7, %mul3A_4 : i32
    %dma_start3A = tpu.memref_slice %arg2[%mul3A_4] : memref<640000xi32, #tpu.memory_space<hbm>> -> memref<4000xi32, #tpu.memory_space<hbm>>
    %dma_start3A_9 = tpu.memref_slice %arg2[%mul3A_4] : memref<640000xi32, #tpu.memory_space<hbm>> -> memref<4000xi32, #tpu.memory_space<hbm>>
    tpu.enqueue_dma source(%dma_start3A_9 : memref<4000xi32, #tpu.memory_space<hbm>>) target(%arg7 : memref<4000xi32, #tpu.memory_space<vmem>>) target_semaphore(%arg20 : memref<!tpu.dma_semaphore, #tpu.memory_space<semaphore_mem>>)
    %dma_start3A_10 = tpu.memref_slice %arg3[%mul3A_4] : memref<640000xi32, #tpu.memory_space<hbm>> -> memref<4000xi32, #tpu.memory_space<hbm>>
    %dma_start3A_11 = tpu.memref_slice %arg3[%mul3A_4] : memref<640000xi32, #tpu.memory_space<hbm>> -> memref<4000xi32, #tpu.memory_space<hbm>>
    tpu.enqueue_dma source(%dma_start3A_11 : memref<4000xi32, #tpu.memory_space<hbm>>) target(%arg8 : memref<4000xi32, #tpu.memory_space<vmem>>) target_semaphore(%arg20 : memref<!tpu.dma_semaphore, #tpu.memory_space<semaphore_mem>>)
    %dma_start3A_12 = tpu.memref_slice %arg4[%mul3A_4] : memref<640000xf32, #tpu.memory_space<hbm>> -> memref<4000xf32, #tpu.memory_space<hbm>>
    %dma_start3A_13 = tpu.memref_slice %arg4[%mul3A_4] : memref<640000xf32, #tpu.memory_space<hbm>> -> memref<4000xf32, #tpu.memory_space<hbm>>
    tpu.enqueue_dma source(%dma_start3A_13 : memref<4000xf32, #tpu.memory_space<hbm>>) target(%arg9 : memref<4000xf32, #tpu.memory_space<vmem>>) target_semaphore(%arg20 : memref<!tpu.dma_semaphore, #tpu.memory_space<semaphore_mem>>)
    %dma_start3A_14 = tpu.memref_slice %arg5[%mul3A_4] : memref<1920000xf32, #tpu.memory_space<hbm>> -> memref<4000xf32, #tpu.memory_space<hbm>>
    %dma_start3A_15 = tpu.memref_slice %arg5[%mul3A_4] : memref<1920000xf32, #tpu.memory_space<hbm>> -> memref<4000xf32, #tpu.memory_space<hbm>>
    tpu.enqueue_dma source(%dma_start3A_15 : memref<4000xf32, #tpu.memory_space<hbm>>) target(%arg10 : memref<4000xf32, #tpu.memory_space<vmem>>) target_semaphore(%arg20 : memref<!tpu.dma_semaphore, #tpu.memory_space<semaphore_mem>>)
    %dma_start3A_16 = tpu.memref_slice %arg5[%add3A_6] : memref<1920000xf32, #tpu.memory_space<hbm>> -> memref<4000xf32, #tpu.memory_space<hbm>>
    %dma_start3A_17 = tpu.memref_slice %arg5[%add3A_6] : memref<1920000xf32, #tpu.memory_space<hbm>> -> memref<4000xf32, #tpu.memory_space<hbm>>
    tpu.enqueue_dma source(%dma_start3A_17 : memref<4000xf32, #tpu.memory_space<hbm>>) target(%arg11 : memref<4000xf32, #tpu.memory_space<vmem>>) target_semaphore(%arg20 : memref<!tpu.dma_semaphore, #tpu.memory_space<semaphore_mem>>)
    %dma_start3A_18 = tpu.memref_slice %arg5[%add3A_8] : memref<1920000xf32, #tpu.memory_space<hbm>> -> memref<4000xf32, #tpu.memory_space<hbm>>
    %dma_start3A_19 = tpu.memref_slice %arg5[%add3A_8] : memref<1920000xf32, #tpu.memory_space<hbm>> -> memref<4000xf32, #tpu.memory_space<hbm>>
    tpu.enqueue_dma source(%dma_start3A_19 : memref<4000xf32, #tpu.memory_space<hbm>>) target(%arg12 : memref<4000xf32, #tpu.memory_space<vmem>>) target_semaphore(%arg20 : memref<!tpu.dma_semaphore, #tpu.memory_space<semaphore_mem>>)
    %add3A_20 = arith.constant 0 : i32
    %add3A_21 = arith.addi %mul3A_2, %add3A_20 : i32
    %mul3A_22 = arith.constant 4000 : i32
    %mul3A_23 = arith.muli %add3A_21, %mul3A_22 : i32
    %add3A_24 = arith.constant 640000 : i32
    %add3A_25 = arith.addi %add3A_24, %mul3A_23 : i32
    %add3A_26 = arith.constant 1280000 : i32
    %add3A_27 = arith.addi %add3A_26, %mul3A_23 : i32
    %dma_wait3A = tpu.memref_slice %arg2[%mul3A_23] : memref<640000xi32, #tpu.memory_space<hbm>> -> memref<4000xi32, #tpu.memory_space<hbm>>
    %dma_wait3A_28 = tpu.memref_slice %arg2[%mul3A_23] : memref<640000xi32, #tpu.memory_space<hbm>> -> memref<4000xi32, #tpu.memory_space<hbm>>
    tpu.wait_dma2 semaphore(%arg20 : memref<!tpu.dma_semaphore, #tpu.memory_space<semaphore_mem>>) src(%dma_wait3A_28 : memref<4000xi32, #tpu.memory_space<hbm>>) dst(%arg7 : memref<4000xi32, #tpu.memory_space<vmem>>)
    %dma_wait3A_29 = tpu.memref_slice %arg3[%mul3A_23] : memref<640000xi32, #tpu.memory_space<hbm>> -> memref<4000xi32, #tpu.memory_space<hbm>>
    %dma_wait3A_30 = tpu.memref_slice %arg3[%mul3A_23] : memref<640000xi32, #tpu.memory_space<hbm>> -> memref<4000xi32, #tpu.memory_space<hbm>>
    tpu.wait_dma2 semaphore(%arg20 : memref<!tpu.dma_semaphore, #tpu.memory_space<semaphore_mem>>) src(%dma_wait3A_30 : memref<4000xi32, #tpu.memory_space<hbm>>) dst(%arg8 : memref<4000xi32, #tpu.memory_space<vmem>>)
    %dma_wait3A_31 = tpu.memref_slice %arg4[%mul3A_23] : memref<640000xf32, #tpu.memory_space<hbm>> -> memref<4000xf32, #tpu.memory_space<hbm>>
    %dma_wait3A_32 = tpu.memref_slice %arg4[%mul3A_23] : memref<640000xf32, #tpu.memory_space<hbm>> -> memref<4000xf32, #tpu.memory_space<hbm>>
    tpu.wait_dma2 semaphore(%arg20 : memref<!tpu.dma_semaphore, #tpu.memory_space<semaphore_mem>>) src(%dma_wait3A_32 : memref<4000xf32, #tpu.memory_space<hbm>>) dst(%arg9 : memref<4000xf32, #tpu.memory_space<vmem>>)
    %dma_wait3A_33 = tpu.memref_slice %arg5[%mul3A_23] : memref<1920000xf32, #tpu.memory_space<hbm>> -> memref<4000xf32, #tpu.memory_space<hbm>>
    %dma_wait3A_34 = tpu.memref_slice %arg5[%mul3A_23] : memref<1920000xf32, #tpu.memory_space<hbm>> -> memref<4000xf32, #tpu.memory_space<hbm>>
    tpu.wait_dma2 semaphore(%arg20 : memref<!tpu.dma_semaphore, #tpu.memory_space<semaphore_mem>>) src(%dma_wait3A_34 : memref<4000xf32, #tpu.memory_space<hbm>>) dst(%arg10 : memref<4000xf32, #tpu.memory_space<vmem>>)
    %dma_wait3A_35 = tpu.memref_slice %arg5[%add3A_25] : memref<1920000xf32, #tpu.memory_space<hbm>> -> memref<4000xf32, #tpu.memory_space<hbm>>
    %dma_wait3A_36 = tpu.memref_slice %arg5[%add3A_25] : memref<1920000xf32, #tpu.memory_space<hbm>> -> memref<4000xf32, #tpu.memory_space<hbm>>
    tpu.wait_dma2 semaphore(%arg20 : memref<!tpu.dma_semaphore, #tpu.memory_space<semaphore_mem>>) src(%dma_wait3A_36 : memref<4000xf32, #tpu.memory_space<hbm>>) dst(%arg11 : memref<4000xf32, #tpu.memory_space<vmem>>)
    %dma_wait3A_37 = tpu.memref_slice %arg5[%add3A_27] : memref<1920000xf32, #tpu.memory_space<hbm>> -> memref<4000xf32, #tpu.memory_space<hbm>>
    %dma_wait3A_38 = tpu.memref_slice %arg5[%add3A_27] : memref<1920000xf32, #tpu.memory_space<hbm>> -> memref<4000xf32, #tpu.memory_space<hbm>>
    tpu.wait_dma2 semaphore(%arg20 : memref<!tpu.dma_semaphore, #tpu.memory_space<semaphore_mem>>) src(%dma_wait3A_38 : memref<4000xf32, #tpu.memory_space<hbm>>) dst(%arg12 : memref<4000xf32, #tpu.memory_space<vmem>>)
    %add3A_39 = arith.constant 1 : i32
    %add3A_40 = arith.addi %add3A_21, %add3A_39 : i32
    %mul3A_41 = arith.constant 4000 : i32
    %mul3A_42 = arith.muli %add3A_40, %mul3A_41 : i32
    %add3A_43 = arith.constant 640000 : i32
    %add3A_44 = arith.addi %add3A_43, %mul3A_42 : i32
    %add3A_45 = arith.constant 1280000 : i32
    %add3A_46 = arith.addi %add3A_45, %mul3A_42 : i32
    %dma_start3A_47 = tpu.memref_slice %arg2[%mul3A_42] : memref<640000xi32, #tpu.memory_space<hbm>> -> memref<4000xi32, #tpu.memory_space<hbm>>
    %dma_start3A_48 = tpu.memref_slice %arg2[%mul3A_42] : memref<640000xi32, #tpu.memory_space<hbm>> -> memref<4000xi32, #tpu.memory_space<hbm>>
    tpu.enqueue_dma source(%dma_start3A_48 : memref<4000xi32, #tpu.memory_space<hbm>>) target(%arg13 : memref<4000xi32, #tpu.memory_space<vmem>>) target_semaphore(%arg21 : memref<!tpu.dma_semaphore, #tpu.memory_space<semaphore_mem>>)
    %dma_start3A_49 = tpu.memref_slice %arg3[%mul3A_42] : memref<640000xi32, #tpu.memory_space<hbm>> -> memref<4000xi32, #tpu.memory_space<hbm>>
    %dma_start3A_50 = tpu.memref_slice %arg3[%mul3A_42] : memref<640000xi32, #tpu.memory_space<hbm>> -> memref<4000xi32, #tpu.memory_space<hbm>>
    tpu.enqueue_dma source(%dma_start3A_50 : memref<4000xi32, #tpu.memory_space<hbm>>) target(%arg14 : memref<4000xi32, #tpu.memory_space<vmem>>) target_semaphore(%arg21 : memref<!tpu.dma_semaphore, #tpu.memory_space<semaphore_mem>>)
    %dma_start3A_51 = tpu.memref_slice %arg4[%mul3A_42] : memref<640000xf32, #tpu.memory_space<hbm>> -> memref<4000xf32, #tpu.memory_space<hbm>>
    %dma_start3A_52 = tpu.memref_slice %arg4[%mul3A_42] : memref<640000xf32, #tpu.memory_space<hbm>> -> memref<4000xf32, #tpu.memory_space<hbm>>
    tpu.enqueue_dma source(%dma_start3A_52 : memref<4000xf32, #tpu.memory_space<hbm>>) target(%arg15 : memref<4000xf32, #tpu.memory_space<vmem>>) target_semaphore(%arg21 : memref<!tpu.dma_semaphore, #tpu.memory_space<semaphore_mem>>)
    %dma_start3A_53 = tpu.memref_slice %arg5[%mul3A_42] : memref<1920000xf32, #tpu.memory_space<hbm>> -> memref<4000xf32, #tpu.memory_space<hbm>>
    %dma_start3A_54 = tpu.memref_slice %arg5[%mul3A_42] : memref<1920000xf32, #tpu.memory_space<hbm>> -> memref<4000xf32, #tpu.memory_space<hbm>>
    tpu.enqueue_dma source(%dma_start3A_54 : memref<4000xf32, #tpu.memory_space<hbm>>) target(%arg16 : memref<4000xf32, #tpu.memory_space<vmem>>) target_semaphore(%arg21 : memref<!tpu.dma_semaphore, #tpu.memory_space<semaphore_mem>>)
    %dma_start3A_55 = tpu.memref_slice %arg5[%add3A_44] : memref<1920000xf32, #tpu.memory_space<hbm>> -> memref<4000xf32, #tpu.memory_space<hbm>>
    %dma_start3A_56 = tpu.memref_slice %arg5[%add3A_44] : memref<1920000xf32, #tpu.memory_space<hbm>> -> memref<4000xf32, #tpu.memory_space<hbm>>
    tpu.enqueue_dma source(%dma_start3A_56 : memref<4000xf32, #tpu.memory_space<hbm>>) target(%arg17 : memref<4000xf32, #tpu.memory_space<vmem>>) target_semaphore(%arg21 : memref<!tpu.dma_semaphore, #tpu.memory_space<semaphore_mem>>)
    %dma_start3A_57 = tpu.memref_slice %arg5[%add3A_46] : memref<1920000xf32, #tpu.memory_space<hbm>> -> memref<4000xf32, #tpu.memory_space<hbm>>
    %dma_start3A_58 = tpu.memref_slice %arg5[%add3A_46] : memref<1920000xf32, #tpu.memory_space<hbm>> -> memref<4000xf32, #tpu.memory_space<hbm>>
    tpu.enqueue_dma source(%dma_start3A_58 : memref<4000xf32, #tpu.memory_space<hbm>>) target(%arg18 : memref<4000xf32, #tpu.memory_space<vmem>>) target_semaphore(%arg21 : memref<!tpu.dma_semaphore, #tpu.memory_space<semaphore_mem>>)
    %parallel_loop3A = arith.constant 0 : i32
    %parallel_loop3A_59 = arith.constant 250 : i32
    %parallel_loop3A_60 = arith.constant 1 : i32
    scf.for %parallel_loop3A_233 = %parallel_loop3A to %parallel_loop3A_59 step %parallel_loop3A_60  : i32 {
      %parallel_loop3A_234 = arith.constant 16 : i32
      %parallel_loop3A_235 = arith.muli %parallel_loop3A_233, %parallel_loop3A_234 : i32
      %parallel_loop3A_236 = arith.index_cast %parallel_loop3A_235 : i32 to index
      %parallel_loop3A_237 = tpu.vector_load %arg9[%parallel_loop3A_236] {strides = array<i32>} : memref<4000xf32, #tpu.memory_space<vmem>>, vector<16xf32>,
      %parallel_loop3A_238 = arith.index_cast %parallel_loop3A_235 : i32 to index
      %parallel_loop3A_239 = tpu.vector_load %arg7[%parallel_loop3A_238] {strides = array<i32>} : memref<4000xi32, #tpu.memory_space<vmem>>, vector<16xi32>,
      %parallel_loop3A_240 = arith.index_cast %parallel_loop3A_235 : i32 to index
      %parallel_loop3A_241 = tpu.vector_load %arg8[%parallel_loop3A_240] {strides = array<i32>} : memref<4000xi32, #tpu.memory_space<vmem>>, vector<16xi32>,
      %parallel_loop3A_242 = arith.constant 16 : i32
      %parallel_loop3A_243 = vector.broadcast %parallel_loop3A_242 : i32 to vector<16xi32>
      %parallel_loop3A_244 = arith.shli %parallel_loop3A_241, %parallel_loop3A_243 : vector<16xi32>
      %parallel_loop3A_245 = arith.ori %parallel_loop3A_239, %parallel_loop3A_244 : vector<16xi32>
      %parallel_loop3A_246 = arith.index_cast %parallel_loop3A_235 : i32 to index
      %parallel_loop3A_247 = tpu.vector_load %arg19[%parallel_loop3A_246] {strides = array<i32>} : memref<20000xi32, #tpu.memory_space<vmem>>, vector<16xi32>,
      tpu.vector_store %arg19[%parallel_loop3A_246], %parallel_loop3A_245 {strides = array<i32>} : memref<20000xi32, #tpu.memory_space<vmem>>, vector<16xi32>,
      %parallel_loop3A_248 = vector.bitcast %parallel_loop3A_237 : vector<16xf32> to vector<16xi32>
      %parallel_loop3A_249 = arith.constant 16 : i32
      %parallel_loop3A_250 = arith.muli %parallel_loop3A_233, %parallel_loop3A_249 : i32
      %parallel_loop3A_251 = arith.constant 4000 : i32
      %parallel_loop3A_252 = arith.addi %parallel_loop3A_251, %parallel_loop3A_250 : i32
      %parallel_loop3A_253 = arith.index_cast %parallel_loop3A_252 : i32 to index
      %parallel_loop3A_254 = tpu.vector_load %arg19[%parallel_loop3A_253] {strides = array<i32>} : memref<20000xi32, #tpu.memory_space<vmem>>, vector<16xi32>,
      tpu.vector_store %arg19[%parallel_loop3A_253], %parallel_loop3A_248 {strides = array<i32>} : memref<20000xi32, #tpu.memory_space<vmem>>, vector<16xi32>,
      %parallel_loop3A_255 = arith.index_cast %parallel_loop3A_235 : i32 to index
      %parallel_loop3A_256 = tpu.vector_load %arg10[%parallel_loop3A_255] {strides = array<i32>} : memref<4000xf32, #tpu.memory_space<vmem>>, vector<16xf32>,
      %parallel_loop3A_257 = arith.mulf %parallel_loop3A_237, %parallel_loop3A_256 : vector<16xf32>
      %parallel_loop3A_258 = vector.bitcast %parallel_loop3A_257 : vector<16xf32> to vector<16xi32>
      %parallel_loop3A_259 = arith.constant 16 : i32
      %parallel_loop3A_260 = arith.muli %parallel_loop3A_233, %parallel_loop3A_259 : i32
      %parallel_loop3A_261 = arith.constant 8000 : i32
      %parallel_loop3A_262 = arith.addi %parallel_loop3A_261, %parallel_loop3A_260 : i32
      %parallel_loop3A_263 = arith.index_cast %parallel_loop3A_262 : i32 to index
      %parallel_loop3A_264 = tpu.vector_load %arg19[%parallel_loop3A_263] {strides = array<i32>} : memref<20000xi32, #tpu.memory_space<vmem>>, vector<16xi32>,
      tpu.vector_store %arg19[%parallel_loop3A_263], %parallel_loop3A_258 {strides = array<i32>} : memref<20000xi32, #tpu.memory_space<vmem>>, vector<16xi32>,
      %parallel_loop3A_265 = arith.index_cast %parallel_loop3A_235 : i32 to index
      %parallel_loop3A_266 = tpu.vector_load %arg11[%parallel_loop3A_265] {strides = array<i32>} : memref<4000xf32, #tpu.memory_space<vmem>>, vector<16xf32>,
      %parallel_loop3A_267 = arith.mulf %parallel_loop3A_237, %parallel_loop3A_266 : vector<16xf32>
      %parallel_loop3A_268 = vector.bitcast %parallel_loop3A_267 : vector<16xf32> to vector<16xi32>
      %parallel_loop3A_269 = arith.constant 16 : i32
      %parallel_loop3A_270 = arith.muli %parallel_loop3A_233, %parallel_loop3A_269 : i32
      %parallel_loop3A_271 = arith.constant 12000 : i32
      %parallel_loop3A_272 = arith.addi %parallel_loop3A_271, %parallel_loop3A_270 : i32
      %parallel_loop3A_273 = arith.index_cast %parallel_loop3A_272 : i32 to index
      %parallel_loop3A_274 = tpu.vector_load %arg19[%parallel_loop3A_273] {strides = array<i32>} : memref<20000xi32, #tpu.memory_space<vmem>>, vector<16xi32>,
      tpu.vector_store %arg19[%parallel_loop3A_273], %parallel_loop3A_268 {strides = array<i32>} : memref<20000xi32, #tpu.memory_space<vmem>>, vector<16xi32>,
      %parallel_loop3A_275 = arith.index_cast %parallel_loop3A_235 : i32 to index
      %parallel_loop3A_276 = tpu.vector_load %arg12[%parallel_loop3A_275] {strides = array<i32>} : memref<4000xf32, #tpu.memory_space<vmem>>, vector<16xf32>,
      %parallel_loop3A_277 = arith.mulf %parallel_loop3A_237, %parallel_loop3A_276 : vector<16xf32>
      %parallel_loop3A_278 = vector.bitcast %parallel_loop3A_277 : vector<16xf32> to vector<16xi32>
      %parallel_loop3A_279 = arith.constant 16 : i32
      %parallel_loop3A_280 = arith.muli %parallel_loop3A_233, %parallel_loop3A_279 : i32
      %parallel_loop3A_281 = arith.constant 16000 : i32
      %parallel_loop3A_282 = arith.addi %parallel_loop3A_281, %parallel_loop3A_280 : i32
      %parallel_loop3A_283 = arith.index_cast %parallel_loop3A_282 : i32 to index
      %parallel_loop3A_284 = tpu.vector_load %arg19[%parallel_loop3A_283] {strides = array<i32>} : memref<20000xi32, #tpu.memory_space<vmem>>, vector<16xi32>,
      tpu.vector_store %arg19[%parallel_loop3A_283], %parallel_loop3A_278 {strides = array<i32>} : memref<20000xi32, #tpu.memory_space<vmem>>, vector<16xi32>,
    } {sc.loop_unroll_factor = 2 : i64, sc.parallel_access}
    %mul3A_61 = arith.constant 5 : i32
    %mul3A_62 = arith.muli %mul3A_61, %add3A_21 : i32
    %mul3A_63 = arith.constant 4000 : i32
    %mul3A_64 = arith.muli %mul3A_62, %mul3A_63 : i32
    "tpu.region"() ({
      %run_scoped3A = tpu.sem_alloc : memref<!tpu.dma_semaphore, #tpu.memory_space<semaphore_mem>>
      %dma_start3A_233 = tpu.memref_slice %arg6[%mul3A_64] : memref<3200000xi32, #tpu.memory_space<hbm>> -> memref<20000xi32, #tpu.memory_space<hbm>>
      %dma_start3A_234 = tpu.memref_slice %arg6[%mul3A_64] : memref<3200000xi32, #tpu.memory_space<hbm>> -> memref<20000xi32, #tpu.memory_space<hbm>>
      tpu.enqueue_dma source(%arg19 : memref<20000xi32, #tpu.memory_space<vmem>>) target(%dma_start3A_234 : memref<20000xi32, #tpu.memory_space<hbm>>) target_semaphore(%run_scoped3A : memref<!tpu.dma_semaphore, #tpu.memory_space<semaphore_mem>>)
      %dma_wait3A_235 = tpu.memref_slice %arg6[%mul3A_64] : memref<3200000xi32, #tpu.memory_space<hbm>> -> memref<20000xi32, #tpu.memory_space<hbm>>
      %dma_wait3A_236 = tpu.memref_slice %arg6[%mul3A_64] : memref<3200000xi32, #tpu.memory_space<hbm>> -> memref<20000xi32, #tpu.memory_space<hbm>>
      tpu.wait_dma2 semaphore(%run_scoped3A : memref<!tpu.dma_semaphore, #tpu.memory_space<semaphore_mem>>) src(%arg19 : memref<20000xi32, #tpu.memory_space<vmem>>) dst(%dma_wait3A_236 : memref<20000xi32, #tpu.memory_space<hbm>>)
      tpu.yield
    }) : () -> ()
    %add3A_65 = arith.constant 1 : i32
    %add3A_66 = arith.addi %mul3A_2, %add3A_65 : i32
    %mul3A_67 = arith.constant 4000 : i32
    %mul3A_68 = arith.muli %add3A_66, %mul3A_67 : i32
    %add3A_69 = arith.constant 640000 : i32
    %add3A_70 = arith.addi %add3A_69, %mul3A_68 : i32
    %add3A_71 = arith.constant 1280000 : i32
    %add3A_72 = arith.addi %add3A_71, %mul3A_68 : i32
    %dma_wait3A_73 = tpu.memref_slice %arg2[%mul3A_68] : memref<640000xi32, #tpu.memory_space<hbm>> -> memref<4000xi32, #tpu.memory_space<hbm>>
    %dma_wait3A_74 = tpu.memref_slice %arg2[%mul3A_68] : memref<640000xi32, #tpu.memory_space<hbm>> -> memref<4000xi32, #tpu.memory_space<hbm>>
    tpu.wait_dma2 semaphore(%arg21 : memref<!tpu.dma_semaphore, #tpu.memory_space<semaphore_mem>>) src(%dma_wait3A_74 : memref<4000xi32, #tpu.memory_space<hbm>>) dst(%arg13 : memref<4000xi32, #tpu.memory_space<vmem>>)
    %dma_wait3A_75 = tpu.memref_slice %arg3[%mul3A_68] : memref<640000xi32, #tpu.memory_space<hbm>> -> memref<4000xi32, #tpu.memory_space<hbm>>
    %dma_wait3A_76 = tpu.memref_slice %arg3[%mul3A_68] : memref<640000xi32, #tpu.memory_space<hbm>> -> memref<4000xi32, #tpu.memory_space<hbm>>
    tpu.wait_dma2 semaphore(%arg21 : memref<!tpu.dma_semaphore, #tpu.memory_space<semaphore_mem>>) src(%dma_wait3A_76 : memref<4000xi32, #tpu.memory_space<hbm>>) dst(%arg14 : memref<4000xi32, #tpu.memory_space<vmem>>)
    %dma_wait3A_77 = tpu.memref_slice %arg4[%mul3A_68] : memref<640000xf32, #tpu.memory_space<hbm>> -> memref<4000xf32, #tpu.memory_space<hbm>>
    %dma_wait3A_78 = tpu.memref_slice %arg4[%mul3A_68] : memref<640000xf32, #tpu.memory_space<hbm>> -> memref<4000xf32, #tpu.memory_space<hbm>>
    tpu.wait_dma2 semaphore(%arg21 : memref<!tpu.dma_semaphore, #tpu.memory_space<semaphore_mem>>) src(%dma_wait3A_78 : memref<4000xf32, #tpu.memory_space<hbm>>) dst(%arg15 : memref<4000xf32, #tpu.memory_space<vmem>>)
    %dma_wait3A_79 = tpu.memref_slice %arg5[%mul3A_68] : memref<1920000xf32, #tpu.memory_space<hbm>> -> memref<4000xf32, #tpu.memory_space<hbm>>
    %dma_wait3A_80 = tpu.memref_slice %arg5[%mul3A_68] : memref<1920000xf32, #tpu.memory_space<hbm>> -> memref<4000xf32, #tpu.memory_space<hbm>>
    tpu.wait_dma2 semaphore(%arg21 : memref<!tpu.dma_semaphore, #tpu.memory_space<semaphore_mem>>) src(%dma_wait3A_80 : memref<4000xf32, #tpu.memory_space<hbm>>) dst(%arg16 : memref<4000xf32, #tpu.memory_space<vmem>>)
    %dma_wait3A_81 = tpu.memref_slice %arg5[%add3A_70] : memref<1920000xf32, #tpu.memory_space<hbm>> -> memref<4000xf32, #tpu.memory_space<hbm>>
    %dma_wait3A_82 = tpu.memref_slice %arg5[%add3A_70] : memref<1920000xf32, #tpu.memory_space<hbm>> -> memref<4000xf32, #tpu.memory_space<hbm>>
    tpu.wait_dma2 semaphore(%arg21 : memref<!tpu.dma_semaphore, #tpu.memory_space<semaphore_mem>>) src(%dma_wait3A_82 : memref<4000xf32, #tpu.memory_space<hbm>>) dst(%arg17 : memref<4000xf32, #tpu.memory_space<vmem>>)
    %dma_wait3A_83 = tpu.memref_slice %arg5[%add3A_72] : memref<1920000xf32, #tpu.memory_space<hbm>> -> memref<4000xf32, #tpu.memory_space<hbm>>
    %dma_wait3A_84 = tpu.memref_slice %arg5[%add3A_72] : memref<1920000xf32, #tpu.memory_space<hbm>> -> memref<4000xf32, #tpu.memory_space<hbm>>
    tpu.wait_dma2 semaphore(%arg21 : memref<!tpu.dma_semaphore, #tpu.memory_space<semaphore_mem>>) src(%dma_wait3A_84 : memref<4000xf32, #tpu.memory_space<hbm>>) dst(%arg18 : memref<4000xf32, #tpu.memory_space<vmem>>)
    %add3A_85 = arith.constant 1 : i32
    %add3A_86 = arith.addi %add3A_66, %add3A_85 : i32
    %mul3A_87 = arith.constant 4000 : i32
    %mul3A_88 = arith.muli %add3A_86, %mul3A_87 : i32
    %add3A_89 = arith.constant 640000 : i32
    %add3A_90 = arith.addi %add3A_89, %mul3A_88 : i32
    %add3A_91 = arith.constant 1280000 : i32
    %add3A_92 = arith.addi %add3A_91, %mul3A_88 : i32
    %dma_start3A_93 = tpu.memref_slice %arg2[%mul3A_88] : memref<640000xi32, #tpu.memory_space<hbm>> -> memref<4000xi32, #tpu.memory_space<hbm>>
    %dma_start3A_94 = tpu.memref_slice %arg2[%mul3A_88] : memref<640000xi32, #tpu.memory_space<hbm>> -> memref<4000xi32, #tpu.memory_space<hbm>>
    tpu.enqueue_dma source(%dma_start3A_94 : memref<4000xi32, #tpu.memory_space<hbm>>) target(%arg7 : memref<4000xi32, #tpu.memory_space<vmem>>) target_semaphore(%arg20 : memref<!tpu.dma_semaphore, #tpu.memory_space<semaphore_mem>>)
    %dma_start3A_95 = tpu.memref_slice %arg3[%mul3A_88] : memref<640000xi32, #tpu.memory_space<hbm>> -> memref<4000xi32, #tpu.memory_space<hbm>>
    %dma_start3A_96 = tpu.memref_slice %arg3[%mul3A_88] : memref<640000xi32, #tpu.memory_space<hbm>> -> memref<4000xi32, #tpu.memory_space<hbm>>
    tpu.enqueue_dma source(%dma_start3A_96 : memref<4000xi32, #tpu.memory_space<hbm>>) target(%arg8 : memref<4000xi32, #tpu.memory_space<vmem>>) target_semaphore(%arg20 : memref<!tpu.dma_semaphore, #tpu.memory_space<semaphore_mem>>)
    %dma_start3A_97 = tpu.memref_slice %arg4[%mul3A_88] : memref<640000xf32, #tpu.memory_space<hbm>> -> memref<4000xf32, #tpu.memory_space<hbm>>
    %dma_start3A_98 = tpu.memref_slice %arg4[%mul3A_88] : memref<640000xf32, #tpu.memory_space<hbm>> -> memref<4000xf32, #tpu.memory_space<hbm>>
    tpu.enqueue_dma source(%dma_start3A_98 : memref<4000xf32, #tpu.memory_space<hbm>>) target(%arg9 : memref<4000xf32, #tpu.memory_space<vmem>>) target_semaphore(%arg20 : memref<!tpu.dma_semaphore, #tpu.memory_space<semaphore_mem>>)
    %dma_start3A_99 = tpu.memref_slice %arg5[%mul3A_88] : memref<1920000xf32, #tpu.memory_space<hbm>> -> memref<4000xf32, #tpu.memory_space<hbm>>
    %dma_start3A_100 = tpu.memref_slice %arg5[%mul3A_88] : memref<1920000xf32, #tpu.memory_space<hbm>> -> memref<4000xf32, #tpu.memory_space<hbm>>
    tpu.enqueue_dma source(%dma_start3A_100 : memref<4000xf32, #tpu.memory_space<hbm>>) target(%arg10 : memref<4000xf32, #tpu.memory_space<vmem>>) target_semaphore(%arg20 : memref<!tpu.dma_semaphore, #tpu.memory_space<semaphore_mem>>)
    %dma_start3A_101 = tpu.memref_slice %arg5[%add3A_90] : memref<1920000xf32, #tpu.memory_space<hbm>> -> memref<4000xf32, #tpu.memory_space<hbm>>
    %dma_start3A_102 = tpu.memref_slice %arg5[%add3A_90] : memref<1920000xf32, #tpu.memory_space<hbm>> -> memref<4000xf32, #tpu.memory_space<hbm>>
    tpu.enqueue_dma source(%dma_start3A_102 : memref<4000xf32, #tpu.memory_space<hbm>>) target(%arg11 : memref<4000xf32, #tpu.memory_space<vmem>>) target_semaphore(%arg20 : memref<!tpu.dma_semaphore, #tpu.memory_space<semaphore_mem>>)
    %dma_start3A_103 = tpu.memref_slice %arg5[%add3A_92] : memref<1920000xf32, #tpu.memory_space<hbm>> -> memref<4000xf32, #tpu.memory_space<hbm>>
    %dma_start3A_104 = tpu.memref_slice %arg5[%add3A_92] : memref<1920000xf32, #tpu.memory_space<hbm>> -> memref<4000xf32, #tpu.memory_space<hbm>>
    tpu.enqueue_dma source(%dma_start3A_104 : memref<4000xf32, #tpu.memory_space<hbm>>) target(%arg12 : memref<4000xf32, #tpu.memory_space<vmem>>) target_semaphore(%arg20 : memref<!tpu.dma_semaphore, #tpu.memory_space<semaphore_mem>>)
    %parallel_loop3A_105 = arith.constant 0 : i32
    %parallel_loop3A_106 = arith.constant 250 : i32
    %parallel_loop3A_107 = arith.constant 1 : i32
    scf.for %parallel_loop3A_233 = %parallel_loop3A_105 to %parallel_loop3A_106 step %parallel_loop3A_107  : i32 {
      %parallel_loop3A_234 = arith.constant 16 : i32
      %parallel_loop3A_235 = arith.muli %parallel_loop3A_233, %parallel_loop3A_234 : i32
      %parallel_loop3A_236 = arith.index_cast %parallel_loop3A_235 : i32 to index
      %parallel_loop3A_237 = tpu.vector_load %arg15[%parallel_loop3A_236] {strides = array<i32>} : memref<4000xf32, #tpu.memory_space<vmem>>, vector<16xf32>,
      %parallel_loop3A_238 = arith.index_cast %parallel_loop3A_235 : i32 to index
      %parallel_loop3A_239 = tpu.vector_load %arg13[%parallel_loop3A_238] {strides = array<i32>} : memref<4000xi32, #tpu.memory_space<vmem>>, vector<16xi32>,
      %parallel_loop3A_240 = arith.index_cast %parallel_loop3A_235 : i32 to index
      %parallel_loop3A_241 = tpu.vector_load %arg14[%parallel_loop3A_240] {strides = array<i32>} : memref<4000xi32, #tpu.memory_space<vmem>>, vector<16xi32>,
      %parallel_loop3A_242 = arith.constant 16 : i32
      %parallel_loop3A_243 = vector.broadcast %parallel_loop3A_242 : i32 to vector<16xi32>
      %parallel_loop3A_244 = arith.shli %parallel_loop3A_241, %parallel_loop3A_243 : vector<16xi32>
      %parallel_loop3A_245 = arith.ori %parallel_loop3A_239, %parallel_loop3A_244 : vector<16xi32>
      %parallel_loop3A_246 = arith.index_cast %parallel_loop3A_235 : i32 to index
      %parallel_loop3A_247 = tpu.vector_load %arg19[%parallel_loop3A_246] {strides = array<i32>} : memref<20000xi32, #tpu.memory_space<vmem>>, vector<16xi32>,
      tpu.vector_store %arg19[%parallel_loop3A_246], %parallel_loop3A_245 {strides = array<i32>} : memref<20000xi32, #tpu.memory_space<vmem>>, vector<16xi32>,
      %parallel_loop3A_248 = vector.bitcast %parallel_loop3A_237 : vector<16xf32> to vector<16xi32>
      %parallel_loop3A_249 = arith.constant 16 : i32
      %parallel_loop3A_250 = arith.muli %parallel_loop3A_233, %parallel_loop3A_249 : i32
      %parallel_loop3A_251 = arith.constant 4000 : i32
      %parallel_loop3A_252 = arith.addi %parallel_loop3A_251, %parallel_loop3A_250 : i32
      %parallel_loop3A_253 = arith.index_cast %parallel_loop3A_252 : i32 to index
      %parallel_loop3A_254 = tpu.vector_load %arg19[%parallel_loop3A_253] {strides = array<i32>} : memref<20000xi32, #tpu.memory_space<vmem>>, vector<16xi32>,
      tpu.vector_store %arg19[%parallel_loop3A_253], %parallel_loop3A_248 {strides = array<i32>} : memref<20000xi32, #tpu.memory_space<vmem>>, vector<16xi32>,
      %parallel_loop3A_255 = arith.index_cast %parallel_loop3A_235 : i32 to index
      %parallel_loop3A_256 = tpu.vector_load %arg16[%parallel_loop3A_255] {strides = array<i32>} : memref<4000xf32, #tpu.memory_space<vmem>>, vector<16xf32>,
      %parallel_loop3A_257 = arith.mulf %parallel_loop3A_237, %parallel_loop3A_256 : vector<16xf32>
      %parallel_loop3A_258 = vector.bitcast %parallel_loop3A_257 : vector<16xf32> to vector<16xi32>
      %parallel_loop3A_259 = arith.constant 16 : i32
      %parallel_loop3A_260 = arith.muli %parallel_loop3A_233, %parallel_loop3A_259 : i32
      %parallel_loop3A_261 = arith.constant 8000 : i32
      %parallel_loop3A_262 = arith.addi %parallel_loop3A_261, %parallel_loop3A_260 : i32
      %parallel_loop3A_263 = arith.index_cast %parallel_loop3A_262 : i32 to index
      %parallel_loop3A_264 = tpu.vector_load %arg19[%parallel_loop3A_263] {strides = array<i32>} : memref<20000xi32, #tpu.memory_space<vmem>>, vector<16xi32>,
      tpu.vector_store %arg19[%parallel_loop3A_263], %parallel_loop3A_258 {strides = array<i32>} : memref<20000xi32, #tpu.memory_space<vmem>>, vector<16xi32>,
      %parallel_loop3A_265 = arith.index_cast %parallel_loop3A_235 : i32 to index
      %parallel_loop3A_266 = tpu.vector_load %arg17[%parallel_loop3A_265] {strides = array<i32>} : memref<4000xf32, #tpu.memory_space<vmem>>, vector<16xf32>,
      %parallel_loop3A_267 = arith.mulf %parallel_loop3A_237, %parallel_loop3A_266 : vector<16xf32>
      %parallel_loop3A_268 = vector.bitcast %parallel_loop3A_267 : vector<16xf32> to vector<16xi32>
      %parallel_loop3A_269 = arith.constant 16 : i32
      %parallel_loop3A_270 = arith.muli %parallel_loop3A_233, %parallel_loop3A_269 : i32
      %parallel_loop3A_271 = arith.constant 12000 : i32
      %parallel_loop3A_272 = arith.addi %parallel_loop3A_271, %parallel_loop3A_270 : i32
      %parallel_loop3A_273 = arith.index_cast %parallel_loop3A_272 : i32 to index
      %parallel_loop3A_274 = tpu.vector_load %arg19[%parallel_loop3A_273] {strides = array<i32>} : memref<20000xi32, #tpu.memory_space<vmem>>, vector<16xi32>,
      tpu.vector_store %arg19[%parallel_loop3A_273], %parallel_loop3A_268 {strides = array<i32>} : memref<20000xi32, #tpu.memory_space<vmem>>, vector<16xi32>,
      %parallel_loop3A_275 = arith.index_cast %parallel_loop3A_235 : i32 to index
      %parallel_loop3A_276 = tpu.vector_load %arg18[%parallel_loop3A_275] {strides = array<i32>} : memref<4000xf32, #tpu.memory_space<vmem>>, vector<16xf32>,
      %parallel_loop3A_277 = arith.mulf %parallel_loop3A_237, %parallel_loop3A_276 : vector<16xf32>
      %parallel_loop3A_278 = vector.bitcast %parallel_loop3A_277 : vector<16xf32> to vector<16xi32>
      %parallel_loop3A_279 = arith.constant 16 : i32
      %parallel_loop3A_280 = arith.muli %parallel_loop3A_233, %parallel_loop3A_279 : i32
      %parallel_loop3A_281 = arith.constant 16000 : i32
      %parallel_loop3A_282 = arith.addi %parallel_loop3A_281, %parallel_loop3A_280 : i32
      %parallel_loop3A_283 = arith.index_cast %parallel_loop3A_282 : i32 to index
      %parallel_loop3A_284 = tpu.vector_load %arg19[%parallel_loop3A_283] {strides = array<i32>} : memref<20000xi32, #tpu.memory_space<vmem>>, vector<16xi32>,
      tpu.vector_store %arg19[%parallel_loop3A_283], %parallel_loop3A_278 {strides = array<i32>} : memref<20000xi32, #tpu.memory_space<vmem>>, vector<16xi32>,
    } {sc.loop_unroll_factor = 2 : i64, sc.parallel_access}
    %mul3A_108 = arith.constant 5 : i32
    %mul3A_109 = arith.muli %mul3A_108, %add3A_66 : i32
    %mul3A_110 = arith.constant 4000 : i32
    %mul3A_111 = arith.muli %mul3A_109, %mul3A_110 : i32
    "tpu.region"() ({
      %run_scoped3A = tpu.sem_alloc : memref<!tpu.dma_semaphore, #tpu.memory_space<semaphore_mem>>
      %dma_start3A_233 = tpu.memref_slice %arg6[%mul3A_111] : memref<3200000xi32, #tpu.memory_space<hbm>> -> memref<20000xi32, #tpu.memory_space<hbm>>
      %dma_start3A_234 = tpu.memref_slice %arg6[%mul3A_111] : memref<3200000xi32, #tpu.memory_space<hbm>> -> memref<20000xi32, #tpu.memory_space<hbm>>
      tpu.enqueue_dma source(%arg19 : memref<20000xi32, #tpu.memory_space<vmem>>) target(%dma_start3A_234 : memref<20000xi32, #tpu.memory_space<hbm>>) target_semaphore(%run_scoped3A : memref<!tpu.dma_semaphore, #tpu.memory_space<semaphore_mem>>)
      %dma_wait3A_235 = tpu.memref_slice %arg6[%mul3A_111] : memref<3200000xi32, #tpu.memory_space<hbm>> -> memref<20000xi32, #tpu.memory_space<hbm>>
      %dma_wait3A_236 = tpu.memref_slice %arg6[%mul3A_111] : memref<3200000xi32, #tpu.memory_space<hbm>> -> memref<20000xi32, #tpu.memory_space<hbm>>
      tpu.wait_dma2 semaphore(%run_scoped3A : memref<!tpu.dma_semaphore, #tpu.memory_space<semaphore_mem>>) src(%arg19 : memref<20000xi32, #tpu.memory_space<vmem>>) dst(%dma_wait3A_236 : memref<20000xi32, #tpu.memory_space<hbm>>)
      tpu.yield
    }) : () -> ()
    %add3A_112 = arith.constant 2 : i32
    %add3A_113 = arith.addi %mul3A_2, %add3A_112 : i32
    %mul3A_114 = arith.constant 4000 : i32
    %mul3A_115 = arith.muli %add3A_113, %mul3A_114 : i32
    %add3A_116 = arith.constant 640000 : i32
    %add3A_117 = arith.addi %add3A_116, %mul3A_115 : i32
    %add3A_118 = arith.constant 1280000 : i32
    %add3A_119 = arith.addi %add3A_118, %mul3A_115 : i32
    %dma_wait3A_120 = tpu.memref_slice %arg2[%mul3A_115] : memref<640000xi32, #tpu.memory_space<hbm>> -> memref<4000xi32, #tpu.memory_space<hbm>>
    %dma_wait3A_121 = tpu.memref_slice %arg2[%mul3A_115] : memref<640000xi32, #tpu.memory_space<hbm>> -> memref<4000xi32, #tpu.memory_space<hbm>>
    tpu.wait_dma2 semaphore(%arg20 : memref<!tpu.dma_semaphore, #tpu.memory_space<semaphore_mem>>) src(%dma_wait3A_121 : memref<4000xi32, #tpu.memory_space<hbm>>) dst(%arg7 : memref<4000xi32, #tpu.memory_space<vmem>>)
    %dma_wait3A_122 = tpu.memref_slice %arg3[%mul3A_115] : memref<640000xi32, #tpu.memory_space<hbm>> -> memref<4000xi32, #tpu.memory_space<hbm>>
    %dma_wait3A_123 = tpu.memref_slice %arg3[%mul3A_115] : memref<640000xi32, #tpu.memory_space<hbm>> -> memref<4000xi32, #tpu.memory_space<hbm>>
    tpu.wait_dma2 semaphore(%arg20 : memref<!tpu.dma_semaphore, #tpu.memory_space<semaphore_mem>>) src(%dma_wait3A_123 : memref<4000xi32, #tpu.memory_space<hbm>>) dst(%arg8 : memref<4000xi32, #tpu.memory_space<vmem>>)
    %dma_wait3A_124 = tpu.memref_slice %arg4[%mul3A_115] : memref<640000xf32, #tpu.memory_space<hbm>> -> memref<4000xf32, #tpu.memory_space<hbm>>
    %dma_wait3A_125 = tpu.memref_slice %arg4[%mul3A_115] : memref<640000xf32, #tpu.memory_space<hbm>> -> memref<4000xf32, #tpu.memory_space<hbm>>
    tpu.wait_dma2 semaphore(%arg20 : memref<!tpu.dma_semaphore, #tpu.memory_space<semaphore_mem>>) src(%dma_wait3A_125 : memref<4000xf32, #tpu.memory_space<hbm>>) dst(%arg9 : memref<4000xf32, #tpu.memory_space<vmem>>)
    %dma_wait3A_126 = tpu.memref_slice %arg5[%mul3A_115] : memref<1920000xf32, #tpu.memory_space<hbm>> -> memref<4000xf32, #tpu.memory_space<hbm>>
    %dma_wait3A_127 = tpu.memref_slice %arg5[%mul3A_115] : memref<1920000xf32, #tpu.memory_space<hbm>> -> memref<4000xf32, #tpu.memory_space<hbm>>
    tpu.wait_dma2 semaphore(%arg20 : memref<!tpu.dma_semaphore, #tpu.memory_space<semaphore_mem>>) src(%dma_wait3A_127 : memref<4000xf32, #tpu.memory_space<hbm>>) dst(%arg10 : memref<4000xf32, #tpu.memory_space<vmem>>)
    %dma_wait3A_128 = tpu.memref_slice %arg5[%add3A_117] : memref<1920000xf32, #tpu.memory_space<hbm>> -> memref<4000xf32, #tpu.memory_space<hbm>>
    %dma_wait3A_129 = tpu.memref_slice %arg5[%add3A_117] : memref<1920000xf32, #tpu.memory_space<hbm>> -> memref<4000xf32, #tpu.memory_space<hbm>>
    tpu.wait_dma2 semaphore(%arg20 : memref<!tpu.dma_semaphore, #tpu.memory_space<semaphore_mem>>) src(%dma_wait3A_129 : memref<4000xf32, #tpu.memory_space<hbm>>) dst(%arg11 : memref<4000xf32, #tpu.memory_space<vmem>>)
    %dma_wait3A_130 = tpu.memref_slice %arg5[%add3A_119] : memref<1920000xf32, #tpu.memory_space<hbm>> -> memref<4000xf32, #tpu.memory_space<hbm>>
    %dma_wait3A_131 = tpu.memref_slice %arg5[%add3A_119] : memref<1920000xf32, #tpu.memory_space<hbm>> -> memref<4000xf32, #tpu.memory_space<hbm>>
    tpu.wait_dma2 semaphore(%arg20 : memref<!tpu.dma_semaphore, #tpu.memory_space<semaphore_mem>>) src(%dma_wait3A_131 : memref<4000xf32, #tpu.memory_space<hbm>>) dst(%arg12 : memref<4000xf32, #tpu.memory_space<vmem>>)
    %add3A_132 = arith.constant 1 : i32
    %add3A_133 = arith.addi %add3A_113, %add3A_132 : i32
    %mul3A_134 = arith.constant 4000 : i32
    %mul3A_135 = arith.muli %add3A_133, %mul3A_134 : i32
    %add3A_136 = arith.constant 640000 : i32
    %add3A_137 = arith.addi %add3A_136, %mul3A_135 : i32
    %add3A_138 = arith.constant 1280000 : i32
    %add3A_139 = arith.addi %add3A_138, %mul3A_135 : i32
    %dma_start3A_140 = tpu.memref_slice %arg2[%mul3A_135] : memref<640000xi32, #tpu.memory_space<hbm>> -> memref<4000xi32, #tpu.memory_space<hbm>>
    %dma_start3A_141 = tpu.memref_slice %arg2[%mul3A_135] : memref<640000xi32, #tpu.memory_space<hbm>> -> memref<4000xi32, #tpu.memory_space<hbm>>
    tpu.enqueue_dma source(%dma_start3A_141 : memref<4000xi32, #tpu.memory_space<hbm>>) target(%arg13 : memref<4000xi32, #tpu.memory_space<vmem>>) target_semaphore(%arg21 : memref<!tpu.dma_semaphore, #tpu.memory_space<semaphore_mem>>)
    %dma_start3A_142 = tpu.memref_slice %arg3[%mul3A_135] : memref<640000xi32, #tpu.memory_space<hbm>> -> memref<4000xi32, #tpu.memory_space<hbm>>
    %dma_start3A_143 = tpu.memref_slice %arg3[%mul3A_135] : memref<640000xi32, #tpu.memory_space<hbm>> -> memref<4000xi32, #tpu.memory_space<hbm>>
    tpu.enqueue_dma source(%dma_start3A_143 : memref<4000xi32, #tpu.memory_space<hbm>>) target(%arg14 : memref<4000xi32, #tpu.memory_space<vmem>>) target_semaphore(%arg21 : memref<!tpu.dma_semaphore, #tpu.memory_space<semaphore_mem>>)
    %dma_start3A_144 = tpu.memref_slice %arg4[%mul3A_135] : memref<640000xf32, #tpu.memory_space<hbm>> -> memref<4000xf32, #tpu.memory_space<hbm>>
    %dma_start3A_145 = tpu.memref_slice %arg4[%mul3A_135] : memref<640000xf32, #tpu.memory_space<hbm>> -> memref<4000xf32, #tpu.memory_space<hbm>>
    tpu.enqueue_dma source(%dma_start3A_145 : memref<4000xf32, #tpu.memory_space<hbm>>) target(%arg15 : memref<4000xf32, #tpu.memory_space<vmem>>) target_semaphore(%arg21 : memref<!tpu.dma_semaphore, #tpu.memory_space<semaphore_mem>>)
    %dma_start3A_146 = tpu.memref_slice %arg5[%mul3A_135] : memref<1920000xf32, #tpu.memory_space<hbm>> -> memref<4000xf32, #tpu.memory_space<hbm>>
    %dma_start3A_147 = tpu.memref_slice %arg5[%mul3A_135] : memref<1920000xf32, #tpu.memory_space<hbm>> -> memref<4000xf32, #tpu.memory_space<hbm>>
    tpu.enqueue_dma source(%dma_start3A_147 : memref<4000xf32, #tpu.memory_space<hbm>>) target(%arg16 : memref<4000xf32, #tpu.memory_space<vmem>>) target_semaphore(%arg21 : memref<!tpu.dma_semaphore, #tpu.memory_space<semaphore_mem>>)
    %dma_start3A_148 = tpu.memref_slice %arg5[%add3A_137] : memref<1920000xf32, #tpu.memory_space<hbm>> -> memref<4000xf32, #tpu.memory_space<hbm>>
    %dma_start3A_149 = tpu.memref_slice %arg5[%add3A_137] : memref<1920000xf32, #tpu.memory_space<hbm>> -> memref<4000xf32, #tpu.memory_space<hbm>>
    tpu.enqueue_dma source(%dma_start3A_149 : memref<4000xf32, #tpu.memory_space<hbm>>) target(%arg17 : memref<4000xf32, #tpu.memory_space<vmem>>) target_semaphore(%arg21 : memref<!tpu.dma_semaphore, #tpu.memory_space<semaphore_mem>>)
    %dma_start3A_150 = tpu.memref_slice %arg5[%add3A_139] : memref<1920000xf32, #tpu.memory_space<hbm>> -> memref<4000xf32, #tpu.memory_space<hbm>>
    %dma_start3A_151 = tpu.memref_slice %arg5[%add3A_139] : memref<1920000xf32, #tpu.memory_space<hbm>> -> memref<4000xf32, #tpu.memory_space<hbm>>
    tpu.enqueue_dma source(%dma_start3A_151 : memref<4000xf32, #tpu.memory_space<hbm>>) target(%arg18 : memref<4000xf32, #tpu.memory_space<vmem>>) target_semaphore(%arg21 : memref<!tpu.dma_semaphore, #tpu.memory_space<semaphore_mem>>)
    %parallel_loop3A_152 = arith.constant 0 : i32
    %parallel_loop3A_153 = arith.constant 250 : i32
    %parallel_loop3A_154 = arith.constant 1 : i32
    scf.for %parallel_loop3A_233 = %parallel_loop3A_152 to %parallel_loop3A_153 step %parallel_loop3A_154  : i32 {
      %parallel_loop3A_234 = arith.constant 16 : i32
      %parallel_loop3A_235 = arith.muli %parallel_loop3A_233, %parallel_loop3A_234 : i32
      %parallel_loop3A_236 = arith.index_cast %parallel_loop3A_235 : i32 to index
      %parallel_loop3A_237 = tpu.vector_load %arg9[%parallel_loop3A_236] {strides = array<i32>} : memref<4000xf32, #tpu.memory_space<vmem>>, vector<16xf32>,
      %parallel_loop3A_238 = arith.index_cast %parallel_loop3A_235 : i32 to index
      %parallel_loop3A_239 = tpu.vector_load %arg7[%parallel_loop3A_238] {strides = array<i32>} : memref<4000xi32, #tpu.memory_space<vmem>>, vector<16xi32>,
      %parallel_loop3A_240 = arith.index_cast %parallel_loop3A_235 : i32 to index
      %parallel_loop3A_241 = tpu.vector_load %arg8[%parallel_loop3A_240] {strides = array<i32>} : memref<4000xi32, #tpu.memory_space<vmem>>, vector<16xi32>,
      %parallel_loop3A_242 = arith.constant 16 : i32
      %parallel_loop3A_243 = vector.broadcast %parallel_loop3A_242 : i32 to vector<16xi32>
      %parallel_loop3A_244 = arith.shli %parallel_loop3A_241, %parallel_loop3A_243 : vector<16xi32>
      %parallel_loop3A_245 = arith.ori %parallel_loop3A_239, %parallel_loop3A_244 : vector<16xi32>
      %parallel_loop3A_246 = arith.index_cast %parallel_loop3A_235 : i32 to index
      %parallel_loop3A_247 = tpu.vector_load %arg19[%parallel_loop3A_246] {strides = array<i32>} : memref<20000xi32, #tpu.memory_space<vmem>>, vector<16xi32>,
      tpu.vector_store %arg19[%parallel_loop3A_246], %parallel_loop3A_245 {strides = array<i32>} : memref<20000xi32, #tpu.memory_space<vmem>>, vector<16xi32>,
      %parallel_loop3A_248 = vector.bitcast %parallel_loop3A_237 : vector<16xf32> to vector<16xi32>
      %parallel_loop3A_249 = arith.constant 16 : i32
      %parallel_loop3A_250 = arith.muli %parallel_loop3A_233, %parallel_loop3A_249 : i32
      %parallel_loop3A_251 = arith.constant 4000 : i32
      %parallel_loop3A_252 = arith.addi %parallel_loop3A_251, %parallel_loop3A_250 : i32
      %parallel_loop3A_253 = arith.index_cast %parallel_loop3A_252 : i32 to index
      %parallel_loop3A_254 = tpu.vector_load %arg19[%parallel_loop3A_253] {strides = array<i32>} : memref<20000xi32, #tpu.memory_space<vmem>>, vector<16xi32>,
      tpu.vector_store %arg19[%parallel_loop3A_253], %parallel_loop3A_248 {strides = array<i32>} : memref<20000xi32, #tpu.memory_space<vmem>>, vector<16xi32>,
      %parallel_loop3A_255 = arith.index_cast %parallel_loop3A_235 : i32 to index
      %parallel_loop3A_256 = tpu.vector_load %arg10[%parallel_loop3A_255] {strides = array<i32>} : memref<4000xf32, #tpu.memory_space<vmem>>, vector<16xf32>,
      %parallel_loop3A_257 = arith.mulf %parallel_loop3A_237, %parallel_loop3A_256 : vector<16xf32>
      %parallel_loop3A_258 = vector.bitcast %parallel_loop3A_257 : vector<16xf32> to vector<16xi32>
      %parallel_loop3A_259 = arith.constant 16 : i32
      %parallel_loop3A_260 = arith.muli %parallel_loop3A_233, %parallel_loop3A_259 : i32
      %parallel_loop3A_261 = arith.constant 8000 : i32
      %parallel_loop3A_262 = arith.addi %parallel_loop3A_261, %parallel_loop3A_260 : i32
      %parallel_loop3A_263 = arith.index_cast %parallel_loop3A_262 : i32 to index
      %parallel_loop3A_264 = tpu.vector_load %arg19[%parallel_loop3A_263] {strides = array<i32>} : memref<20000xi32, #tpu.memory_space<vmem>>, vector<16xi32>,
      tpu.vector_store %arg19[%parallel_loop3A_263], %parallel_loop3A_258 {strides = array<i32>} : memref<20000xi32, #tpu.memory_space<vmem>>, vector<16xi32>,
      %parallel_loop3A_265 = arith.index_cast %parallel_loop3A_235 : i32 to index
      %parallel_loop3A_266 = tpu.vector_load %arg11[%parallel_loop3A_265] {strides = array<i32>} : memref<4000xf32, #tpu.memory_space<vmem>>, vector<16xf32>,
      %parallel_loop3A_267 = arith.mulf %parallel_loop3A_237, %parallel_loop3A_266 : vector<16xf32>
      %parallel_loop3A_268 = vector.bitcast %parallel_loop3A_267 : vector<16xf32> to vector<16xi32>
      %parallel_loop3A_269 = arith.constant 16 : i32
      %parallel_loop3A_270 = arith.muli %parallel_loop3A_233, %parallel_loop3A_269 : i32
      %parallel_loop3A_271 = arith.constant 12000 : i32
      %parallel_loop3A_272 = arith.addi %parallel_loop3A_271, %parallel_loop3A_270 : i32
      %parallel_loop3A_273 = arith.index_cast %parallel_loop3A_272 : i32 to index
      %parallel_loop3A_274 = tpu.vector_load %arg19[%parallel_loop3A_273] {strides = array<i32>} : memref<20000xi32, #tpu.memory_space<vmem>>, vector<16xi32>,
      tpu.vector_store %arg19[%parallel_loop3A_273], %parallel_loop3A_268 {strides = array<i32>} : memref<20000xi32, #tpu.memory_space<vmem>>, vector<16xi32>,
      %parallel_loop3A_275 = arith.index_cast %parallel_loop3A_235 : i32 to index
      %parallel_loop3A_276 = tpu.vector_load %arg12[%parallel_loop3A_275] {strides = array<i32>} : memref<4000xf32, #tpu.memory_space<vmem>>, vector<16xf32>,
      %parallel_loop3A_277 = arith.mulf %parallel_loop3A_237, %parallel_loop3A_276 : vector<16xf32>
      %parallel_loop3A_278 = vector.bitcast %parallel_loop3A_277 : vector<16xf32> to vector<16xi32>
      %parallel_loop3A_279 = arith.constant 16 : i32
      %parallel_loop3A_280 = arith.muli %parallel_loop3A_233, %parallel_loop3A_279 : i32
      %parallel_loop3A_281 = arith.constant 16000 : i32
      %parallel_loop3A_282 = arith.addi %parallel_loop3A_281, %parallel_loop3A_280 : i32
      %parallel_loop3A_283 = arith.index_cast %parallel_loop3A_282 : i32 to index
      %parallel_loop3A_284 = tpu.vector_load %arg19[%parallel_loop3A_283] {strides = array<i32>} : memref<20000xi32, #tpu.memory_space<vmem>>, vector<16xi32>,
      tpu.vector_store %arg19[%parallel_loop3A_283], %parallel_loop3A_278 {strides = array<i32>} : memref<20000xi32, #tpu.memory_space<vmem>>, vector<16xi32>,
    } {sc.loop_unroll_factor = 2 : i64, sc.parallel_access}
    %mul3A_155 = arith.constant 5 : i32
    %mul3A_156 = arith.muli %mul3A_155, %add3A_113 : i32
    %mul3A_157 = arith.constant 4000 : i32
    %mul3A_158 = arith.muli %mul3A_156, %mul3A_157 : i32
    "tpu.region"() ({
      %run_scoped3A = tpu.sem_alloc : memref<!tpu.dma_semaphore, #tpu.memory_space<semaphore_mem>>
      %dma_start3A_233 = tpu.memref_slice %arg6[%mul3A_158] : memref<3200000xi32, #tpu.memory_space<hbm>> -> memref<20000xi32, #tpu.memory_space<hbm>>
      %dma_start3A_234 = tpu.memref_slice %arg6[%mul3A_158] : memref<3200000xi32, #tpu.memory_space<hbm>> -> memref<20000xi32, #tpu.memory_space<hbm>>
      tpu.enqueue_dma source(%arg19 : memref<20000xi32, #tpu.memory_space<vmem>>) target(%dma_start3A_234 : memref<20000xi32, #tpu.memory_space<hbm>>) target_semaphore(%run_scoped3A : memref<!tpu.dma_semaphore, #tpu.memory_space<semaphore_mem>>)
      %dma_wait3A_235 = tpu.memref_slice %arg6[%mul3A_158] : memref<3200000xi32, #tpu.memory_space<hbm>> -> memref<20000xi32, #tpu.memory_space<hbm>>
      %dma_wait3A_236 = tpu.memref_slice %arg6[%mul3A_158] : memref<3200000xi32, #tpu.memory_space<hbm>> -> memref<20000xi32, #tpu.memory_space<hbm>>
      tpu.wait_dma2 semaphore(%run_scoped3A : memref<!tpu.dma_semaphore, #tpu.memory_space<semaphore_mem>>) src(%arg19 : memref<20000xi32, #tpu.memory_space<vmem>>) dst(%dma_wait3A_236 : memref<20000xi32, #tpu.memory_space<hbm>>)
      tpu.yield
    }) : () -> ()
    %add3A_159 = arith.constant 3 : i32
    %add3A_160 = arith.addi %mul3A_2, %add3A_159 : i32
    %mul3A_161 = arith.constant 4000 : i32
    %mul3A_162 = arith.muli %add3A_160, %mul3A_161 : i32
    %add3A_163 = arith.constant 640000 : i32
    %add3A_164 = arith.addi %add3A_163, %mul3A_162 : i32
    %add3A_165 = arith.constant 1280000 : i32
    %add3A_166 = arith.addi %add3A_165, %mul3A_162 : i32
    %dma_wait3A_167 = tpu.memref_slice %arg2[%mul3A_162] : memref<640000xi32, #tpu.memory_space<hbm>> -> memref<4000xi32, #tpu.memory_space<hbm>>
    %dma_wait3A_168 = tpu.memref_slice %arg2[%mul3A_162] : memref<640000xi32, #tpu.memory_space<hbm>> -> memref<4000xi32, #tpu.memory_space<hbm>>
    tpu.wait_dma2 semaphore(%arg21 : memref<!tpu.dma_semaphore, #tpu.memory_space<semaphore_mem>>) src(%dma_wait3A_168 : memref<4000xi32, #tpu.memory_space<hbm>>) dst(%arg13 : memref<4000xi32, #tpu.memory_space<vmem>>)
    %dma_wait3A_169 = tpu.memref_slice %arg3[%mul3A_162] : memref<640000xi32, #tpu.memory_space<hbm>> -> memref<4000xi32, #tpu.memory_space<hbm>>
    %dma_wait3A_170 = tpu.memref_slice %arg3[%mul3A_162] : memref<640000xi32, #tpu.memory_space<hbm>> -> memref<4000xi32, #tpu.memory_space<hbm>>
    tpu.wait_dma2 semaphore(%arg21 : memref<!tpu.dma_semaphore, #tpu.memory_space<semaphore_mem>>) src(%dma_wait3A_170 : memref<4000xi32, #tpu.memory_space<hbm>>) dst(%arg14 : memref<4000xi32, #tpu.memory_space<vmem>>)
    %dma_wait3A_171 = tpu.memref_slice %arg4[%mul3A_162] : memref<640000xf32, #tpu.memory_space<hbm>> -> memref<4000xf32, #tpu.memory_space<hbm>>
    %dma_wait3A_172 = tpu.memref_slice %arg4[%mul3A_162] : memref<640000xf32, #tpu.memory_space<hbm>> -> memref<4000xf32, #tpu.memory_space<hbm>>
    tpu.wait_dma2 semaphore(%arg21 : memref<!tpu.dma_semaphore, #tpu.memory_space<semaphore_mem>>) src(%dma_wait3A_172 : memref<4000xf32, #tpu.memory_space<hbm>>) dst(%arg15 : memref<4000xf32, #tpu.memory_space<vmem>>)
    %dma_wait3A_173 = tpu.memref_slice %arg5[%mul3A_162] : memref<1920000xf32, #tpu.memory_space<hbm>> -> memref<4000xf32, #tpu.memory_space<hbm>>
    %dma_wait3A_174 = tpu.memref_slice %arg5[%mul3A_162] : memref<1920000xf32, #tpu.memory_space<hbm>> -> memref<4000xf32, #tpu.memory_space<hbm>>
    tpu.wait_dma2 semaphore(%arg21 : memref<!tpu.dma_semaphore, #tpu.memory_space<semaphore_mem>>) src(%dma_wait3A_174 : memref<4000xf32, #tpu.memory_space<hbm>>) dst(%arg16 : memref<4000xf32, #tpu.memory_space<vmem>>)
    %dma_wait3A_175 = tpu.memref_slice %arg5[%add3A_164] : memref<1920000xf32, #tpu.memory_space<hbm>> -> memref<4000xf32, #tpu.memory_space<hbm>>
    %dma_wait3A_176 = tpu.memref_slice %arg5[%add3A_164] : memref<1920000xf32, #tpu.memory_space<hbm>> -> memref<4000xf32, #tpu.memory_space<hbm>>
    tpu.wait_dma2 semaphore(%arg21 : memref<!tpu.dma_semaphore, #tpu.memory_space<semaphore_mem>>) src(%dma_wait3A_176 : memref<4000xf32, #tpu.memory_space<hbm>>) dst(%arg17 : memref<4000xf32, #tpu.memory_space<vmem>>)
    %dma_wait3A_177 = tpu.memref_slice %arg5[%add3A_166] : memref<1920000xf32, #tpu.memory_space<hbm>> -> memref<4000xf32, #tpu.memory_space<hbm>>
    %dma_wait3A_178 = tpu.memref_slice %arg5[%add3A_166] : memref<1920000xf32, #tpu.memory_space<hbm>> -> memref<4000xf32, #tpu.memory_space<hbm>>
    tpu.wait_dma2 semaphore(%arg21 : memref<!tpu.dma_semaphore, #tpu.memory_space<semaphore_mem>>) src(%dma_wait3A_178 : memref<4000xf32, #tpu.memory_space<hbm>>) dst(%arg18 : memref<4000xf32, #tpu.memory_space<vmem>>)
    %add3A_179 = arith.constant 1 : i32
    %add3A_180 = arith.addi %add3A_160, %add3A_179 : i32
    %mul3A_181 = arith.constant 4000 : i32
    %mul3A_182 = arith.muli %add3A_180, %mul3A_181 : i32
    %add3A_183 = arith.constant 640000 : i32
    %add3A_184 = arith.addi %add3A_183, %mul3A_182 : i32
    %add3A_185 = arith.constant 1280000 : i32
    %add3A_186 = arith.addi %add3A_185, %mul3A_182 : i32
    %dma_start3A_187 = tpu.memref_slice %arg2[%mul3A_182] : memref<640000xi32, #tpu.memory_space<hbm>> -> memref<4000xi32, #tpu.memory_space<hbm>>
    %dma_start3A_188 = tpu.memref_slice %arg2[%mul3A_182] : memref<640000xi32, #tpu.memory_space<hbm>> -> memref<4000xi32, #tpu.memory_space<hbm>>
    tpu.enqueue_dma source(%dma_start3A_188 : memref<4000xi32, #tpu.memory_space<hbm>>) target(%arg7 : memref<4000xi32, #tpu.memory_space<vmem>>) target_semaphore(%arg20 : memref<!tpu.dma_semaphore, #tpu.memory_space<semaphore_mem>>)
    %dma_start3A_189 = tpu.memref_slice %arg3[%mul3A_182] : memref<640000xi32, #tpu.memory_space<hbm>> -> memref<4000xi32, #tpu.memory_space<hbm>>
    %dma_start3A_190 = tpu.memref_slice %arg3[%mul3A_182] : memref<640000xi32, #tpu.memory_space<hbm>> -> memref<4000xi32, #tpu.memory_space<hbm>>
    tpu.enqueue_dma source(%dma_start3A_190 : memref<4000xi32, #tpu.memory_space<hbm>>) target(%arg8 : memref<4000xi32, #tpu.memory_space<vmem>>) target_semaphore(%arg20 : memref<!tpu.dma_semaphore, #tpu.memory_space<semaphore_mem>>)
    %dma_start3A_191 = tpu.memref_slice %arg4[%mul3A_182] : memref<640000xf32, #tpu.memory_space<hbm>> -> memref<4000xf32, #tpu.memory_space<hbm>>
    %dma_start3A_192 = tpu.memref_slice %arg4[%mul3A_182] : memref<640000xf32, #tpu.memory_space<hbm>> -> memref<4000xf32, #tpu.memory_space<hbm>>
    tpu.enqueue_dma source(%dma_start3A_192 : memref<4000xf32, #tpu.memory_space<hbm>>) target(%arg9 : memref<4000xf32, #tpu.memory_space<vmem>>) target_semaphore(%arg20 : memref<!tpu.dma_semaphore, #tpu.memory_space<semaphore_mem>>)
    %dma_start3A_193 = tpu.memref_slice %arg5[%mul3A_182] : memref<1920000xf32, #tpu.memory_space<hbm>> -> memref<4000xf32, #tpu.memory_space<hbm>>
    %dma_start3A_194 = tpu.memref_slice %arg5[%mul3A_182] : memref<1920000xf32, #tpu.memory_space<hbm>> -> memref<4000xf32, #tpu.memory_space<hbm>>
    tpu.enqueue_dma source(%dma_start3A_194 : memref<4000xf32, #tpu.memory_space<hbm>>) target(%arg10 : memref<4000xf32, #tpu.memory_space<vmem>>) target_semaphore(%arg20 : memref<!tpu.dma_semaphore, #tpu.memory_space<semaphore_mem>>)
    %dma_start3A_195 = tpu.memref_slice %arg5[%add3A_184] : memref<1920000xf32, #tpu.memory_space<hbm>> -> memref<4000xf32, #tpu.memory_space<hbm>>
    %dma_start3A_196 = tpu.memref_slice %arg5[%add3A_184] : memref<1920000xf32, #tpu.memory_space<hbm>> -> memref<4000xf32, #tpu.memory_space<hbm>>
    tpu.enqueue_dma source(%dma_start3A_196 : memref<4000xf32, #tpu.memory_space<hbm>>) target(%arg11 : memref<4000xf32, #tpu.memory_space<vmem>>) target_semaphore(%arg20 : memref<!tpu.dma_semaphore, #tpu.memory_space<semaphore_mem>>)
    %dma_start3A_197 = tpu.memref_slice %arg5[%add3A_186] : memref<1920000xf32, #tpu.memory_space<hbm>> -> memref<4000xf32, #tpu.memory_space<hbm>>
    %dma_start3A_198 = tpu.memref_slice %arg5[%add3A_186] : memref<1920000xf32, #tpu.memory_space<hbm>> -> memref<4000xf32, #tpu.memory_space<hbm>>
    tpu.enqueue_dma source(%dma_start3A_198 : memref<4000xf32, #tpu.memory_space<hbm>>) target(%arg12 : memref<4000xf32, #tpu.memory_space<vmem>>) target_semaphore(%arg20 : memref<!tpu.dma_semaphore, #tpu.memory_space<semaphore_mem>>)
    %parallel_loop3A_199 = arith.constant 0 : i32
    %parallel_loop3A_200 = arith.constant 250 : i32
    %parallel_loop3A_201 = arith.constant 1 : i32
    scf.for %parallel_loop3A_233 = %parallel_loop3A_199 to %parallel_loop3A_200 step %parallel_loop3A_201  : i32 {
      %parallel_loop3A_234 = arith.constant 16 : i32
      %parallel_loop3A_235 = arith.muli %parallel_loop3A_233, %parallel_loop3A_234 : i32
      %parallel_loop3A_236 = arith.index_cast %parallel_loop3A_235 : i32 to index
      %parallel_loop3A_237 = tpu.vector_load %arg15[%parallel_loop3A_236] {strides = array<i32>} : memref<4000xf32, #tpu.memory_space<vmem>>, vector<16xf32>,
      %parallel_loop3A_238 = arith.index_cast %parallel_loop3A_235 : i32 to index
      %parallel_loop3A_239 = tpu.vector_load %arg13[%parallel_loop3A_238] {strides = array<i32>} : memref<4000xi32, #tpu.memory_space<vmem>>, vector<16xi32>,
      %parallel_loop3A_240 = arith.index_cast %parallel_loop3A_235 : i32 to index
      %parallel_loop3A_241 = tpu.vector_load %arg14[%parallel_loop3A_240] {strides = array<i32>} : memref<4000xi32, #tpu.memory_space<vmem>>, vector<16xi32>,
      %parallel_loop3A_242 = arith.constant 16 : i32
      %parallel_loop3A_243 = vector.broadcast %parallel_loop3A_242 : i32 to vector<16xi32>
      %parallel_loop3A_244 = arith.shli %parallel_loop3A_241, %parallel_loop3A_243 : vector<16xi32>
      %parallel_loop3A_245 = arith.ori %parallel_loop3A_239, %parallel_loop3A_244 : vector<16xi32>
      %parallel_loop3A_246 = arith.index_cast %parallel_loop3A_235 : i32 to index
      %parallel_loop3A_247 = tpu.vector_load %arg19[%parallel_loop3A_246] {strides = array<i32>} : memref<20000xi32, #tpu.memory_space<vmem>>, vector<16xi32>,
      tpu.vector_store %arg19[%parallel_loop3A_246], %parallel_loop3A_245 {strides = array<i32>} : memref<20000xi32, #tpu.memory_space<vmem>>, vector<16xi32>,
      %parallel_loop3A_248 = vector.bitcast %parallel_loop3A_237 : vector<16xf32> to vector<16xi32>
      %parallel_loop3A_249 = arith.constant 16 : i32
      %parallel_loop3A_250 = arith.muli %parallel_loop3A_233, %parallel_loop3A_249 : i32
      %parallel_loop3A_251 = arith.constant 4000 : i32
      %parallel_loop3A_252 = arith.addi %parallel_loop3A_251, %parallel_loop3A_250 : i32
      %parallel_loop3A_253 = arith.index_cast %parallel_loop3A_252 : i32 to index
      %parallel_loop3A_254 = tpu.vector_load %arg19[%parallel_loop3A_253] {strides = array<i32>} : memref<20000xi32, #tpu.memory_space<vmem>>, vector<16xi32>,
      tpu.vector_store %arg19[%parallel_loop3A_253], %parallel_loop3A_248 {strides = array<i32>} : memref<20000xi32, #tpu.memory_space<vmem>>, vector<16xi32>,
      %parallel_loop3A_255 = arith.index_cast %parallel_loop3A_235 : i32 to index
      %parallel_loop3A_256 = tpu.vector_load %arg16[%parallel_loop3A_255] {strides = array<i32>} : memref<4000xf32, #tpu.memory_space<vmem>>, vector<16xf32>,
      %parallel_loop3A_257 = arith.mulf %parallel_loop3A_237, %parallel_loop3A_256 : vector<16xf32>
      %parallel_loop3A_258 = vector.bitcast %parallel_loop3A_257 : vector<16xf32> to vector<16xi32>
      %parallel_loop3A_259 = arith.constant 16 : i32
      %parallel_loop3A_260 = arith.muli %parallel_loop3A_233, %parallel_loop3A_259 : i32
      %parallel_loop3A_261 = arith.constant 8000 : i32
      %parallel_loop3A_262 = arith.addi %parallel_loop3A_261, %parallel_loop3A_260 : i32
      %parallel_loop3A_263 = arith.index_cast %parallel_loop3A_262 : i32 to index
      %parallel_loop3A_264 = tpu.vector_load %arg19[%parallel_loop3A_263] {strides = array<i32>} : memref<20000xi32, #tpu.memory_space<vmem>>, vector<16xi32>,
      tpu.vector_store %arg19[%parallel_loop3A_263], %parallel_loop3A_258 {strides = array<i32>} : memref<20000xi32, #tpu.memory_space<vmem>>, vector<16xi32>,
      %parallel_loop3A_265 = arith.index_cast %parallel_loop3A_235 : i32 to index
      %parallel_loop3A_266 = tpu.vector_load %arg17[%parallel_loop3A_265] {strides = array<i32>} : memref<4000xf32, #tpu.memory_space<vmem>>, vector<16xf32>,
      %parallel_loop3A_267 = arith.mulf %parallel_loop3A_237, %parallel_loop3A_266 : vector<16xf32>
      %parallel_loop3A_268 = vector.bitcast %parallel_loop3A_267 : vector<16xf32> to vector<16xi32>
      %parallel_loop3A_269 = arith.constant 16 : i32
      %parallel_loop3A_270 = arith.muli %parallel_loop3A_233, %parallel_loop3A_269 : i32
      %parallel_loop3A_271 = arith.constant 12000 : i32
      %parallel_loop3A_272 = arith.addi %parallel_loop3A_271, %parallel_loop3A_270 : i32
      %parallel_loop3A_273 = arith.index_cast %parallel_loop3A_272 : i32 to index
      %parallel_loop3A_274 = tpu.vector_load %arg19[%parallel_loop3A_273] {strides = array<i32>} : memref<20000xi32, #tpu.memory_space<vmem>>, vector<16xi32>,
      tpu.vector_store %arg19[%parallel_loop3A_273], %parallel_loop3A_268 {strides = array<i32>} : memref<20000xi32, #tpu.memory_space<vmem>>, vector<16xi32>,
      %parallel_loop3A_275 = arith.index_cast %parallel_loop3A_235 : i32 to index
      %parallel_loop3A_276 = tpu.vector_load %arg18[%parallel_loop3A_275] {strides = array<i32>} : memref<4000xf32, #tpu.memory_space<vmem>>, vector<16xf32>,
      %parallel_loop3A_277 = arith.mulf %parallel_loop3A_237, %parallel_loop3A_276 : vector<16xf32>
      %parallel_loop3A_278 = vector.bitcast %parallel_loop3A_277 : vector<16xf32> to vector<16xi32>
      %parallel_loop3A_279 = arith.constant 16 : i32
      %parallel_loop3A_280 = arith.muli %parallel_loop3A_233, %parallel_loop3A_279 : i32
      %parallel_loop3A_281 = arith.constant 16000 : i32
      %parallel_loop3A_282 = arith.addi %parallel_loop3A_281, %parallel_loop3A_280 : i32
      %parallel_loop3A_283 = arith.index_cast %parallel_loop3A_282 : i32 to index
      %parallel_loop3A_284 = tpu.vector_load %arg19[%parallel_loop3A_283] {strides = array<i32>} : memref<20000xi32, #tpu.memory_space<vmem>>, vector<16xi32>,
      tpu.vector_store %arg19[%parallel_loop3A_283], %parallel_loop3A_278 {strides = array<i32>} : memref<20000xi32, #tpu.memory_space<vmem>>, vector<16xi32>,
    } {sc.loop_unroll_factor = 2 : i64, sc.parallel_access}
    %mul3A_202 = arith.constant 5 : i32
    %mul3A_203 = arith.muli %mul3A_202, %add3A_160 : i32
    %mul3A_204 = arith.constant 4000 : i32
    %mul3A_205 = arith.muli %mul3A_203, %mul3A_204 : i32
    "tpu.region"() ({
      %run_scoped3A = tpu.sem_alloc : memref<!tpu.dma_semaphore, #tpu.memory_space<semaphore_mem>>
      %dma_start3A_233 = tpu.memref_slice %arg6[%mul3A_205] : memref<3200000xi32, #tpu.memory_space<hbm>> -> memref<20000xi32, #tpu.memory_space<hbm>>
      %dma_start3A_234 = tpu.memref_slice %arg6[%mul3A_205] : memref<3200000xi32, #tpu.memory_space<hbm>> -> memref<20000xi32, #tpu.memory_space<hbm>>
      tpu.enqueue_dma source(%arg19 : memref<20000xi32, #tpu.memory_space<vmem>>) target(%dma_start3A_234 : memref<20000xi32, #tpu.memory_space<hbm>>) target_semaphore(%run_scoped3A : memref<!tpu.dma_semaphore, #tpu.memory_space<semaphore_mem>>)
      %dma_wait3A_235 = tpu.memref_slice %arg6[%mul3A_205] : memref<3200000xi32, #tpu.memory_space<hbm>> -> memref<20000xi32, #tpu.memory_space<hbm>>
      %dma_wait3A_236 = tpu.memref_slice %arg6[%mul3A_205] : memref<3200000xi32, #tpu.memory_space<hbm>> -> memref<20000xi32, #tpu.memory_space<hbm>>
      tpu.wait_dma2 semaphore(%run_scoped3A : memref<!tpu.dma_semaphore, #tpu.memory_space<semaphore_mem>>) src(%arg19 : memref<20000xi32, #tpu.memory_space<vmem>>) dst(%dma_wait3A_236 : memref<20000xi32, #tpu.memory_space<hbm>>)
      tpu.yield
    }) : () -> ()
    %add3A_206 = arith.constant 4 : i32
    %add3A_207 = arith.addi %mul3A_2, %add3A_206 : i32
    %mul3A_208 = arith.constant 4000 : i32
    %mul3A_209 = arith.muli %add3A_207, %mul3A_208 : i32
    %add3A_210 = arith.constant 640000 : i32
    %add3A_211 = arith.addi %add3A_210, %mul3A_209 : i32
    %add3A_212 = arith.constant 1280000 : i32
    %add3A_213 = arith.addi %add3A_212, %mul3A_209 : i32
    %dma_wait3A_214 = tpu.memref_slice %arg2[%mul3A_209] : memref<640000xi32, #tpu.memory_space<hbm>> -> memref<4000xi32, #tpu.memory_space<hbm>>
    %dma_wait3A_215 = tpu.memref_slice %arg2[%mul3A_209] : memref<640000xi32, #tpu.memory_space<hbm>> -> memref<4000xi32, #tpu.memory_space<hbm>>
    tpu.wait_dma2 semaphore(%arg20 : memref<!tpu.dma_semaphore, #tpu.memory_space<semaphore_mem>>) src(%dma_wait3A_215 : memref<4000xi32, #tpu.memory_space<hbm>>) dst(%arg7 : memref<4000xi32, #tpu.memory_space<vmem>>)
    %dma_wait3A_216 = tpu.memref_slice %arg3[%mul3A_209] : memref<640000xi32, #tpu.memory_space<hbm>> -> memref<4000xi32, #tpu.memory_space<hbm>>
    %dma_wait3A_217 = tpu.memref_slice %arg3[%mul3A_209] : memref<640000xi32, #tpu.memory_space<hbm>> -> memref<4000xi32, #tpu.memory_space<hbm>>
    tpu.wait_dma2 semaphore(%arg20 : memref<!tpu.dma_semaphore, #tpu.memory_space<semaphore_mem>>) src(%dma_wait3A_217 : memref<4000xi32, #tpu.memory_space<hbm>>) dst(%arg8 : memref<4000xi32, #tpu.memory_space<vmem>>)
    %dma_wait3A_218 = tpu.memref_slice %arg4[%mul3A_209] : memref<640000xf32, #tpu.memory_space<hbm>> -> memref<4000xf32, #tpu.memory_space<hbm>>
    %dma_wait3A_219 = tpu.memref_slice %arg4[%mul3A_209] : memref<640000xf32, #tpu.memory_space<hbm>> -> memref<4000xf32, #tpu.memory_space<hbm>>
    tpu.wait_dma2 semaphore(%arg20 : memref<!tpu.dma_semaphore, #tpu.memory_space<semaphore_mem>>) src(%dma_wait3A_219 : memref<4000xf32, #tpu.memory_space<hbm>>) dst(%arg9 : memref<4000xf32, #tpu.memory_space<vmem>>)
    %dma_wait3A_220 = tpu.memref_slice %arg5[%mul3A_209] : memref<1920000xf32, #tpu.memory_space<hbm>> -> memref<4000xf32, #tpu.memory_space<hbm>>
    %dma_wait3A_221 = tpu.memref_slice %arg5[%mul3A_209] : memref<1920000xf32, #tpu.memory_space<hbm>> -> memref<4000xf32, #tpu.memory_space<hbm>>
    tpu.wait_dma2 semaphore(%arg20 : memref<!tpu.dma_semaphore, #tpu.memory_space<semaphore_mem>>) src(%dma_wait3A_221 : memref<4000xf32, #tpu.memory_space<hbm>>) dst(%arg10 : memref<4000xf32, #tpu.memory_space<vmem>>)
    %dma_wait3A_222 = tpu.memref_slice %arg5[%add3A_211] : memref<1920000xf32, #tpu.memory_space<hbm>> -> memref<4000xf32, #tpu.memory_space<hbm>>
    %dma_wait3A_223 = tpu.memref_slice %arg5[%add3A_211] : memref<1920000xf32, #tpu.memory_space<hbm>> -> memref<4000xf32, #tpu.memory_space<hbm>>
    tpu.wait_dma2 semaphore(%arg20 : memref<!tpu.dma_semaphore, #tpu.memory_space<semaphore_mem>>) src(%dma_wait3A_223 : memref<4000xf32, #tpu.memory_space<hbm>>) dst(%arg11 : memref<4000xf32, #tpu.memory_space<vmem>>)
    %dma_wait3A_224 = tpu.memref_slice %arg5[%add3A_213] : memref<1920000xf32, #tpu.memory_space<hbm>> -> memref<4000xf32, #tpu.memory_space<hbm>>
    %dma_wait3A_225 = tpu.memref_slice %arg5[%add3A_213] : memref<1920000xf32, #tpu.memory_space<hbm>> -> memref<4000xf32, #tpu.memory_space<hbm>>
    tpu.wait_dma2 semaphore(%arg20 : memref<!tpu.dma_semaphore, #tpu.memory_space<semaphore_mem>>) src(%dma_wait3A_225 : memref<4000xf32, #tpu.memory_space<hbm>>) dst(%arg12 : memref<4000xf32, #tpu.memory_space<vmem>>)
    %parallel_loop3A_226 = arith.constant 0 : i32
    %parallel_loop3A_227 = arith.constant 250 : i32
    %parallel_loop3A_228 = arith.constant 1 : i32
    scf.for %parallel_loop3A_233 = %parallel_loop3A_226 to %parallel_loop3A_227 step %parallel_loop3A_228  : i32 {
      %parallel_loop3A_234 = arith.constant 16 : i32
      %parallel_loop3A_235 = arith.muli %parallel_loop3A_233, %parallel_loop3A_234 : i32
      %parallel_loop3A_236 = arith.index_cast %parallel_loop3A_235 : i32 to index
      %parallel_loop3A_237 = tpu.vector_load %arg9[%parallel_loop3A_236] {strides = array<i32>} : memref<4000xf32, #tpu.memory_space<vmem>>, vector<16xf32>,
      %parallel_loop3A_238 = arith.index_cast %parallel_loop3A_235 : i32 to index
      %parallel_loop3A_239 = tpu.vector_load %arg7[%parallel_loop3A_238] {strides = array<i32>} : memref<4000xi32, #tpu.memory_space<vmem>>, vector<16xi32>,
      %parallel_loop3A_240 = arith.index_cast %parallel_loop3A_235 : i32 to index
      %parallel_loop3A_241 = tpu.vector_load %arg8[%parallel_loop3A_240] {strides = array<i32>} : memref<4000xi32, #tpu.memory_space<vmem>>, vector<16xi32>,
      %parallel_loop3A_242 = arith.constant 16 : i32
      %parallel_loop3A_243 = vector.broadcast %parallel_loop3A_242 : i32 to vector<16xi32>
      %parallel_loop3A_244 = arith.shli %parallel_loop3A_241, %parallel_loop3A_243 : vector<16xi32>
      %parallel_loop3A_245 = arith.ori %parallel_loop3A_239, %parallel_loop3A_244 : vector<16xi32>
      %parallel_loop3A_246 = arith.index_cast %parallel_loop3A_235 : i32 to index
      %parallel_loop3A_247 = tpu.vector_load %arg19[%parallel_loop3A_246] {strides = array<i32>} : memref<20000xi32, #tpu.memory_space<vmem>>, vector<16xi32>,
      tpu.vector_store %arg19[%parallel_loop3A_246], %parallel_loop3A_245 {strides = array<i32>} : memref<20000xi32, #tpu.memory_space<vmem>>, vector<16xi32>,
      %parallel_loop3A_248 = vector.bitcast %parallel_loop3A_237 : vector<16xf32> to vector<16xi32>
      %parallel_loop3A_249 = arith.constant 16 : i32
      %parallel_loop3A_250 = arith.muli %parallel_loop3A_233, %parallel_loop3A_249 : i32
      %parallel_loop3A_251 = arith.constant 4000 : i32
      %parallel_loop3A_252 = arith.addi %parallel_loop3A_251, %parallel_loop3A_250 : i32
      %parallel_loop3A_253 = arith.index_cast %parallel_loop3A_252 : i32 to index
      %parallel_loop3A_254 = tpu.vector_load %arg19[%parallel_loop3A_253] {strides = array<i32>} : memref<20000xi32, #tpu.memory_space<vmem>>, vector<16xi32>,
      tpu.vector_store %arg19[%parallel_loop3A_253], %parallel_loop3A_248 {strides = array<i32>} : memref<20000xi32, #tpu.memory_space<vmem>>, vector<16xi32>,
      %parallel_loop3A_255 = arith.index_cast %parallel_loop3A_235 : i32 to index
      %parallel_loop3A_256 = tpu.vector_load %arg10[%parallel_loop3A_255] {strides = array<i32>} : memref<4000xf32, #tpu.memory_space<vmem>>, vector<16xf32>,
      %parallel_loop3A_257 = arith.mulf %parallel_loop3A_237, %parallel_loop3A_256 : vector<16xf32>
      %parallel_loop3A_258 = vector.bitcast %parallel_loop3A_257 : vector<16xf32> to vector<16xi32>
      %parallel_loop3A_259 = arith.constant 16 : i32
      %parallel_loop3A_260 = arith.muli %parallel_loop3A_233, %parallel_loop3A_259 : i32
      %parallel_loop3A_261 = arith.constant 8000 : i32
      %parallel_loop3A_262 = arith.addi %parallel_loop3A_261, %parallel_loop3A_260 : i32
      %parallel_loop3A_263 = arith.index_cast %parallel_loop3A_262 : i32 to index
      %parallel_loop3A_264 = tpu.vector_load %arg19[%parallel_loop3A_263] {strides = array<i32>} : memref<20000xi32, #tpu.memory_space<vmem>>, vector<16xi32>,
      tpu.vector_store %arg19[%parallel_loop3A_263], %parallel_loop3A_258 {strides = array<i32>} : memref<20000xi32, #tpu.memory_space<vmem>>, vector<16xi32>,
      %parallel_loop3A_265 = arith.index_cast %parallel_loop3A_235 : i32 to index
      %parallel_loop3A_266 = tpu.vector_load %arg11[%parallel_loop3A_265] {strides = array<i32>} : memref<4000xf32, #tpu.memory_space<vmem>>, vector<16xf32>,
      %parallel_loop3A_267 = arith.mulf %parallel_loop3A_237, %parallel_loop3A_266 : vector<16xf32>
      %parallel_loop3A_268 = vector.bitcast %parallel_loop3A_267 : vector<16xf32> to vector<16xi32>
      %parallel_loop3A_269 = arith.constant 16 : i32
      %parallel_loop3A_270 = arith.muli %parallel_loop3A_233, %parallel_loop3A_269 : i32
      %parallel_loop3A_271 = arith.constant 12000 : i32
      %parallel_loop3A_272 = arith.addi %parallel_loop3A_271, %parallel_loop3A_270 : i32
      %parallel_loop3A_273 = arith.index_cast %parallel_loop3A_272 : i32 to index
      %parallel_loop3A_274 = tpu.vector_load %arg19[%parallel_loop3A_273] {strides = array<i32>} : memref<20000xi32, #tpu.memory_space<vmem>>, vector<16xi32>,
      tpu.vector_store %arg19[%parallel_loop3A_273], %parallel_loop3A_268 {strides = array<i32>} : memref<20000xi32, #tpu.memory_space<vmem>>, vector<16xi32>,
      %parallel_loop3A_275 = arith.index_cast %parallel_loop3A_235 : i32 to index
      %parallel_loop3A_276 = tpu.vector_load %arg12[%parallel_loop3A_275] {strides = array<i32>} : memref<4000xf32, #tpu.memory_space<vmem>>, vector<16xf32>,
      %parallel_loop3A_277 = arith.mulf %parallel_loop3A_237, %parallel_loop3A_276 : vector<16xf32>
      %parallel_loop3A_278 = vector.bitcast %parallel_loop3A_277 : vector<16xf32> to vector<16xi32>
      %parallel_loop3A_279 = arith.constant 16 : i32
      %parallel_loop3A_280 = arith.muli %parallel_loop3A_233, %parallel_loop3A_279 : i32
      %parallel_loop3A_281 = arith.constant 16000 : i32
      %parallel_loop3A_282 = arith.addi %parallel_loop3A_281, %parallel_loop3A_280 : i32
      %parallel_loop3A_283 = arith.index_cast %parallel_loop3A_282 : i32 to index
      %parallel_loop3A_284 = tpu.vector_load %arg19[%parallel_loop3A_283] {strides = array<i32>} : memref<20000xi32, #tpu.memory_space<vmem>>, vector<16xi32>,
      tpu.vector_store %arg19[%parallel_loop3A_283], %parallel_loop3A_278 {strides = array<i32>} : memref<20000xi32, #tpu.memory_space<vmem>>, vector<16xi32>,
    } {sc.loop_unroll_factor = 2 : i64, sc.parallel_access}
    %mul3A_229 = arith.constant 5 : i32
    %mul3A_230 = arith.muli %mul3A_229, %add3A_207 : i32
    %mul3A_231 = arith.constant 4000 : i32
    %mul3A_232 = arith.muli %mul3A_230, %mul3A_231 : i32
    "tpu.region"() ({
      %run_scoped3A = tpu.sem_alloc : memref<!tpu.dma_semaphore, #tpu.memory_space<semaphore_mem>>
      %dma_start3A_233 = tpu.memref_slice %arg6[%mul3A_232] : memref<3200000xi32, #tpu.memory_space<hbm>> -> memref<20000xi32, #tpu.memory_space<hbm>>
      %dma_start3A_234 = tpu.memref_slice %arg6[%mul3A_232] : memref<3200000xi32, #tpu.memory_space<hbm>> -> memref<20000xi32, #tpu.memory_space<hbm>>
      tpu.enqueue_dma source(%arg19 : memref<20000xi32, #tpu.memory_space<vmem>>) target(%dma_start3A_234 : memref<20000xi32, #tpu.memory_space<hbm>>) target_semaphore(%run_scoped3A : memref<!tpu.dma_semaphore, #tpu.memory_space<semaphore_mem>>)
      %dma_wait3A_235 = tpu.memref_slice %arg6[%mul3A_232] : memref<3200000xi32, #tpu.memory_space<hbm>> -> memref<20000xi32, #tpu.memory_space<hbm>>
      %dma_wait3A_236 = tpu.memref_slice %arg6[%mul3A_232] : memref<3200000xi32, #tpu.memory_space<hbm>> -> memref<20000xi32, #tpu.memory_space<hbm>>
      tpu.wait_dma2 semaphore(%run_scoped3A : memref<!tpu.dma_semaphore, #tpu.memory_space<semaphore_mem>>) src(%arg19 : memref<20000xi32, #tpu.memory_space<vmem>>) dst(%dma_wait3A_236 : memref<20000xi32, #tpu.memory_space<hbm>>)
      tpu.yield
    }) : () -> ()
    return
  }
}

module attributes {stable_mosaic.version = 14 : i64} {
  func.func @_tc_stage2_body(%arg0: memref<4x32x10000xf32, #tpu.memory_space<vmem>>, %arg1: memref<2x10000xf32, #tpu.memory_space<vmem>>, %arg2: memref<8x10000xf32, #tpu.memory_space<vmem>>, %arg3: memref<24x10000xf32, #tpu.memory_space<vmem>>, %arg4: memref<64x8xf32, #tpu.memory_space<vmem>>, %arg5: memref<64x1xf32, #tpu.memory_space<vmem>>, %arg6: memref<8x64xf32, #tpu.memory_space<vmem>>, %arg7: memref<8x1xf32, #tpu.memory_space<vmem>>, %arg8: memref<24x10000xf32, #tpu.memory_space<vmem>>) attributes {dimension_semantics = [], scalar_prefetch = 0 : i64, scratch_operands = 0 : i64, tpu.core_type = #tpu.core_type<tc>} {
    %get3A = arith.constant 0 : index
    %get3A_0 = arith.constant 0 : index
    %get3A_1 = arith.constant 0 : index
    %get3A_2 = vector.load %arg0[%get3A, %get3A_0, %get3A_1] : memref<4x32x10000xf32, #tpu.memory_space<vmem>>, vector<4x32x10000xf32>
    %slice3A = vector.extract_strided_slice %get3A_2 {offsets = [0, 0, 0], sizes = [1, 32, 10000], strides = [1, 1, 1]} : vector<4x32x10000xf32> to vector<1x32x10000xf32>
    %squeeze3A = vector.shape_cast %slice3A : vector<1x32x10000xf32> to vector<32x10000xf32>
    %slice3A_3 = vector.extract_strided_slice %get3A_2 {offsets = [1, 0, 0], sizes = [1, 32, 10000], strides = [1, 1, 1]} : vector<4x32x10000xf32> to vector<1x32x10000xf32>
    %squeeze3A_4 = vector.shape_cast %slice3A_3 : vector<1x32x10000xf32> to vector<32x10000xf32>
    %add3A = arith.addf %squeeze3A, %squeeze3A_4 : vector<32x10000xf32>
    %slice3A_5 = vector.extract_strided_slice %get3A_2 {offsets = [2, 0, 0], sizes = [1, 32, 10000], strides = [1, 1, 1]} : vector<4x32x10000xf32> to vector<1x32x10000xf32>
    %squeeze3A_6 = vector.shape_cast %slice3A_5 : vector<1x32x10000xf32> to vector<32x10000xf32>
    %add3A_7 = arith.addf %add3A, %squeeze3A_6 : vector<32x10000xf32>
    %slice3A_8 = vector.extract_strided_slice %get3A_2 {offsets = [3, 0, 0], sizes = [1, 32, 10000], strides = [1, 1, 1]} : vector<4x32x10000xf32> to vector<1x32x10000xf32>
    %squeeze3A_9 = vector.shape_cast %slice3A_8 : vector<1x32x10000xf32> to vector<32x10000xf32>
    %add3A_10 = arith.addf %add3A_7, %squeeze3A_9 : vector<32x10000xf32>
    %get3A_11 = arith.constant 0 : index
    %get3A_12 = arith.constant 0 : index
    %get3A_13 = vector.load %arg1[%get3A_11, %get3A_12] : memref<2x10000xf32, #tpu.memory_space<vmem>>, vector<1x10000xf32>
    %get3A_14 = arith.constant 1 : index
    %get3A_15 = arith.constant 0 : index
    %get3A_16 = vector.load %arg1[%get3A_14, %get3A_15] : memref<2x10000xf32, #tpu.memory_space<vmem>>, vector<1x10000xf32>
    %slice3A_17 = vector.extract_strided_slice %add3A_10 {offsets = [0, 0], sizes = [8, 10000], strides = [1, 1]} : vector<32x10000xf32> to vector<8x10000xf32>
    %get3A_18 = arith.constant 0 : index
    %get3A_19 = arith.constant 0 : index
    %get3A_20 = vector.load %arg2[%get3A_18, %get3A_19] : memref<8x10000xf32, #tpu.memory_space<vmem>>, vector<8x10000xf32>
    %add3A_21 = arith.addf %slice3A_17, %get3A_20 : vector<8x10000xf32>
    %mul3A = vector.broadcast %get3A_13 : vector<1x10000xf32> to vector<8x10000xf32>
    %mul3A_22 = arith.mulf %add3A_21, %mul3A : vector<8x10000xf32>
    %get3A_23 = arith.constant 0 : index
    %get3A_24 = arith.constant 0 : index
    %get3A_25 = vector.load %arg4[%get3A_23, %get3A_24] : memref<64x8xf32, #tpu.memory_space<vmem>>, vector<64x8xf32>
    %dot_general3A = arith.constant dense<0.000000e+00> : vector<64x10000xf32>
    %dot_general3A_26 = tpu.matmul %get3A_25, %mul3A_22, %dot_general3A {dimension_numbers = #tpu.dot_dimension_numbers<[1], [0], [0], [1], [0, 0, 1, 1], [], []>, transpose_lhs_hint = false} : vector<64x8xf32>, vector<8x10000xf32>, vector<64x10000xf32> -> vector<64x10000xf32>
    %get3A_27 = arith.constant 0 : index
    %get3A_28 = arith.constant 0 : index
    %get3A_29 = vector.load %arg5[%get3A_27, %get3A_28] : memref<64x1xf32, #tpu.memory_space<vmem>>, vector<64x1xf32>
    %add3A_30 = vector.broadcast %get3A_29 : vector<64x1xf32> to vector<64x10000xf32>
    %add3A_31 = arith.addf %dot_general3A_26, %add3A_30 : vector<64x10000xf32>
    %neg3A = arith.constant 0.000000e+00 : f32
    %neg3A_32 = vector.broadcast %neg3A : f32 to vector<64x10000xf32>
    %neg3A_33 = arith.subf %neg3A_32, %add3A_31 : vector<64x10000xf32>
    %exp3A = math.exp %neg3A_33 : vector<64x10000xf32>
    %add3A_34 = arith.constant 1.000000e+00 : f32
    %add3A_35 = vector.broadcast %add3A_34 : f32 to vector<64x10000xf32>
    %add3A_36 = arith.addf %add3A_35, %exp3A : vector<64x10000xf32>
    %div3A = arith.constant 1.000000e+00 : f32
    %div3A_37 = vector.broadcast %div3A : f32 to vector<64x10000xf32>
    %div3A_38 = arith.divf %div3A_37, %add3A_36 : vector<64x10000xf32>
    %mul3A_39 = arith.mulf %add3A_31, %div3A_38 : vector<64x10000xf32>
    %get3A_40 = arith.constant 0 : index
    %get3A_41 = arith.constant 0 : index
    %get3A_42 = vector.load %arg6[%get3A_40, %get3A_41] : memref<8x64xf32, #tpu.memory_space<vmem>>, vector<8x64xf32>
    %dot_general3A_43 = arith.constant dense<0.000000e+00> : vector<8x10000xf32>
    %dot_general3A_44 = tpu.matmul %get3A_42, %mul3A_39, %dot_general3A_43 {dimension_numbers = #tpu.dot_dimension_numbers<[1], [0], [0], [1], [0, 0, 1, 1], [], []>, transpose_lhs_hint = false} : vector<8x64xf32>, vector<64x10000xf32>, vector<8x10000xf32> -> vector<8x10000xf32>
    %get3A_45 = arith.constant 0 : index
    %get3A_46 = arith.constant 0 : index
    %get3A_47 = vector.load %arg7[%get3A_45, %get3A_46] : memref<8x1xf32, #tpu.memory_space<vmem>>, vector<8x1xf32>
    %add3A_48 = vector.broadcast %get3A_47 : vector<8x1xf32> to vector<8x10000xf32>
    %add3A_49 = arith.addf %dot_general3A_44, %add3A_48 : vector<8x10000xf32>
    %slice3A_50 = vector.extract_strided_slice %add3A_10 {offsets = [8, 0], sizes = [24, 10000], strides = [1, 1]} : vector<32x10000xf32> to vector<24x10000xf32>
    %get3A_51 = arith.constant 0 : index
    %get3A_52 = arith.constant 0 : index
    %get3A_53 = vector.load %arg3[%get3A_51, %get3A_52] : memref<24x10000xf32, #tpu.memory_space<vmem>>, vector<24x10000xf32>
    %add3A_54 = arith.addf %slice3A_50, %get3A_53 : vector<24x10000xf32>
    %mul3A_55 = vector.broadcast %get3A_16 : vector<1x10000xf32> to vector<24x10000xf32>
    %mul3A_56 = arith.mulf %add3A_54, %mul3A_55 : vector<24x10000xf32>
    %slice3A_57 = vector.extract_strided_slice %mul3A_56 {offsets = [0, 0], sizes = [8, 10000], strides = [1, 1]} : vector<24x10000xf32> to vector<8x10000xf32>
    %slice3A_58 = vector.extract_strided_slice %mul3A_56 {offsets = [8, 0], sizes = [8, 10000], strides = [1, 1]} : vector<24x10000xf32> to vector<8x10000xf32>
    %slice3A_59 = vector.extract_strided_slice %mul3A_56 {offsets = [16, 0], sizes = [8, 10000], strides = [1, 1]} : vector<24x10000xf32> to vector<8x10000xf32>
    %mul3A_60 = arith.mulf %slice3A_57, %slice3A_57 : vector<8x10000xf32>
    %mul3A_61 = arith.mulf %slice3A_58, %slice3A_58 : vector<8x10000xf32>
    %add3A_62 = arith.addf %mul3A_60, %mul3A_61 : vector<8x10000xf32>
    %mul3A_63 = arith.mulf %slice3A_59, %slice3A_59 : vector<8x10000xf32>
    %add3A_64 = arith.addf %add3A_62, %mul3A_63 : vector<8x10000xf32>
    %mul3A_65 = arith.mulf %slice3A_57, %slice3A_58 : vector<8x10000xf32>
    %mul3A_66 = arith.mulf %slice3A_58, %slice3A_59 : vector<8x10000xf32>
    %mul3A_67 = arith.constant 3.000000e+00 : f32
    %mul3A_68 = vector.broadcast %mul3A_67 : f32 to vector<8x10000xf32>
    %mul3A_69 = arith.mulf %mul3A_68, %slice3A_59 : vector<8x10000xf32>
    %mul3A_70 = arith.mulf %mul3A_69, %slice3A_59 : vector<8x10000xf32>
    %sub3A = arith.subf %mul3A_70, %add3A_64 : vector<8x10000xf32>
    %mul3A_71 = arith.mulf %slice3A_57, %slice3A_59 : vector<8x10000xf32>
    %mul3A_72 = arith.mulf %slice3A_57, %slice3A_57 : vector<8x10000xf32>
    %mul3A_73 = arith.mulf %slice3A_58, %slice3A_58 : vector<8x10000xf32>
    %sub3A_74 = arith.subf %mul3A_72, %mul3A_73 : vector<8x10000xf32>
    %mul3A_75 = arith.mulf %mul3A_65, %mul3A_65 : vector<8x10000xf32>
    %mul3A_76 = arith.mulf %mul3A_66, %mul3A_66 : vector<8x10000xf32>
    %add3A_77 = arith.addf %mul3A_75, %mul3A_76 : vector<8x10000xf32>
    %mul3A_78 = arith.mulf %sub3A, %sub3A : vector<8x10000xf32>
    %add3A_79 = arith.addf %add3A_77, %mul3A_78 : vector<8x10000xf32>
    %mul3A_80 = arith.mulf %mul3A_71, %mul3A_71 : vector<8x10000xf32>
    %add3A_81 = arith.addf %add3A_79, %mul3A_80 : vector<8x10000xf32>
    %mul3A_82 = arith.mulf %sub3A_74, %sub3A_74 : vector<8x10000xf32>
    %add3A_83 = arith.addf %add3A_81, %mul3A_82 : vector<8x10000xf32>
    %swap3A = arith.constant 0 : index
    %swap3A_84 = arith.constant 0 : index
    %swap3A_85 = vector.load %arg8[%swap3A, %swap3A_84] : memref<24x10000xf32, #tpu.memory_space<vmem>>, vector<8x10000xf32>
    tpu.vector_store %arg8[%swap3A, %swap3A_84], %add3A_49 {strides = array<i32>} : memref<24x10000xf32, #tpu.memory_space<vmem>>, vector<8x10000xf32>,
    %mul3A_86 = arith.mulf %add3A_49, %add3A_64 : vector<8x10000xf32>
    %swap3A_87 = arith.constant 8 : index
    %swap3A_88 = arith.constant 0 : index
    %swap3A_89 = vector.load %arg8[%swap3A_87, %swap3A_88] : memref<24x10000xf32, #tpu.memory_space<vmem>>, vector<8x10000xf32>
    tpu.vector_store %arg8[%swap3A_87, %swap3A_88], %mul3A_86 {strides = array<i32>} : memref<24x10000xf32, #tpu.memory_space<vmem>>, vector<8x10000xf32>,
    %mul3A_90 = arith.mulf %add3A_49, %add3A_83 : vector<8x10000xf32>
    %swap3A_91 = arith.constant 16 : index
    %swap3A_92 = arith.constant 0 : index
    %swap3A_93 = vector.load %arg8[%swap3A_91, %swap3A_92] : memref<24x10000xf32, #tpu.memory_space<vmem>>, vector<8x10000xf32>
    tpu.vector_store %arg8[%swap3A_91, %swap3A_92], %mul3A_90 {strides = array<i32>} : memref<24x10000xf32, #tpu.memory_space<vmem>>, vector<8x10000xf32>,
    return
  }
}

</mosaic_0001>

<sc_bundles>
// kernel: kernel.5.cloned.1.call-start
scs
__scs_entry_jumppad:
0x0: {  	(pc) =	sbr.rel $0x88, $3  }
0x1: {  	(tag) =	ssettag $0x0;
	lr =	simm.s32 $0x1  }
0x2: {  	[smem:$0x3F96] =	sst lr;
	_ =	strace $0xD0000000  }
0x3: {  	_ = 	snop  }
0x4: {  	_ = 	snop  }
0x5: {  	_ = 	snop  }
0x6: {  	_ = 	snop  }
0x7: {  	_ = 	snop  }
__scs_overlays_trampoline_lowered:
0x8: {  	[smem:$0x3FA5] =	sst s0  }
0x9: {  	[smem:$0x3FA6] =	sst s1  }
0xa: {  	[smem:$0x3FA7] =	sst s2  }
0xb: {  	[smem:$0x3FA8] =	sst s3  }
0xc: {  	[smem:$0x3FA9] =	sst s4  }
0xd: {  	[smem:$0x3FAA] =	sst s5  }
0xe: {  	[smem:$0x3FAB] =	sst s6  }
0xf: {  	[smem:$0x3FAC] =	sst s7  }
0x10: {  	[smem:$0x3FAD] =	sst s8  }
0x11: {  	[smem:$0x3FAE] =	sst s9;
	s0 =	simm.s32 @!p0 $0x0  }
0x12: {  	s1 =	sld [smem:$0x3F94];
	s0 =	simm.s32 @p0 $0x1  }
0x13: {  	[smem:$0x3FAF] =	sst s0;
	s0 =	simm.s32 @!p1 $0x0  }
0x14: {  	s2 =	sld [smem:$0x3F93];
	s0 =	simm.s32 @p1 $0x1  }
0x15: {  	[smem:$0x3FB0] =	sst s0;
	s0 =	simm.s32 @!p2 $0x0  }
0x16: {  	s3 =	sld [smem:$0x3FDB];
	s0 =	simm.s32 @p2 $0x1  }
0x17: {  	s4 =	simm.s32 $0x1BF5;
	[smem:$0x3FB2] =	sst s0  }
0x18: {  	s0 =	sld [smem:$0x3F95];
	_ =	swait.ge [sflag:s4], $0x0  }
0x19: {  	s7 =	sld [smem:$0x3F96]  }
0x1a: {  	s8 =	sadd.s32 $0xFFFFE003, lr  }
0x1b: {  	s9 =	sadd.s32 $0xFFFFFEF7, lr;
	s5 =	simm.s32 $0xFFFFFFFF;
	p2 =	slt.u32 s8, $0xFFFFF086  }
0x1c: {  	p1 =	slt.u32 s9, $0xF7A;
	s5 =	simm.s32 @!p2 $0x0  }
0x1d: {  	s5 =	simm.s32 @p1 $0x1;
	p0 =	seq.s32 s7, s2  }
0x1e: {  	s7 =	smul.u32 @!p0 $0xF7A, s2;
	p2 =	seq.s32 @!p0 s5, $0x0  }
0x1f: {  	s9 =	smul.u32 $0xF7A, s1;
	s8 =	simm.s32 @!p0 $0x1BF5;
	p2 =	por !p2, p0  }
0x20: {  	[sflag:s8] =	ssyncset.s32 @!p0 $0xFFFFF086;
	s6 =	sadd.s32 @!p0 s3, s7;
	s7 =	simm.s32 @!p0 $0x108  }
0x21: {  	s3 =	sadd.s32 s3, s9;
	s6 =	sadd.s32 @!p0 $0x88, s6;
	s7 =	simm.s32 @p2 $0x1082  }
0x22: {  	[simem:s7], [sflag:s8] =	dma.local @!p0 [hbm:s6], $0xF7A  }
0x23: {  	s9 =	sor.u32 $0xD0000000, s2;
	s6 =	simm.s32 $0x108;
	_ =	swait.ge @!p0 [sflag:s8], $0x0  }
0x24: {  	s3 =	sadd.s32 $0x88, s3;
	s6 =	simm.s32 @!p1 $0x1082;
	[sflag:s4] =	ssyncset.s32 $0xFFFFF086  }
0x25: {  	[simem:s6], [sflag:s4] =	dma.local [hbm:s3], $0xF7A  }
0x26: {  	[smem:$0x3F96] =	sst s1;
	(tag) =	ssettag s2;
	_ =	strace s9  }
0x27: {  	s1 =	sld [smem:$0x3FA6]  }
0x28: {  	s2 =	sld [smem:$0x3FA7]  }
0x29: {  	s4 =	sld [smem:$0x3FA9]  }
0x2a: {  	p0 =	seq.s32 s5, $0x0;
	s5 =	sld [smem:$0x3FAA]  }
0x2b: {  	s6 =	sld [smem:$0x3FAB]  }
0x2c: {  	s7 =	sld [smem:$0x3FAC]  }
0x2d: {  	s3 =	simm.s32 $0x108;
	s8 =	sld [smem:$0x3FAD]  }
0x2e: {  	s3 =	simm.s32 @!p0 $0x1082;
	s9 =	sld [smem:$0x3FAE]  }
0x2f: {  	lr =	sadd.s32 s0, s3;
	s0 =	sld [smem:$0x3FA5]  }
0x30: {  	s3 =	sld [smem:$0x3FA8]  }
0x31: {  	[smem:$0x3FB1] =	sst s10  }
0x32: {  	s10 =	sld [smem:$0x3FAF];
	_ =	sdelay $0x3  }
0x33: {  	p0 =	seq.s32 s10, $0x1;
	s10 =	sld [smem:$0x3FB1];
	_ =	sdelay $0x3  }
0x34: {  	[smem:$0x3FB1] =	sst s10  }
0x35: {  	s10 =	sld [smem:$0x3FB0];
	_ =	sdelay $0x3  }
0x36: {  	p1 =	seq.s32 s10, $0x1;
	s10 =	sld [smem:$0x3FB1];
	_ =	sdelay $0x3  }
0x37: {  	[smem:$0x3FB1] =	sst s10  }
0x38: {  	s10 =	sld [smem:$0x3FB2]  }
0x39: {  	_ = 	snop;
	(pc) =	sbr.ind lr, $3  }
0x3a: {  	_ = 	snop  }
0x3b: {  	_ = 	snop  }
0x3c: {  	p2 =	seq.s32 s10, $0x1;
	s10 =	sld [smem:$0x3FB1]  }
0x3d: {  	_ =	shalt  }
0x3e: {  	_ =	shalt  }
0x3f: {  	_ =	shalt  }
0x40: {  	_ =	shalt  }
0x41: {  	_ =	shalt  }
0x42: {  	_ =	shalt  }
0x43: {  	_ =	shalt  }
0x44: {  	_ =	shalt  }
0x45: {  	_ =	shalt  }
0x46: {  	_ =	shalt  }
0x47: {  	_ =	shalt  }
0x48: {  	_ =	shalt  }
0x49: {  	_ =	shalt  }
0x4a: {  	_ =	shalt  }
0x4b: {  	_ =	shalt  }
0x4c: {  	_ =	shalt  }
0x4d: {  	_ =	shalt  }
0x4e: {  	_ =	shalt  }
0x4f: {  	_ =	shalt  }
0x50: {  	_ =	shalt  }
0x51: {  	_ =	shalt  }
0x52: {  	_ =	shalt  }
0x53: {  	_ =	shalt  }
0x54: {  	_ =	shalt  }
0x55: {  	_ =	shalt  }
0x56: {  	_ =	shalt  }
0x57: {  	_ =	shalt  }
0x58: {  	_ =	shalt  }
0x59: {  	_ =	shalt  }
0x5a: {  	_ =	shalt  }
0x5b: {  	_ =	shalt  }
0x5c: {  	_ =	shalt  }
0x5d: {  	_ =	shalt  }
0x5e: {  	_ =	shalt  }
0x5f: {  	_ =	shalt  }
0x60: {  	_ =	shalt  }
0x61: {  	_ =	shalt  }
0x62: {  	_ =	shalt  }
0x63: {  	_ =	shalt  }
0x64: {  	_ =	shalt  }
0x65: {  	_ =	shalt  }
0x66: {  	_ =	shalt  }
0x67: {  	_ =	shalt  }
0x68: {  	_ =	shalt  }
0x69: {  	_ =	shalt  }
0x6a: {  	_ =	shalt  }
0x6b: {  	_ =	shalt  }
0x6c: {  	_ =	shalt  }
0x6d: {  	_ =	shalt  }
0x6e: {  	_ =	shalt  }
0x6f: {  	_ =	shalt  }
0x70: {  	_ =	shalt  }
0x71: {  	_ =	shalt  }
0x72: {  	_ =	shalt  }
0x73: {  	_ =	shalt  }
0x74: {  	_ =	shalt  }
0x75: {  	_ =	shalt  }
0x76: {  	_ =	shalt  }
0x77: {  	_ =	shalt  }
0x78: {  	_ =	shalt  }
0x79: {  	_ =	shalt  }
0x7a: {  	_ =	shalt  }
0x7b: {  	_ =	shalt  }
0x7c: {  	_ =	shalt  }
0x7d: {  	_ =	shalt  }
0x7e: {  	_ =	shalt  }
0x7f: {  	_ =	shalt  }
0x80: {  	_ =	shalt  }
0x81: {  	_ =	shalt  }
0x82: {  	_ =	shalt  }
0x83: {  	_ =	shalt  }
0x84: {  	_ =	shalt  }
0x85: {  	_ =	shalt  }
0x86: {  	_ =	shalt  }
0x87: {  	_ =	shalt  }
.Lfunc_end0:
.L_simem_size_0:
called_computation_lowered:
.L_overlay_start_0:
0x88: {  	s2 =	sld [smem:$0x3FD9]  }
0x89: {  	s3 =	sld [smem:$0x3FFE];
	_ =	sdelay $0x1  }
0x8a: {  	s1 =	srdreg.scid  }
0x8b: {  	s0 =	sand.u32 $0x1, s1  }
0x8c: {  	s17 =	sshll.u32 s0, $0xA;
	s2 =	sadd.s32 s3, s2  }
0x8d: {  	s2 =	sadd.s32 s2, s17  }
0x8e: {  	[smem:$0x3FBD] =	sst s2  }
0x8f: {  	_ = 	snop  }
0x90: {  	s2 =	sld [smem:$0x3FC8]  }
0x91: {  	s18 =	sld [smem:$0x3FC6]  }
0x92: {  	s4 =	sld [smem:$0x3FC5];
	(tm) =	ssettm $0x1  }
0x93: {  	s5 =	sld [smem:$0x3FFB];
	_ =	sdelay $0x3  }
0x94: {  	_ =	strace s5  }
0x95: {  	s5 =	sld [smem:$0x3FFC];
	_ =	sdelay $0x3  }
0x96: {  	_ =	strace s5  }
0x97: {  	s5 =	sld [smem:$0x3FFD];
	_ =	sdelay $0x3  }
0x98: {  	_ =	strace s5  }
0x99: {  	_ =	strace $0x8FFFFFFF  }
0x9a: {  	s19 =	sld [smem:$0x3FDB];
	_ =	sdelay $0x1  }
0x9b: {  	s6 =	simm.s32 $_scs_section_size  }
0x9c: {  	s7 =	simm.s32 $_size__tile_overlayer_lowered;
	s8 =	simm.s32 $_tile_overlayer_lowered  }
0x9d: {  	s22 =	simm.s32 $0x1BFF;
	s21 =	sshll.u32 s8, $0x1;
	s5 =	sadd.s32 s6, s19  }
0x9e: {  	s9 =	simm.s32 $0x0;
	s20 =	sshll.u32 s7, $0x1;
	s7 =	sadd.s32 s21, s5  }
0x9f: {  	[timem:s9], [sflag:s22] =	dma.local [hbm:s7], s20  }
0xa0: {  	_ =	swait.ge [sflag:s22], s20  }
0xa1: {  	s6 =	ssub.s32 $0x0, s20;
	[sflag:s22] =	ssyncset.done $0x0  }
0xa2: {  	[sflag:s22] =	ssyncadd.s32 s6;
	_ =	sdelay $0x1  }
0xa3: {  	s23 =	simm.s32 $0x1B8B  }
0xa4: {  	_ =	swait.ge [sflag:s23], $0x1  }
0xa5: {  	[sflag:s23] =	ssyncset.done $0x0  }
0xa6: {  	s25 =	simm.s32 $0x1B8E;
	s24 =	sld [smem:$0x3FFE];
	[sflag:s23] =	ssyncadd.s32 $0xFFFFFFFF  }
0xa7: {  	s26 =	simm.s32 $execute0_lowered;
	[smem:$0x3FD2] =	sst s25  }
0xa8: {  	s7 =	sshll.u32 s26, $0x1;
	_ =	strace $0x80000046;
	[dreg:$0x1] =	wrdreg $0xFFFFFFFF  }
0xa9: {  	s28 =	simm.s32 $_size_execute0_lowered;
	s5 =	sadd.s32 s5, s7;
	[dreg:$0x0] =	wrdreg $0x0  }
0xaa: {  	s7 =	sshll.u32 s28, $0x1;
	[dreg:$0x2] =	wrdreg s5  }
0xab: {  	[dreg:$0x3] =	wrdreg s7  }
0xac: {  	[dreg:$0x4] =	wrdreg $0xC0  }
0xad: {  	_ =	task [dreg:s9], $0x5FFFF  }
0xae: {  	[dreg:$0x1] =	wrdreg $0xFFFFFFFF  }
0xaf: {  	[dreg:$0x0] =	wrdreg $0x60  }
0xb0: {  	[dreg:$0x2] =	wrdreg s4  }
0xb1: {  	[dreg:$0x3] =	wrdreg s18  }
0xb2: {  	[dreg:$0x4] =	wrdreg s2  }
0xb3: {  	[dreg:$0x5] =	wrdreg s24  }
0xb4: {  	[dreg:$0x6] =	wrdreg $0x9  }
0xb5: {  	_ =	task.clear_ibuf [dreg:s9], $0x7FFFF;
	_ =	strace $0x90000046  }
0xb6: {  	s29 =	simm.s32 $0x9;
	_ =	strace $0x80000048  }
0xb7: {  	_ =	swait.ge [sflag:s29], $0x1  }
0xb8: {  	[sflag:s29] =	ssyncadd.s32 $0xFFFFFFFF  }
0xb9: {  	_ =	strace $0x90000048  }
0xba: {  	_ =	sfence  }
0xbb: {  	s30 =	sld [smem:$0x0];
	_ =	sdelay $0x2  }
0xbc: {  	s31 =	sshll.u32 s1, $0xD;
	s1 =	sshrl.u32 s1, $0x2  }
0xbd: {  	s3 =	sand.u32 $0x4000, s31;
	s1 =	sadd.s32 s1, s30  }
0xbe: {  	s0 =	sor.u32 s3, s0;
	s1 =	sshll.u32 s1, $0x11  }
0xbf: {  	s0 =	sor.u32 s1, s0  }
0xc0: {  	s0 =	sadd.s32 $0x8F2B, s0  }
0xc1: {  	[sflag:s0] =	ssyncadd.remote.s32 $0x1  }
0xc2: {  	_ =	sfence.sel $0xFFFF  }
0xc3: {  	[dreg:$0x0] =	wrdreg $0xFFFFFFFF;
	(pc) =	sbr.abs _section_cstart, $3  }
0xc4: {  	[dreg:$0x1] =	wrdreg $0xFFFFFFFF  }
0xc5: {  	_ =	task.clear_ibuf [dreg:s9], $0x2FFFF;
	_ =	strace $0x9FFFFFFF  }
0xc6: {  	(tm) =	ssettm $0x7FFFFFFF  }
0xc7: {  	_ =	shalt  }
tec
execute0_lowered:
.L_overlay_start_1:
0x0: {  	(tag) =	ssettag $0x1  }
0x1: {  	s0 =	rddreg [dreg:$0x0]  }
0x2: {  	s1 =	srdreg.scid;
	s2 =	rddreg [dreg:$0x1]  }
0x3: {  	s4 =	stileid.u32;
	s5 =	rddreg [dreg:$0x3]  }
0x4: {  	s28 =	simm.s32 $0xC000;
	s3 =	sand.u32 $0x1, s1;
	s22 =	sshll.u32 s4, $0x1  }
0x5: {  	s4 =	rddreg [dreg:$0x2];
	s1 =	simm.s32 $0x0;
	s6 =	sor.u32 s3, s22  }
0x6: {  	s11 =	sadd.s32 $0x1800, s5;
	s12 =	sadd.s32 $0x3C200, s5;
	s8 =	smul.u32 $0x4E20, s6  }
0x7: {  	[smem:$0x7FF] =	sst s1;
	s3 =	ssub.s32 $0x2, s3;
	s7 =	smul.u32 $0x5, s6  }
0x8: {  	s9 =	sshrl.u32 s3, $0x1;
	s6 =	smul.u32 $0x30D4, s6;
	s23 =	sshrl.u32 s8, $0x3  }
0x9: {  	s7 =	sadd.s32 $0x1, s7;
	s16 =	sadd.s32 $0x1F40, s8;
	s24 =	sadd.s32 s0, s23  }
0xa: {  	s22 =	sadd.s32 $0x2EE0, s8;
	s25 =	sadd.s32 s2, s23;
	[dreg:$0x5] =	wrdreg s24  }
0xb: {  	s13 =	sadd.s32 s4, s23;
	s17 =	sshrl.u32 s16, $0x3;
	[dreg:$0x6] =	wrdreg s25  }
0xc: {  	s10 =	smul.u32 $0xFA0, s7;
	[dreg:$0x7] =	wrdreg s13;
	s18 =	sadd.s32 s0, s17  }
0xd: {  	s5 =	sadd.s32 s11, s23;
	s20 =	sadd.s32 s2, s17;
	[dreg:$0xb] =	wrdreg s18  }
0xe: {  	s23 =	sshrl.u32 s22, $0x3;
	s21 =	sadd.s32 s4, s17;
	[dreg:$0xc] =	wrdreg s20  }
0xf: {  	s19 =	smul.u32 $0x9C4, s7;
	s7 =	sadd.s32 s0, s23;
	[dreg:$0xd] =	wrdreg s21  }
0x10: {  	s24 =	sadd.s32 s2, s23;
	s26 =	sshrl.u32 s10, $0x3;
	[dreg:$0xf] =	wrdreg s7  }
0x11: {  	s10 =	sadd.s32 s12, s6;
	s6 =	sadd.s32 s12, s19;
	[dreg:$0x10] =	wrdreg s24  }
0x12: {  	s3 =	ssub.s32 s3, s9;
	s14 =	sadd.s32 s0, s26;
	[dreg:$0xe] =	wrdreg s6  }
0x13: {  	s25 =	sadd.s32 $0x3E80, s8;
	s15 =	sadd.s32 s2, s26;
	[dreg:$0x8] =	wrdreg s14  }
0x14: {  	s8 =	sshrl.u32 s25, $0x3;
	s13 =	sadd.s32 s4, s26;
	[dreg:$0x9] =	wrdreg s15  }
0x15: {  	s9 =	sadd.s32 s11, s26;
	s26 =	sadd.s32 s4, s23;
	[dreg:$0xa] =	wrdreg s13  }
0x16: {  	s29 =	simm.s32 $0x3;
	s0 =	sadd.s32 s0, s8;
	[dreg:$0x11] =	wrdreg s26  }
0x17: {  	s30 =	simm.s32 $0x2;
	s12 =	sadd.s32 s2, s8;
	[dreg:$0x12] =	wrdreg s0  }
0x18: {  	s31 =	simm.s32 $0x0;
	[dreg:$0x13] =	wrdreg s12;
	s13 =	sadd.s32 s4, s8  }
0x19: {  	s16 =	sadd.s32 $0x13880, s5;
	s15 =	smax.u32 s3, $0x1;
	[dreg:$0x14] =	wrdreg s13  }
0x1a: {  	s20 =	sadd.s32 s11, s23;
	_ =	strace $0x80000047;
	[dreg:$0x15] =	wrdreg s15  }
0x1b: {  	s14 =	sadd.s32 s11, s17;
	s17 =	sadd.s32 $0x27100, s5;
	[dreg:$0x16] =	wrdreg s16  }
0x1c: {  	s24 =	sadd.s32 s11, s8;
	s18 =	sadd.s32 $0x13880, s9;
	[dreg:$0x17] =	wrdreg s17  }
0x1d: {  	s23 =	sadd.s32 $0x13880, s20;
	s19 =	sadd.s32 $0x27100, s9;
	[dreg:$0x18] =	wrdreg s18  }
0x1e: {  	s25 =	sadd.s32 $0x27100, s20;
	s21 =	sadd.s32 $0x13880, s14;
	[dreg:$0x19] =	wrdreg s19  }
0x1f: {  	s7 =	sadd.s32 $0x1D4C, s10;
	s22 =	sadd.s32 $0x27100, s14;
	[dreg:$0x1a] =	wrdreg s21  }
0x20: {  	s26 =	sadd.s32 $0x1388, s10;
	s4 =	sadd.s32 $0x13880, s24;
	[dreg:$0x1b] =	wrdreg s22  }
0x21: {  	s6 =	sadd.s32 $0x27100, s24;
	s8 =	sadd.s32 $0x2710, s10;
	[dreg:$0x1c] =	wrdreg s23  }
0x22: {  	s11 =	simm.s32 $0x1000;
	s12 =	simm.s32 $0x2000;
	[dreg:$0x1d] =	wrdreg s25  }
0x23: {  	s13 =	simm.s32 $0x3000;
	[dreg:$0x1e] =	wrdreg s26;
	s15 =	simm.s32 $0x4000  }
0x24: {  	s16 =	simm.s32 $0x5000;
	s17 =	simm.s32 $0x1;
	s22 =	simm.s32 $0x8000  }
0x25: {  	s23 =	simm.s32 $0x9000;
	s25 =	simm.s32 $0xA000;
	s26 =	simm.s32 $0xB000  }
.LBB2_1:
0x26: {  	s0 =	rddreg [dreg:$0x5]  }
0x27: {  	[tilespmem:s1], [sflag:$0x1] =	stream.linear.gather [hbm4b:s0+s1], $0xFA0, $0x38;
	[tilespmem:$0x10E80] =	vst v63  }
0x28: {  	s19 =	rddreg [dreg:$0x6]  }
0x29: {  	[tilespmem:s11], [sflag:$0x1] =	stream.linear.gather [hbm4b:s19+s1], $0xFA0, $0x38;
	[tilespmem:$0x10E80] =	vst v63  }
0x2a: {  	s21 =	rddreg [dreg:$0x7]  }
0x2b: {  	[tilespmem:s12], [sflag:$0x1] =	stream.linear.gather [hbm4b:s21+s1], $0xFA0, $0x38;
	[tilespmem:$0x10E80] =	vst v63  }
0x2c: {  	_ = 	snop  }
0x2d: {  	[tilespmem:s13], [sflag:$0x1] =	stream.linear.gather [hbm4b:s5+s1], $0xFA0, $0x38;
	[tilespmem:$0x10E80] =	vst v63  }
0x2e: {  	s2 =	rddreg [dreg:$0x16]  }
0x2f: {  	[tilespmem:s15], [sflag:$0x1] =	stream.linear.gather [hbm4b:s2+s1], $0xFA0, $0x38;
	[tilespmem:$0x10E80] =	vst v63  }
0x30: {  	s3 =	rddreg [dreg:$0x17]  }
0x31: {  	[tilespmem:s16], [sflag:$0x1] =	stream.linear.gather [hbm4b:s3+s1], $0xFA0, $0x38;
	[tilespmem:$0x10E80] =	vst v63  }
0x32: {  	_ =	swait.ge [sflag:s17], $0xFA0  }
0x33: {  	[sflag:s17] =	ssyncset.done $0x0  }
0x34: {  	[sflag:s17] =	ssyncadd.s32 $0xFFFFF060  }
0x35: {  	_ =	swait.ge [sflag:s17], $0xFA0  }
0x36: {  	[sflag:s17] =	ssyncset.done $0x0  }
0x37: {  	[sflag:s17] =	ssyncadd.s32 $0xFFFFF060  }
0x38: {  	_ =	swait.ge [sflag:s17], $0xFA0  }
0x39: {  	[sflag:s17] =	ssyncset.done $0x0  }
0x3a: {  	[sflag:s17] =	ssyncadd.s32 $0xFFFFF060  }
0x3b: {  	_ =	swait.ge [sflag:s17], $0xFA0  }
0x3c: {  	[sflag:s17] =	ssyncset.done $0x0  }
0x3d: {  	[sflag:s17] =	ssyncadd.s32 $0xFFFFF060  }
0x3e: {  	_ =	swait.ge [sflag:s17], $0xFA0  }
0x3f: {  	[sflag:s17] =	ssyncset.done $0x0  }
0x40: {  	[sflag:s17] =	ssyncadd.s32 $0xFFFFF060  }
0x41: {  	_ =	swait.ge [sflag:s17], $0xFA0  }
0x42: {  	[sflag:s17] =	ssyncset.done $0x0  }
0x43: {  	s2 =	simm.s32 $0x6000;
	s18 =	rddreg [dreg:$0x8];
	[sflag:s17] =	ssyncadd.s32 $0xFFFFF060  }
0x44: {  	[tilespmem:s2], [sflag:$0x2] =	stream.linear.gather [hbm4b:s18+s1], $0xFA0, $0x38;
	[tilespmem:$0x10E80] =	vst v63  }
0x45: {  	s21 =	simm.s32 $0x7000;
	s19 =	rddreg [dreg:$0x9]  }
0x46: {  	[tilespmem:s21], [sflag:$0x2] =	stream.linear.gather [hbm4b:s19+s1], $0xFA0, $0x38;
	[tilespmem:$0x10E80] =	vst v63  }
0x47: {  	s2 =	rddreg [dreg:$0xa]  }
0x48: {  	[tilespmem:s22], [sflag:$0x2] =	stream.linear.gather [hbm4b:s2+s1], $0xFA0, $0x38;
	[tilespmem:$0x10E80] =	vst v63  }
0x49: {  	_ = 	snop  }
0x4a: {  	[tilespmem:s23], [sflag:$0x2] =	stream.linear.gather [hbm4b:s9+s1], $0xFA0, $0x38;
	[tilespmem:$0x10E80] =	vst v63  }
0x4b: {  	s3 =	rddreg [dreg:$0x18]  }
0x4c: {  	[tilespmem:s25], [sflag:$0x2] =	stream.linear.gather [hbm4b:s3+s1], $0xFA0, $0x38;
	[tilespmem:$0x10E80] =	vst v63  }
0x4d: {  	s18 =	rddreg [dreg:$0x19];
	s19 =	simm.s32 $0x0  }
0x4e: {  	[tilespmem:s26], [sflag:$0x2] =	stream.linear.gather [hbm4b:s18+s1], $0xFA0, $0x38;
	[tilespmem:$0x10E80] =	vst v63  }
0x4f: {  	v2 =	vld [tilespmem:s19+$0x2010]  }
0x50: {  	v0 =	vld [tilespmem:s19+$0x5010]  }
0x51: {  	v3 =	vld [tilespmem:s19+$0x2000]  }
0x52: {  	v1 =	vld [tilespmem:s19+$0x1000]  }
0x53: {  	v4 =	vld [tilespmem:s19+$0x3000]  }
0x54: {  	v5 =	vld [tilespmem:s19+$0x4000]  }
0x55: {  	v6 =	vld [tilespmem:s19+$0x5000]  }
0x56: {  	v7 =	vld [tilespmem:s19+$0x1010]  }
0x57: {  	v8 =	vld [tilespmem:s19+$0x3010]  }
0x58: {  	v9 =	vld [tilespmem:s19+$0x4010]  }
0x59: {  	v10 =	vld [tilespmem:s19+$0x0];
	v0 =	vmul.f32 v0, v2;
	[tilespmem:s19+$0xCFA0] =	vst v3  }
0x5a: {  	s18 =	simm.s32 $0x20;
	v11 =	vld [tilespmem:s19+$0x10];
	v4 =	vmul.f32 v4, v3;
	[tilespmem:s19+$0xCFB0] =	vst v2  }
0x5b: {  	v5 =	vmul.f32 v5, v3;
	v12 =	vshll.u32 v1, $0x10;
	v1 =	vld [tilespmem:s18+$0x2000];
	[tilespmem:s19+$0xFE90] =	vst v0  }
0x5c: {  	v8 =	vmul.f32 v8, v2;
	v3 =	vmul.f32 v6, v3;
	v6 =	vshll.u32 v7, $0x10;
	v7 =	vld [tilespmem:s18+$0x3000];
	[tilespmem:s19+$0xDF40] =	vst v4  }
0x5d: {  	v0 =	vld [tilespmem:s18+$0x2010];
	[tilespmem:s19+$0xEEE0] =	vst v5  }
0x5e: {  	v4 =	vld [tilespmem:s18+$0x5010];
	v5 =	vor.u32 v10, v12;
	[tilespmem:s19+$0xDF50] =	vst v8  }
0x5f: {  	s21 =	sand.u32 $0xFE0, s1;
	v10 =	vld [tilespmem:s18+$0x1000];
	[tilespmem:s19+$0xC000] =	vst v5;
	v5 =	vmul.f32 v9, v2  }
0x60: {  	v8 =	vld [tilespmem:s18+$0x4000];
	[tilespmem:s21+$0xFE80] =	vst v3  }
0x61: {  	v2 =	vor.u32 v11, v6;
	[tilespmem:s19+$0xEEF0] =	vst v5;
	v5 =	vld [tilespmem:s18+$0x5000]  }
0x62: {  	[tilespmem:s19+$0xC010] =	vst v2;
	v2 =	vld [tilespmem:s18+$0x1010]  }
0x63: {  	v6 =	vld [tilespmem:s18+$0x3010];
	[tilespmem:s18+$0xCFA0] =	vst v1;
	v3 =	vmul.f32 v4, v0  }
0x64: {  	v9 =	vmul.f32 v7, v1;
	v4 =	vld [tilespmem:s18+$0x4010];
	[tilespmem:s18+$0xCFB0] =	vst v0  }
0x65: {  	s0 =	simm.s32 $0x0;
	s2 =	simm.s32 $0x100;
	s19 =	simm.s32 $0x2;
	v7 =	vld [tilespmem:s18+$0x0];
	v8 =	vmul.f32 v8, v1;
	[tilespmem:s18+$0xFE90] =	vst v3;
	v3 =	vshll.u32 v10, $0x10  }
.LBB2_2:
0x66: {  	s21 =	sshra.s32 s2, $0x2;
	[tilespmem:s18+$0xDF40] =	vst v9;
	v5 =	vmul.f32 v5, v1;
	v9 =	vld [tilespmem:s18+$0x10]  }
0x67: {  	s19 =	sadd.s32 $0x2, s19;
	v10 =	vld [tilespmem:s21+$0x2010];
	[tilespmem:s18+$0xEEE0] =	vst v8;
	v2 =	vshll.u32 v2, $0x10  }
0x68: {  	p0 =	slt.u32 s19, $0xF8;
	v8 =	vld [tilespmem:s21+$0x5010];
	v6 =	vmul.f32 v6, v0  }
0x69: {  	v1 =	vld [tilespmem:s21+$0x2000];
	v4 =	vmul.f32 v4, v0  }
0x6a: {  	s0 =	sadd.s32 $0x20, s0;
	v11 =	vld [tilespmem:s21+$0x1000];
	v3 =	vor.u32 v7, v3;
	[tilespmem:s18+$0xDF50] =	vst v6  }
0x6b: {  	s3 =	sand.u32 $0xFE0, s0;
	v7 =	vld [tilespmem:s21+$0x3000];
	[tilespmem:s18+$0xC000] =	vst v3;
	v2 =	vor.u32 v9, v2  }
0x6c: {  	v12 =	vld [tilespmem:s21+$0x4000];
	[tilespmem:s3+$0xFE80] =	vst v5;
	v0 =	vmov v10  }
.Ltmp0:
0x6d: {  	v5 =	vld [tilespmem:s21+$0x5000];
	v8 =	vmul.f32 v8, v0;
	[tilespmem:s18+$0xC010] =	vst v2;
	(pc) =	sbr.rel @p0 .LBB2_2-.Ltmp0, $4  }
0x6e: {  	v2 =	vld [tilespmem:s21+$0x1010];
	[tilespmem:s18+$0xEEF0] =	vst v4;
	s18 =	smov.u32 s21  }
0x6f: {  	v3 =	vshll.u32 v11, $0x10;
	v6 =	vld [tilespmem:s18+$0x3010];
	[tilespmem:s18+$0xFE90] =	vst v8  }
0x70: {  	[tilespmem:s18+$0xCFA0] =	vst v1;
	v9 =	vmul.f32 v7, v1;
	v4 =	vld [tilespmem:s18+$0x4010]  }
0x71: {  	s2 =	sadd.s32 $0x80, s2;
	v7 =	vld [tilespmem:s18+$0x0];
	v8 =	vmul.f32 v12, v1;
	[tilespmem:s18+$0xCFB0] =	vst v0  }
0x72: {  	_ =	sdelay $0x1  }
0x73: {  	v10 =	vld [tilespmem:s18+$0x10];
	[tilespmem:s18+$0xDF40] =	vst v9;
	v6 =	vmul.f32 v6, v0  }
0x74: {  	[tilespmem:s18+$0xEEE0] =	vst v8  }
0x75: {  	v0 =	vmul.f32 v4, v0;
	v3 =	vor.u32 v7, v3;
	[tilespmem:s18+$0xDF50] =	vst v6  }
0x76: {  	v1 =	vmul.f32 v5, v1;
	s0 =	sadd.s32 $0x20, s0;
	[tilespmem:s18+$0xC000] =	vst v3  }
0x77: {  	v2 =	vshll.u32 v2, $0x10;
	s0 =	sand.u32 $0xFE0, s0;
	[tilespmem:s18+$0xEEF0] =	vst v0  }
0x78: {  	v2 =	vor.u32 v10, v2;
	[tilespmem:s0+$0xFE80] =	vst v1  }
0x79: {  	[tilespmem:s18+$0xC010] =	vst v2;
	s18 =	simm.s32 $0x0  }
0x7a: {  	[hbm4b:s10+s18] =	stream.linear.scatter [tilespmem:s28], [sflag:$0x3], $0x4E20, $0x38;
	[tilespmem:$0x10E80] =	vst v63  }
0x7b: {  	_ =	swait.ge [sflag:s29], $0x4E20  }
0x7c: {  	[sflag:s29] =	ssyncset.done $0x0  }
0x7d: {  	[sflag:s29] =	ssyncadd.s32 $0xFFFFB1E0  }
0x7e: {  	_ =	swait.ge [sflag:s30], $0xFA0  }
0x7f: {  	[sflag:s30] =	ssyncset.done $0x0  }
0x80: {  	[sflag:s30] =	ssyncadd.s32 $0xFFFFF060  }
0x81: {  	_ =	swait.ge [sflag:s30], $0xFA0  }
0x82: {  	[sflag:s30] =	ssyncset.done $0x0  }
0x83: {  	[sflag:s30] =	ssyncadd.s32 $0xFFFFF060  }
0x84: {  	_ =	swait.ge [sflag:s30], $0xFA0  }
0x85: {  	[sflag:s30] =	ssyncset.done $0x0  }
0x86: {  	[sflag:s30] =	ssyncadd.s32 $0xFFFFF060  }
0x87: {  	_ =	swait.ge [sflag:s30], $0xFA0  }
0x88: {  	[sflag:s30] =	ssyncset.done $0x0  }
0x89: {  	[sflag:s30] =	ssyncadd.s32 $0xFFFFF060  }
0x8a: {  	_ =	swait.ge [sflag:s30], $0xFA0  }
0x8b: {  	[sflag:s30] =	ssyncset.done $0x0  }
0x8c: {  	[sflag:s30] =	ssyncadd.s32 $0xFFFFF060  }
0x8d: {  	_ =	swait.ge [sflag:s30], $0xFA0  }
0x8e: {  	[sflag:s30] =	ssyncset.done $0x0  }
0x8f: {  	s21 =	rddreg [dreg:$0xb];
	[sflag:s30] =	ssyncadd.s32 $0xFFFFF060  }
0x90: {  	[tilespmem:s18], [sflag:$0x1] =	stream.linear.gather [hbm4b:s21+s18], $0xFA0, $0x38;
	[tilespmem:$0x10E80] =	vst v63  }
0x91: {  	s2 =	rddreg [dreg:$0xc]  }
0x92: {  	[tilespmem:s11], [sflag:$0x1] =	stream.linear.gather [hbm4b:s2+s18], $0xFA0, $0x38;
	[tilespmem:$0x10E80] =	vst v63  }
0x93: {  	s3 =	rddreg [dreg:$0xd]  }
0x94: {  	[tilespmem:s12], [sflag:$0x1] =	stream.linear.gather [hbm4b:s3+s18], $0xFA0, $0x38;
	[tilespmem:$0x10E80] =	vst v63  }
0x95: {  	_ = 	snop  }
0x96: {  	[tilespmem:s13], [sflag:$0x1] =	stream.linear.gather [hbm4b:s14+s18], $0xFA0, $0x38;
	[tilespmem:$0x10E80] =	vst v63  }
0x97: {  	s19 =	rddreg [dreg:$0x1a]  }
0x98: {  	[tilespmem:s15], [sflag:$0x1] =	stream.linear.gather [hbm4b:s19+s18], $0xFA0, $0x38;
	[tilespmem:$0x10E80] =	vst v63  }
0x99: {  	s21 =	rddreg [dreg:$0x1b];
	s2 =	simm.s32 $0x0  }
0x9a: {  	[tilespmem:s16], [sflag:$0x1] =	stream.linear.gather [hbm4b:s21+s18], $0xFA0, $0x38;
	[tilespmem:$0x10E80] =	vst v63  }
0x9b: {  	v2 =	vld [tilespmem:s2+$0x8010]  }
0x9c: {  	v0 =	vld [tilespmem:s2+$0xB010]  }
0x9d: {  	v3 =	vld [tilespmem:s2+$0x8000]  }
0x9e: {  	v1 =	vld [tilespmem:s2+$0x7000]  }
0x9f: {  	v4 =	vld [tilespmem:s2+$0x9000]  }
0xa0: {  	v5 =	vld [tilespmem:s2+$0xA000]  }
0xa1: {  	v6 =	vld [tilespmem:s2+$0xB000]  }
0xa2: {  	v7 =	vld [tilespmem:s2+$0x7010]  }
0xa3: {  	v8 =	vld [tilespmem:s2+$0x9010]  }
0xa4: {  	v9 =	vld [tilespmem:s2+$0xA010]  }
0xa5: {  	v10 =	vld [tilespmem:s2+$0x6000];
	v0 =	vmul.f32 v0, v2;
	[tilespmem:s2+$0xCFA0] =	vst v3  }
0xa6: {  	s0 =	simm.s32 $0x20;
	v11 =	vld [tilespmem:s2+$0x6010];
	v4 =	vmul.f32 v4, v3;
	[tilespmem:s2+$0xCFB0] =	vst v2  }
0xa7: {  	v5 =	vmul.f32 v5, v3;
	v12 =	vshll.u32 v1, $0x10;
	v1 =	vld [tilespmem:s0+$0x8000];
	[tilespmem:s2+$0xFE90] =	vst v0  }
0xa8: {  	v8 =	vmul.f32 v8, v2;
	v3 =	vmul.f32 v6, v3;
	v6 =	vshll.u32 v7, $0x10;
	v7 =	vld [tilespmem:s0+$0x9000];
	[tilespmem:s2+$0xDF40] =	vst v4  }
0xa9: {  	v0 =	vld [tilespmem:s0+$0x8010];
	[tilespmem:s2+$0xEEE0] =	vst v5  }
0xaa: {  	v4 =	vld [tilespmem:s0+$0xB010];
	v5 =	vor.u32 v10, v12;
	[tilespmem:s2+$0xDF50] =	vst v8  }
0xab: {  	s3 =	sand.u32 $0xFE0, s18;
	v10 =	vld [tilespmem:s0+$0x7000];
	[tilespmem:s2+$0xC000] =	vst v5;
	v5 =	vmul.f32 v9, v2  }
0xac: {  	v8 =	vld [tilespmem:s0+$0xA000];
	[tilespmem:s3+$0xFE80] =	vst v3  }
0xad: {  	v2 =	vor.u32 v11, v6;
	[tilespmem:s2+$0xEEF0] =	vst v5;
	v5 =	vld [tilespmem:s0+$0xB000]  }
0xae: {  	[tilespmem:s2+$0xC010] =	vst v2;
	v2 =	vld [tilespmem:s0+$0x7010]  }
0xaf: {  	v6 =	vld [tilespmem:s0+$0x9010];
	[tilespmem:s0+$0xCFA0] =	vst v1;
	v3 =	vmul.f32 v4, v0  }
0xb0: {  	v9 =	vmul.f32 v7, v1;
	v4 =	vld [tilespmem:s0+$0xA010];
	[tilespmem:s0+$0xCFB0] =	vst v0  }
0xb1: {  	s19 =	simm.s32 $0x2;
	v7 =	vld [tilespmem:s0+$0x6000];
	s2 =	simm.s32 $0x100;
	v8 =	vmul.f32 v8, v1;
	[tilespmem:s0+$0xFE90] =	vst v3;
	v3 =	vshll.u32 v10, $0x10  }
.LBB2_4:
0xb2: {  	s3 =	sshra.s32 s2, $0x2;
	[tilespmem:s0+$0xDF40] =	vst v9;
	v5 =	vmul.f32 v5, v1;
	v9 =	vld [tilespmem:s0+$0x6010]  }
0xb3: {  	s19 =	sadd.s32 $0x2, s19;
	v10 =	vld [tilespmem:s3+$0x8010];
	[tilespmem:s0+$0xEEE0] =	vst v8;
	v2 =	vshll.u32 v2, $0x10  }
0xb4: {  	p0 =	slt.u32 s19, $0xF8;
	v8 =	vld [tilespmem:s3+$0xB010];
	v6 =	vmul.f32 v6, v0  }
0xb5: {  	v1 =	vld [tilespmem:s3+$0x8000];
	v4 =	vmul.f32 v4, v0  }
0xb6: {  	s18 =	sadd.s32 $0x20, s18;
	v11 =	vld [tilespmem:s3+$0x7000];
	v3 =	vor.u32 v7, v3;
	[tilespmem:s0+$0xDF50] =	vst v6  }
0xb7: {  	s21 =	sand.u32 $0xFE0, s18;
	v7 =	vld [tilespmem:s3+$0x9000];
	[tilespmem:s0+$0xC000] =	vst v3;
	v2 =	vor.u32 v9, v2  }
0xb8: {  	v12 =	vld [tilespmem:s3+$0xA000];
	[tilespmem:s21+$0xFE80] =	vst v5;
	v0 =	vmov v10  }
.Ltmp1:
0xb9: {  	v5 =	vld [tilespmem:s3+$0xB000];
	v8 =	vmul.f32 v8, v0;
	[tilespmem:s0+$0xC010] =	vst v2;
	(pc) =	sbr.rel @p0 .LBB2_4-.Ltmp1, $4  }
0xba: {  	v2 =	vld [tilespmem:s3+$0x7010];
	[tilespmem:s0+$0xEEF0] =	vst v4;
	s0 =	smov.u32 s3  }
0xbb: {  	v3 =	vshll.u32 v11, $0x10;
	v6 =	vld [tilespmem:s0+$0x9010];
	[tilespmem:s0+$0xFE90] =	vst v8  }
0xbc: {  	[tilespmem:s0+$0xCFA0] =	vst v1;
	v9 =	vmul.f32 v7, v1;
	v4 =	vld [tilespmem:s0+$0xA010]  }
0xbd: {  	s2 =	sadd.s32 $0x80, s2;
	v7 =	vld [tilespmem:s0+$0x6000];
	v8 =	vmul.f32 v12, v1;
	[tilespmem:s0+$0xCFB0] =	vst v0  }
0xbe: {  	_ =	sdelay $0x1  }
0xbf: {  	v10 =	vld [tilespmem:s0+$0x6010];
	[tilespmem:s0+$0xDF40] =	vst v9;
	v6 =	vmul.f32 v6, v0  }
0xc0: {  	[tilespmem:s0+$0xEEE0] =	vst v8  }
0xc1: {  	v0 =	vmul.f32 v4, v0;
	v3 =	vor.u32 v7, v3;
	[tilespmem:s0+$0xDF50] =	vst v6  }
0xc2: {  	v1 =	vmul.f32 v5, v1;
	s2 =	sadd.s32 $0x20, s18;
	[tilespmem:s0+$0xC000] =	vst v3  }
0xc3: {  	v2 =	vshll.u32 v2, $0x10;
	s2 =	sand.u32 $0xFE0, s2;
	[tilespmem:s0+$0xEEF0] =	vst v0  }
0xc4: {  	v2 =	vor.u32 v10, v2;
	[tilespmem:s2+$0xFE80] =	vst v1  }
0xc5: {  	[tilespmem:s0+$0xC010] =	vst v2  }
0xc6: {  	s18 =	simm.s32 $0x0;
	s0 =	rddreg [dreg:$0xe]  }
0xc7: {  	[hbm4b:s0+s18] =	stream.linear.scatter [tilespmem:s28], [sflag:$0x3], $0x4E20, $0x38;
	[tilespmem:$0x10E80] =	vst v63  }
0xc8: {  	_ =	swait.ge [sflag:s29], $0x4E20  }
0xc9: {  	[sflag:s29] =	ssyncset.done $0x0  }
0xca: {  	[sflag:s29] =	ssyncadd.s32 $0xFFFFB1E0  }
0xcb: {  	_ =	swait.ge [sflag:s17], $0xFA0  }
0xcc: {  	[sflag:s17] =	ssyncset.done $0x0  }
0xcd: {  	[sflag:s17] =	ssyncadd.s32 $0xFFFFF060  }
0xce: {  	_ =	swait.ge [sflag:s17], $0xFA0  }
0xcf: {  	[sflag:s17] =	ssyncset.done $0x0  }
0xd0: {  	[sflag:s17] =	ssyncadd.s32 $0xFFFFF060  }
0xd1: {  	_ =	swait.ge [sflag:s17], $0xFA0  }
0xd2: {  	[sflag:s17] =	ssyncset.done $0x0  }
0xd3: {  	[sflag:s17] =	ssyncadd.s32 $0xFFFFF060  }
0xd4: {  	_ =	swait.ge [sflag:s17], $0xFA0  }
0xd5: {  	[sflag:s17] =	ssyncset.done $0x0  }
0xd6: {  	[sflag:s17] =	ssyncadd.s32 $0xFFFFF060  }
0xd7: {  	_ =	swait.ge [sflag:s17], $0xFA0  }
0xd8: {  	[sflag:s17] =	ssyncset.done $0x0  }
0xd9: {  	[sflag:s17] =	ssyncadd.s32 $0xFFFFF060  }
0xda: {  	_ =	swait.ge [sflag:s17], $0xFA0  }
0xdb: {  	[sflag:s17] =	ssyncset.done $0x0  }
0xdc: {  	s3 =	simm.s32 $0x6000;
	s2 =	rddreg [dreg:$0xf];
	[sflag:s17] =	ssyncadd.s32 $0xFFFFF060  }
0xdd: {  	[tilespmem:s3], [sflag:$0x2] =	stream.linear.gather [hbm4b:s2+s18], $0xFA0, $0x38;
	[tilespmem:$0x10E80] =	vst v63  }
0xde: {  	s21 =	simm.s32 $0x7000;
	s19 =	rddreg [dreg:$0x10]  }
0xdf: {  	[tilespmem:s21], [sflag:$0x2] =	stream.linear.gather [hbm4b:s19+s18], $0xFA0, $0x38;
	[tilespmem:$0x10E80] =	vst v63  }
0xe0: {  	s2 =	rddreg [dreg:$0x11]  }
0xe1: {  	[tilespmem:s22], [sflag:$0x2] =	stream.linear.gather [hbm4b:s2+s18], $0xFA0, $0x38;
	[tilespmem:$0x10E80] =	vst v63  }
0xe2: {  	_ = 	snop  }
0xe3: {  	[tilespmem:s23], [sflag:$0x2] =	stream.linear.gather [hbm4b:s20+s18], $0xFA0, $0x38;
	[tilespmem:$0x10E80] =	vst v63  }
0xe4: {  	s3 =	rddreg [dreg:$0x1c]  }
0xe5: {  	[tilespmem:s25], [sflag:$0x2] =	stream.linear.gather [hbm4b:s3+s18], $0xFA0, $0x38;
	[tilespmem:$0x10E80] =	vst v63  }
0xe6: {  	s19 =	rddreg [dreg:$0x1d];
	s21 =	simm.s32 $0x0  }
0xe7: {  	[tilespmem:s26], [sflag:$0x2] =	stream.linear.gather [hbm4b:s19+s18], $0xFA0, $0x38;
	[tilespmem:$0x10E80] =	vst v63  }
0xe8: {  	v2 =	vld [tilespmem:s21+$0x2010]  }
0xe9: {  	v0 =	vld [tilespmem:s21+$0x5010]  }
0xea: {  	v3 =	vld [tilespmem:s21+$0x2000]  }
0xeb: {  	v1 =	vld [tilespmem:s21+$0x1000]  }
0xec: {  	v4 =	vld [tilespmem:s21+$0x3000]  }
0xed: {  	v5 =	vld [tilespmem:s21+$0x4000]  }
0xee: {  	v6 =	vld [tilespmem:s21+$0x5000]  }
0xef: {  	v7 =	vld [tilespmem:s21+$0x1010]  }
0xf0: {  	v8 =	vld [tilespmem:s21+$0x3010]  }
0xf1: {  	v9 =	vld [tilespmem:s21+$0x4010]  }
0xf2: {  	v10 =	vld [tilespmem:s21+$0x0];
	v0 =	vmul.f32 v0, v2;
	[tilespmem:s21+$0xCFA0] =	vst v3  }
0xf3: {  	s0 =	simm.s32 $0x20;
	v11 =	vld [tilespmem:s21+$0x10];
	v4 =	vmul.f32 v4, v3;
	[tilespmem:s21+$0xCFB0] =	vst v2  }
0xf4: {  	v5 =	vmul.f32 v5, v3;
	v12 =	vshll.u32 v1, $0x10;
	v1 =	vld [tilespmem:s0+$0x2000];
	[tilespmem:s21+$0xFE90] =	vst v0  }
0xf5: {  	v8 =	vmul.f32 v8, v2;
	v3 =	vmul.f32 v6, v3;
	v6 =	vshll.u32 v7, $0x10;
	v7 =	vld [tilespmem:s0+$0x3000];
	[tilespmem:s21+$0xDF40] =	vst v4  }
0xf6: {  	v0 =	vld [tilespmem:s0+$0x2010];
	[tilespmem:s21+$0xEEE0] =	vst v5  }
0xf7: {  	v4 =	vld [tilespmem:s0+$0x5010];
	v5 =	vor.u32 v10, v12;
	[tilespmem:s21+$0xDF50] =	vst v8  }
0xf8: {  	s3 =	sand.u32 $0xFE0, s18;
	v10 =	vld [tilespmem:s0+$0x1000];
	[tilespmem:s21+$0xC000] =	vst v5;
	v5 =	vmul.f32 v9, v2  }
0xf9: {  	v8 =	vld [tilespmem:s0+$0x4000];
	[tilespmem:s3+$0xFE80] =	vst v3  }
0xfa: {  	v2 =	vor.u32 v11, v6;
	[tilespmem:s21+$0xEEF0] =	vst v5;
	v5 =	vld [tilespmem:s0+$0x5000]  }
0xfb: {  	[tilespmem:s21+$0xC010] =	vst v2;
	v2 =	vld [tilespmem:s0+$0x1010]  }
0xfc: {  	v6 =	vld [tilespmem:s0+$0x3010];
	[tilespmem:s0+$0xCFA0] =	vst v1;
	v3 =	vmul.f32 v4, v0  }
0xfd: {  	v9 =	vmul.f32 v7, v1;
	v4 =	vld [tilespmem:s0+$0x4010];
	[tilespmem:s0+$0xCFB0] =	vst v0  }
0xfe: {  	s2 =	simm.s32 $0x100;
	s19 =	simm.s32 $0x2;
	v7 =	vld [tilespmem:s0+$0x0];
	v8 =	vmul.f32 v8, v1;
	[tilespmem:s0+$0xFE90] =	vst v3;
	v3 =	vshll.u32 v10, $0x10  }
.LBB2_6:
0xff: {  	s3 =	sshra.s32 s2, $0x2;
	[tilespmem:s0+$0xDF40] =	vst v9;
	v5 =	vmul.f32 v5, v1;
	v9 =	vld [tilespmem:s0+$0x10]  }
0x100: {  	s19 =	sadd.s32 $0x2, s19;
	v10 =	vld [tilespmem:s3+$0x2010];
	[tilespmem:s0+$0xEEE0] =	vst v8;
	v2 =	vshll.u32 v2, $0x10  }
0x101: {  	p0 =	slt.u32 s19, $0xF8;
	v8 =	vld [tilespmem:s3+$0x5010];
	v6 =	vmul.f32 v6, v0  }
0x102: {  	v1 =	vld [tilespmem:s3+$0x2000];
	v4 =	vmul.f32 v4, v0  }
0x103: {  	s18 =	sadd.s32 $0x20, s18;
	v11 =	vld [tilespmem:s3+$0x1000];
	v3 =	vor.u32 v7, v3;
	[tilespmem:s0+$0xDF50] =	vst v6  }
0x104: {  	s21 =	sand.u32 $0xFE0, s18;
	v7 =	vld [tilespmem:s3+$0x3000];
	[tilespmem:s0+$0xC000] =	vst v3;
	v2 =	vor.u32 v9, v2  }
0x105: {  	v12 =	vld [tilespmem:s3+$0x4000];
	[tilespmem:s21+$0xFE80] =	vst v5;
	v0 =	vmov v10  }
.Ltmp2:
0x106: {  	v5 =	vld [tilespmem:s3+$0x5000];
	v8 =	vmul.f32 v8, v0;
	[tilespmem:s0+$0xC010] =	vst v2;
	(pc) =	sbr.rel @p0 .LBB2_6-.Ltmp2, $4  }
0x107: {  	v2 =	vld [tilespmem:s3+$0x1010];
	[tilespmem:s0+$0xEEF0] =	vst v4;
	s0 =	smov.u32 s3  }
0x108: {  	v3 =	vshll.u32 v11, $0x10;
	v6 =	vld [tilespmem:s0+$0x3010];
	[tilespmem:s0+$0xFE90] =	vst v8  }
0x109: {  	[tilespmem:s0+$0xCFA0] =	vst v1;
	v9 =	vmul.f32 v7, v1;
	v4 =	vld [tilespmem:s0+$0x4010]  }
0x10a: {  	s2 =	sadd.s32 $0x80, s2;
	v7 =	vld [tilespmem:s0+$0x0];
	v8 =	vmul.f32 v12, v1;
	[tilespmem:s0+$0xCFB0] =	vst v0  }
0x10b: {  	_ =	sdelay $0x1  }
0x10c: {  	v10 =	vld [tilespmem:s0+$0x10];
	[tilespmem:s0+$0xDF40] =	vst v9;
	v6 =	vmul.f32 v6, v0  }
0x10d: {  	[tilespmem:s0+$0xEEE0] =	vst v8  }
0x10e: {  	v0 =	vmul.f32 v4, v0;
	v3 =	vor.u32 v7, v3;
	[tilespmem:s0+$0xDF50] =	vst v6  }
0x10f: {  	v1 =	vmul.f32 v5, v1;
	s2 =	sadd.s32 $0x20, s18;
	[tilespmem:s0+$0xC000] =	vst v3  }
0x110: {  	v2 =	vshll.u32 v2, $0x10;
	s2 =	sand.u32 $0xFE0, s2;
	[tilespmem:s0+$0xEEF0] =	vst v0  }
0x111: {  	v2 =	vor.u32 v10, v2;
	[tilespmem:s2+$0xFE80] =	vst v1  }
0x112: {  	[tilespmem:s0+$0xC010] =	vst v2  }
0x113: {  	s18 =	simm.s32 $0x0;
	s0 =	rddreg [dreg:$0x1e]  }
0x114: {  	[hbm4b:s0+s18] =	stream.linear.scatter [tilespmem:s28], [sflag:$0x3], $0x4E20, $0x38;
	[tilespmem:$0x10E80] =	vst v63  }
0x115: {  	_ =	swait.ge [sflag:s29], $0x4E20  }
0x116: {  	[sflag:s29] =	ssyncset.done $0x0  }
0x117: {  	[sflag:s29] =	ssyncadd.s32 $0xFFFFB1E0  }
0x118: {  	_ =	swait.ge [sflag:s30], $0xFA0  }
0x119: {  	[sflag:s30] =	ssyncset.done $0x0  }
0x11a: {  	[sflag:s30] =	ssyncadd.s32 $0xFFFFF060  }
0x11b: {  	_ =	swait.ge [sflag:s30], $0xFA0  }
0x11c: {  	[sflag:s30] =	ssyncset.done $0x0  }
0x11d: {  	[sflag:s30] =	ssyncadd.s32 $0xFFFFF060  }
0x11e: {  	_ =	swait.ge [sflag:s30], $0xFA0  }
0x11f: {  	[sflag:s30] =	ssyncset.done $0x0  }
0x120: {  	[sflag:s30] =	ssyncadd.s32 $0xFFFFF060  }
0x121: {  	_ =	swait.ge [sflag:s30], $0xFA0  }
0x122: {  	[sflag:s30] =	ssyncset.done $0x0  }
0x123: {  	[sflag:s30] =	ssyncadd.s32 $0xFFFFF060  }
0x124: {  	_ =	swait.ge [sflag:s30], $0xFA0  }
0x125: {  	[sflag:s30] =	ssyncset.done $0x0  }
0x126: {  	[sflag:s30] =	ssyncadd.s32 $0xFFFFF060  }
0x127: {  	_ =	swait.ge [sflag:s30], $0xFA0  }
0x128: {  	[sflag:s30] =	ssyncset.done $0x0  }
0x129: {  	s2 =	rddreg [dreg:$0x12];
	[sflag:s30] =	ssyncadd.s32 $0xFFFFF060  }
0x12a: {  	[tilespmem:s18], [sflag:$0x1] =	stream.linear.gather [hbm4b:s2+s18], $0xFA0, $0x38;
	[tilespmem:$0x10E80] =	vst v63  }
0x12b: {  	s3 =	rddreg [dreg:$0x13]  }
0x12c: {  	[tilespmem:s11], [sflag:$0x1] =	stream.linear.gather [hbm4b:s3+s18], $0xFA0, $0x38;
	[tilespmem:$0x10E80] =	vst v63  }
0x12d: {  	s19 =	rddreg [dreg:$0x14]  }
0x12e: {  	[tilespmem:s12], [sflag:$0x1] =	stream.linear.gather [hbm4b:s19+s18], $0xFA0, $0x38;
	[tilespmem:$0x10E80] =	vst v63  }
0x12f: {  	_ = 	snop  }
0x130: {  	[tilespmem:s13], [sflag:$0x1] =	stream.linear.gather [hbm4b:s24+s18], $0xFA0, $0x38;
	[tilespmem:$0x10E80] =	vst v63  }
0x131: {  	_ = 	snop  }
0x132: {  	[tilespmem:s15], [sflag:$0x1] =	stream.linear.gather [hbm4b:s4+s18], $0xFA0, $0x38;
	[tilespmem:$0x10E80] =	vst v63  }
0x133: {  	s21 =	simm.s32 $0x0  }
0x134: {  	[tilespmem:s16], [sflag:$0x1] =	stream.linear.gather [hbm4b:s6+s18], $0xFA0, $0x38;
	[tilespmem:$0x10E80] =	vst v63  }
0x135: {  	v2 =	vld [tilespmem:s21+$0x8010]  }
0x136: {  	v0 =	vld [tilespmem:s21+$0xB010]  }
0x137: {  	v3 =	vld [tilespmem:s21+$0x8000]  }
0x138: {  	v1 =	vld [tilespmem:s21+$0x7000]  }
0x139: {  	v4 =	vld [tilespmem:s21+$0x9000]  }
0x13a: {  	v5 =	vld [tilespmem:s21+$0xA000]  }
0x13b: {  	v6 =	vld [tilespmem:s21+$0xB000]  }
0x13c: {  	v7 =	vld [tilespmem:s21+$0x7010]  }
0x13d: {  	v8 =	vld [tilespmem:s21+$0x9010]  }
0x13e: {  	v9 =	vld [tilespmem:s21+$0xA010]  }
0x13f: {  	v10 =	vld [tilespmem:s21+$0x6000];
	v0 =	vmul.f32 v0, v2;
	[tilespmem:s21+$0xCFA0] =	vst v3  }
0x140: {  	s0 =	simm.s32 $0x20;
	v11 =	vld [tilespmem:s21+$0x6010];
	v4 =	vmul.f32 v4, v3;
	[tilespmem:s21+$0xCFB0] =	vst v2  }
0x141: {  	v5 =	vmul.f32 v5, v3;
	v12 =	vshll.u32 v1, $0x10;
	v1 =	vld [tilespmem:s0+$0x8000];
	[tilespmem:s21+$0xFE90] =	vst v0  }
0x142: {  	v8 =	vmul.f32 v8, v2;
	v3 =	vmul.f32 v6, v3;
	v6 =	vshll.u32 v7, $0x10;
	v7 =	vld [tilespmem:s0+$0x9000];
	[tilespmem:s21+$0xDF40] =	vst v4  }
0x143: {  	v0 =	vld [tilespmem:s0+$0x8010];
	[tilespmem:s21+$0xEEE0] =	vst v5  }
0x144: {  	v4 =	vld [tilespmem:s0+$0xB010];
	v5 =	vor.u32 v10, v12;
	[tilespmem:s21+$0xDF50] =	vst v8  }
0x145: {  	s3 =	sand.u32 $0xFE0, s18;
	v10 =	vld [tilespmem:s0+$0x7000];
	[tilespmem:s21+$0xC000] =	vst v5;
	v5 =	vmul.f32 v9, v2  }
0x146: {  	v8 =	vld [tilespmem:s0+$0xA000];
	[tilespmem:s3+$0xFE80] =	vst v3  }
0x147: {  	v2 =	vor.u32 v11, v6;
	[tilespmem:s21+$0xEEF0] =	vst v5;
	v5 =	vld [tilespmem:s0+$0xB000]  }
0x148: {  	[tilespmem:s21+$0xC010] =	vst v2;
	v2 =	vld [tilespmem:s0+$0x7010]  }
0x149: {  	v6 =	vld [tilespmem:s0+$0x9010];
	[tilespmem:s0+$0xCFA0] =	vst v1;
	v3 =	vmul.f32 v4, v0  }
0x14a: {  	v9 =	vmul.f32 v7, v1;
	v4 =	vld [tilespmem:s0+$0xA010];
	[tilespmem:s0+$0xCFB0] =	vst v0  }
0x14b: {  	s2 =	simm.s32 $0x100;
	s19 =	simm.s32 $0x2;
	v7 =	vld [tilespmem:s0+$0x6000];
	v8 =	vmul.f32 v8, v1;
	[tilespmem:s0+$0xFE90] =	vst v3;
	v3 =	vshll.u32 v10, $0x10  }
.LBB2_8:
0x14c: {  	s3 =	sshra.s32 s2, $0x2;
	[tilespmem:s0+$0xDF40] =	vst v9;
	v5 =	vmul.f32 v5, v1;
	v9 =	vld [tilespmem:s0+$0x6010]  }
0x14d: {  	s19 =	sadd.s32 $0x2, s19;
	v10 =	vld [tilespmem:s3+$0x8010];
	[tilespmem:s0+$0xEEE0] =	vst v8;
	v2 =	vshll.u32 v2, $0x10  }
0x14e: {  	p0 =	slt.u32 s19, $0xF8;
	v8 =	vld [tilespmem:s3+$0xB010];
	v6 =	vmul.f32 v6, v0  }
0x14f: {  	v1 =	vld [tilespmem:s3+$0x8000];
	v4 =	vmul.f32 v4, v0  }
0x150: {  	s18 =	sadd.s32 $0x20, s18;
	v11 =	vld [tilespmem:s3+$0x7000];
	v3 =	vor.u32 v7, v3;
	[tilespmem:s0+$0xDF50] =	vst v6  }
0x151: {  	s21 =	sand.u32 $0xFE0, s18;
	v7 =	vld [tilespmem:s3+$0x9000];
	[tilespmem:s0+$0xC000] =	vst v3;
	v2 =	vor.u32 v9, v2  }
0x152: {  	v12 =	vld [tilespmem:s3+$0xA000];
	[tilespmem:s21+$0xFE80] =	vst v5;
	v0 =	vmov v10  }
.Ltmp3:
0x153: {  	v5 =	vld [tilespmem:s3+$0xB000];
	v8 =	vmul.f32 v8, v0;
	[tilespmem:s0+$0xC010] =	vst v2;
	(pc) =	sbr.rel @p0 .LBB2_8-.Ltmp3, $4  }
0x154: {  	v2 =	vld [tilespmem:s3+$0x7010];
	[tilespmem:s0+$0xEEF0] =	vst v4;
	s0 =	smov.u32 s3  }
0x155: {  	v3 =	vshll.u32 v11, $0x10;
	v6 =	vld [tilespmem:s0+$0x9010];
	[tilespmem:s0+$0xFE90] =	vst v8  }
0x156: {  	[tilespmem:s0+$0xCFA0] =	vst v1;
	v9 =	vmul.f32 v7, v1;
	v4 =	vld [tilespmem:s0+$0xA010]  }
0x157: {  	s2 =	sadd.s32 $0x80, s2;
	v7 =	vld [tilespmem:s0+$0x6000];
	v8 =	vmul.f32 v12, v1;
	[tilespmem:s0+$0xCFB0] =	vst v0  }
0x158: {  	_ =	sdelay $0x1  }
0x159: {  	v10 =	vld [tilespmem:s0+$0x6010];
	[tilespmem:s0+$0xDF40] =	vst v9;
	v6 =	vmul.f32 v6, v0  }
0x15a: {  	[tilespmem:s0+$0xEEE0] =	vst v8  }
0x15b: {  	v0 =	vmul.f32 v4, v0;
	v3 =	vor.u32 v7, v3;
	[tilespmem:s0+$0xDF50] =	vst v6  }
0x15c: {  	v1 =	vmul.f32 v5, v1;
	s2 =	sadd.s32 $0x20, s18;
	[tilespmem:s0+$0xC000] =	vst v3  }
0x15d: {  	v2 =	vshll.u32 v2, $0x10;
	s2 =	sand.u32 $0xFE0, s2;
	[tilespmem:s0+$0xEEF0] =	vst v0  }
0x15e: {  	v2 =	vor.u32 v10, v2;
	[tilespmem:s2+$0xFE80] =	vst v1  }
0x15f: {  	s18 =	simm.s32 $0x0;
	[tilespmem:s0+$0xC010] =	vst v2  }
0x160: {  	[hbm4b:s7+s18] =	stream.linear.scatter [tilespmem:s28], [sflag:$0x3], $0x4E20, $0x38;
	[tilespmem:$0x10E80] =	vst v63  }
0x161: {  	_ =	swait.ge [sflag:s29], $0x4E20  }
0x162: {  	[sflag:s29] =	ssyncset.done $0x0  }
0x163: {  	[sflag:s29] =	ssyncadd.s32 $0xFFFFB1E0  }
0x164: {  	_ =	swait.ge [sflag:s17], $0xFA0  }
0x165: {  	[sflag:s17] =	ssyncset.done $0x0  }
0x166: {  	[sflag:s17] =	ssyncadd.s32 $0xFFFFF060  }
0x167: {  	_ =	swait.ge [sflag:s17], $0xFA0  }
0x168: {  	[sflag:s17] =	ssyncset.done $0x0  }
0x169: {  	[sflag:s17] =	ssyncadd.s32 $0xFFFFF060  }
0x16a: {  	_ =	swait.ge [sflag:s17], $0xFA0  }
0x16b: {  	[sflag:s17] =	ssyncset.done $0x0  }
0x16c: {  	[sflag:s17] =	ssyncadd.s32 $0xFFFFF060  }
0x16d: {  	_ =	swait.ge [sflag:s17], $0xFA0  }
0x16e: {  	[sflag:s17] =	ssyncset.done $0x0  }
0x16f: {  	[sflag:s17] =	ssyncadd.s32 $0xFFFFF060  }
0x170: {  	_ =	swait.ge [sflag:s17], $0xFA0  }
0x171: {  	[sflag:s17] =	ssyncset.done $0x0  }
0x172: {  	[sflag:s17] =	ssyncadd.s32 $0xFFFFF060  }
0x173: {  	_ =	swait.ge [sflag:s17], $0xFA0  }
0x174: {  	[sflag:s17] =	ssyncset.done $0x0  }
0x175: {  	s21 =	simm.s32 $0x0;
	[sflag:s17] =	ssyncadd.s32 $0xFFFFF060  }
0x176: {  	v2 =	vld [tilespmem:s21+$0x2010]  }
0x177: {  	v0 =	vld [tilespmem:s21+$0x5010]  }
0x178: {  	v3 =	vld [tilespmem:s21+$0x2000]  }
0x179: {  	v1 =	vld [tilespmem:s21+$0x1000]  }
0x17a: {  	v4 =	vld [tilespmem:s21+$0x3000]  }
0x17b: {  	v5 =	vld [tilespmem:s21+$0x4000]  }
0x17c: {  	v6 =	vld [tilespmem:s21+$0x5000]  }
0x17d: {  	v7 =	vld [tilespmem:s21+$0x1010]  }
0x17e: {  	v8 =	vld [tilespmem:s21+$0x3010]  }
0x17f: {  	v9 =	vld [tilespmem:s21+$0x4010]  }
0x180: {  	v10 =	vld [tilespmem:s21+$0x0];
	v0 =	vmul.f32 v0, v2;
	[tilespmem:s21+$0xCFA0] =	vst v3  }
0x181: {  	s0 =	simm.s32 $0x20;
	v11 =	vld [tilespmem:s21+$0x10];
	v4 =	vmul.f32 v4, v3;
	[tilespmem:s21+$0xCFB0] =	vst v2  }
0x182: {  	v5 =	vmul.f32 v5, v3;
	v12 =	vshll.u32 v1, $0x10;
	v1 =	vld [tilespmem:s0+$0x2000];
	[tilespmem:s21+$0xFE90] =	vst v0  }
0x183: {  	v8 =	vmul.f32 v8, v2;
	v3 =	vmul.f32 v6, v3;
	v6 =	vshll.u32 v7, $0x10;
	v7 =	vld [tilespmem:s0+$0x3000];
	[tilespmem:s21+$0xDF40] =	vst v4  }
0x184: {  	v0 =	vld [tilespmem:s0+$0x2010];
	[tilespmem:s21+$0xEEE0] =	vst v5  }
0x185: {  	v4 =	vld [tilespmem:s0+$0x5010];
	v5 =	vor.u32 v10, v12;
	[tilespmem:s21+$0xDF50] =	vst v8  }
0x186: {  	s3 =	sand.u32 $0xFE0, s18;
	v10 =	vld [tilespmem:s0+$0x1000];
	[tilespmem:s21+$0xC000] =	vst v5;
	v5 =	vmul.f32 v9, v2  }
0x187: {  	v8 =	vld [tilespmem:s0+$0x4000];
	[tilespmem:s3+$0xFE80] =	vst v3  }
0x188: {  	v2 =	vor.u32 v11, v6;
	[tilespmem:s21+$0xEEF0] =	vst v5;
	v5 =	vld [tilespmem:s0+$0x5000]  }
0x189: {  	[tilespmem:s21+$0xC010] =	vst v2;
	v2 =	vld [tilespmem:s0+$0x1010]  }
0x18a: {  	v6 =	vld [tilespmem:s0+$0x3010];
	[tilespmem:s0+$0xCFA0] =	vst v1;
	v3 =	vmul.f32 v4, v0  }
0x18b: {  	v9 =	vmul.f32 v7, v1;
	v4 =	vld [tilespmem:s0+$0x4010];
	[tilespmem:s0+$0xCFB0] =	vst v0  }
0x18c: {  	s19 =	simm.s32 $0x2;
	s2 =	simm.s32 $0x100;
	v7 =	vld [tilespmem:s0+$0x0];
	v8 =	vmul.f32 v8, v1;
	[tilespmem:s0+$0xFE90] =	vst v3;
	v3 =	vshll.u32 v10, $0x10  }
.LBB2_10:
0x18d: {  	s3 =	sshra.s32 s2, $0x2;
	[tilespmem:s0+$0xDF40] =	vst v9;
	v5 =	vmul.f32 v5, v1;
	v9 =	vld [tilespmem:s0+$0x10]  }
0x18e: {  	s19 =	sadd.s32 $0x2, s19;
	v10 =	vld [tilespmem:s3+$0x2010];
	[tilespmem:s0+$0xEEE0] =	vst v8;
	v2 =	vshll.u32 v2, $0x10  }
0x18f: {  	p0 =	slt.u32 s19, $0xF8;
	v8 =	vld [tilespmem:s3+$0x5010];
	v6 =	vmul.f32 v6, v0  }
0x190: {  	v1 =	vld [tilespmem:s3+$0x2000];
	v4 =	vmul.f32 v4, v0  }
0x191: {  	s18 =	sadd.s32 $0x20, s18;
	v11 =	vld [tilespmem:s3+$0x1000];
	v3 =	vor.u32 v7, v3;
	[tilespmem:s0+$0xDF50] =	vst v6  }
0x192: {  	s21 =	sand.u32 $0xFE0, s18;
	v7 =	vld [tilespmem:s3+$0x3000];
	[tilespmem:s0+$0xC000] =	vst v3;
	v2 =	vor.u32 v9, v2  }
0x193: {  	v12 =	vld [tilespmem:s3+$0x4000];
	[tilespmem:s21+$0xFE80] =	vst v5;
	v0 =	vmov v10  }
.Ltmp4:
0x194: {  	v5 =	vld [tilespmem:s3+$0x5000];
	v8 =	vmul.f32 v8, v0;
	[tilespmem:s0+$0xC010] =	vst v2;
	(pc) =	sbr.rel @p0 .LBB2_10-.Ltmp4, $4  }
0x195: {  	v2 =	vld [tilespmem:s3+$0x1010];
	[tilespmem:s0+$0xEEF0] =	vst v4;
	s0 =	smov.u32 s3  }
0x196: {  	v3 =	vshll.u32 v11, $0x10;
	v6 =	vld [tilespmem:s0+$0x3010];
	[tilespmem:s0+$0xFE90] =	vst v8  }
0x197: {  	[tilespmem:s0+$0xCFA0] =	vst v1;
	v9 =	vmul.f32 v7, v1;
	v4 =	vld [tilespmem:s0+$0x4010]  }
0x198: {  	s2 =	sadd.s32 $0x80, s2;
	v7 =	vld [tilespmem:s0+$0x0];
	v8 =	vmul.f32 v12, v1;
	[tilespmem:s0+$0xCFB0] =	vst v0  }
0x199: {  	_ =	sdelay $0x1  }
0x19a: {  	v10 =	vld [tilespmem:s0+$0x10];
	[tilespmem:s0+$0xDF40] =	vst v9;
	v6 =	vmul.f32 v6, v0  }
0x19b: {  	[tilespmem:s0+$0xEEE0] =	vst v8  }
0x19c: {  	v63 =	vmul.f32 v4, v0;
	v3 =	vor.u32 v7, v3;
	[tilespmem:s0+$0xDF50] =	vst v6  }
0x19d: {  	v1 =	vmul.f32 v5, v1;
	s2 =	sadd.s32 $0x20, s18;
	[tilespmem:s0+$0xC000] =	vst v3  }
0x19e: {  	v2 =	vshll.u32 v2, $0x10;
	s2 =	sand.u32 $0xFE0, s2;
	[tilespmem:s0+$0xEEF0] =	vst v63  }
0x19f: {  	v2 =	vor.u32 v10, v2;
	[tilespmem:s2+$0xFE80] =	vst v1  }
0x1a0: {  	[tilespmem:s0+$0xC010] =	vst v2  }
0x1a1: {  	[hbm4b:s8+s1] =	stream.linear.scatter [tilespmem:s28], [sflag:$0x3], $0x4E20, $0x38;
	[tilespmem:$0x10E80] =	vst v63  }
0x1a2: {  	_ =	swait.ge [sflag:s29], $0x4E20  }
0x1a3: {  	s31 =	sadd.s32 $0x1, s31;
	s21 =	rddreg [dreg:$0x15]  }
0x1a4: {  	p0 =	sne.s32 s31, s21  }
.Ltmp5:
0x1a5: {  	_ = 	snop;
	(pc) =	sbr.rel @p0 .LBB2_1-.Ltmp5, $3  }
0x1a6: {  	_ =	sdelay $0x1  }
0x1a7: {  	[sflag:s29] =	ssyncset.done $0x0  }
0x1a8: {  	[sflag:s29] =	ssyncadd.s32 $0xFFFFB1E0  }
0x1a9: {  	_ =	sfence.sel $0x180000  }
0x1aa: {  	[bflag:$0x0] =	sbarrier.arrive $0xFFFF  }
0x1ab: {  	_ =	strace $0x90000047  }
0x1ac: {  	s0 =	stileid.u32;
	[bflag:$0x2] =	sbarrier.arrive $0xFFFF  }
0x1ad: {  	p0 =	sne.s32 s0, $0x0;
	s0 =	rddreg [dreg:$0x4]  }
0x1ae: {  	s0 =	sadd.s32 @!p0 $0x100000, s0  }
0x1af: {  	[sflag:s0] =	ssyncadd.tile.s32 @!p0 $0x1;
	_ =	shalt  }
.Lfunc_end2:
_tile_overlayer_lowered:
.L_overlay_start_2:
0x1b0: {  	(tag) =	ssettag $0x2  }
0x1b1: {  	s0 =	rddreg [dreg:$0x0];
	s2 =	stileid.u32  }
0x1b2: {  	s1 =	rddreg [dreg:$0x1];
	p0 =	sne.s32 s2, $0x0  }
0x1b3: {  	s3 =	rddreg [dreg:$0x2];
	[bflag:$0x3] =	sbarrier.arrive $0xFFFF;
	s2 =	simm.s32 @!p0 $0x1C03  }
0x1b4: {  	[timem:s3], [sflag:s2] =	dma.local @!p0 [hbm:s0], s1  }
0x1b5: {  	s0 =	simm.s32 @!p0 $0x3  }
0x1b6: {  	_ =	swait.ge @!p0 [sflag:s0], s1  }
0x1b7: {  	s1 =	ssub.s32 @!p0 $0x0, s1;
	[sflag:s0] =	ssyncset.done @!p0 $0x0  }
0x1b8: {  	[sflag:s0] =	ssyncadd.s32 @!p0 s1  }
0x1b9: {  	[bflag:$0x3] =	sbarrier.arrive $0xFFFF  }
0x1ba: {  	_ =	shalt  }

// kernel: kernel.8.cloned.1.call-start
scs
__scs_entry_jumppad:
0x0: {  	(pc) =	sbr.rel $0x88, $3  }
0x1: {  	(tag) =	ssettag $0x0;
	lr =	simm.s32 $0x1  }
0x2: {  	[smem:$0x3F96] =	sst lr;
	_ =	strace $0xD0000000  }
0x3: {  	_ = 	snop  }
0x4: {  	_ = 	snop  }
0x5: {  	_ = 	snop  }
0x6: {  	_ = 	snop  }
0x7: {  	_ = 	snop  }
__scs_overlays_trampoline_lowered:
0x8: {  	[smem:$0x3FA5] =	sst s0  }
0x9: {  	[smem:$0x3FA6] =	sst s1  }
0xa: {  	[smem:$0x3FA7] =	sst s2  }
0xb: {  	[smem:$0x3FA8] =	sst s3  }
0xc: {  	[smem:$0x3FA9] =	sst s4  }
0xd: {  	[smem:$0x3FAA] =	sst s5  }
0xe: {  	[smem:$0x3FAB] =	sst s6  }
0xf: {  	[smem:$0x3FAC] =	sst s7  }
0x10: {  	[smem:$0x3FAD] =	sst s8  }
0x11: {  	[smem:$0x3FAE] =	sst s9;
	s0 =	simm.s32 @!p0 $0x0  }
0x12: {  	s1 =	sld [smem:$0x3F94];
	s0 =	simm.s32 @p0 $0x1  }
0x13: {  	[smem:$0x3FAF] =	sst s0;
	s0 =	simm.s32 @!p1 $0x0  }
0x14: {  	s2 =	sld [smem:$0x3F93];
	s0 =	simm.s32 @p1 $0x1  }
0x15: {  	[smem:$0x3FB0] =	sst s0;
	s0 =	simm.s32 @!p2 $0x0  }
0x16: {  	s3 =	sld [smem:$0x3FDB];
	s0 =	simm.s32 @p2 $0x1  }
0x17: {  	s4 =	simm.s32 $0x1BF5;
	[smem:$0x3FB2] =	sst s0  }
0x18: {  	s0 =	sld [smem:$0x3F95];
	_ =	swait.ge [sflag:s4], $0x0  }
0x19: {  	s7 =	sld [smem:$0x3F96]  }
0x1a: {  	s8 =	sadd.s32 $0xFFFFE003, lr  }
0x1b: {  	s9 =	sadd.s32 $0xFFFFFEF7, lr;
	s5 =	simm.s32 $0xFFFFFFFF;
	p2 =	slt.u32 s8, $0xFFFFF086  }
0x1c: {  	p1 =	slt.u32 s9, $0xF7A;
	s5 =	simm.s32 @!p2 $0x0  }
0x1d: {  	s5 =	simm.s32 @p1 $0x1;
	p0 =	seq.s32 s7, s2  }
0x1e: {  	s7 =	smul.u32 @!p0 $0xF7A, s2;
	p2 =	seq.s32 @!p0 s5, $0x0  }
0x1f: {  	s9 =	smul.u32 $0xF7A, s1;
	s8 =	simm.s32 @!p0 $0x1BF5;
	p2 =	por !p2, p0  }
0x20: {  	[sflag:s8] =	ssyncset.s32 @!p0 $0xFFFFF086;
	s6 =	sadd.s32 @!p0 s3, s7;
	s7 =	simm.s32 @!p0 $0x108  }
0x21: {  	s3 =	sadd.s32 s3, s9;
	s6 =	sadd.s32 @!p0 $0x88, s6;
	s7 =	simm.s32 @p2 $0x1082  }
0x22: {  	[simem:s7], [sflag:s8] =	dma.local @!p0 [hbm:s6], $0xF7A  }
0x23: {  	s9 =	sor.u32 $0xD0000000, s2;
	s6 =	simm.s32 $0x108;
	_ =	swait.ge @!p0 [sflag:s8], $0x0  }
0x24: {  	s3 =	sadd.s32 $0x88, s3;
	s6 =	simm.s32 @!p1 $0x1082;
	[sflag:s4] =	ssyncset.s32 $0xFFFFF086  }
0x25: {  	[simem:s6], [sflag:s4] =	dma.local [hbm:s3], $0xF7A  }
0x26: {  	[smem:$0x3F96] =	sst s1;
	(tag) =	ssettag s2;
	_ =	strace s9  }
0x27: {  	s1 =	sld [smem:$0x3FA6]  }
0x28: {  	s2 =	sld [smem:$0x3FA7]  }
0x29: {  	s4 =	sld [smem:$0x3FA9]  }
0x2a: {  	p0 =	seq.s32 s5, $0x0;
	s5 =	sld [smem:$0x3FAA]  }
0x2b: {  	s6 =	sld [smem:$0x3FAB]  }
0x2c: {  	s7 =	sld [smem:$0x3FAC]  }
0x2d: {  	s3 =	simm.s32 $0x108;
	s8 =	sld [smem:$0x3FAD]  }
0x2e: {  	s3 =	simm.s32 @!p0 $0x1082;
	s9 =	sld [smem:$0x3FAE]  }
0x2f: {  	lr =	sadd.s32 s0, s3;
	s0 =	sld [smem:$0x3FA5]  }
0x30: {  	s3 =	sld [smem:$0x3FA8]  }
0x31: {  	[smem:$0x3FB1] =	sst s10  }
0x32: {  	s10 =	sld [smem:$0x3FAF];
	_ =	sdelay $0x3  }
0x33: {  	p0 =	seq.s32 s10, $0x1;
	s10 =	sld [smem:$0x3FB1];
	_ =	sdelay $0x3  }
0x34: {  	[smem:$0x3FB1] =	sst s10  }
0x35: {  	s10 =	sld [smem:$0x3FB0];
	_ =	sdelay $0x3  }
0x36: {  	p1 =	seq.s32 s10, $0x1;
	s10 =	sld [smem:$0x3FB1];
	_ =	sdelay $0x3  }
0x37: {  	[smem:$0x3FB1] =	sst s10  }
0x38: {  	s10 =	sld [smem:$0x3FB2]  }
0x39: {  	_ = 	snop;
	(pc) =	sbr.ind lr, $3  }
0x3a: {  	_ = 	snop  }
0x3b: {  	_ = 	snop  }
0x3c: {  	p2 =	seq.s32 s10, $0x1;
	s10 =	sld [smem:$0x3FB1]  }
0x3d: {  	_ =	shalt  }
0x3e: {  	_ =	shalt  }
0x3f: {  	_ =	shalt  }
0x40: {  	_ =	shalt  }
0x41: {  	_ =	shalt  }
0x42: {  	_ =	shalt  }
0x43: {  	_ =	shalt  }
0x44: {  	_ =	shalt  }
0x45: {  	_ =	shalt  }
0x46: {  	_ =	shalt  }
0x47: {  	_ =	shalt  }
0x48: {  	_ =	shalt  }
0x49: {  	_ =	shalt  }
0x4a: {  	_ =	shalt  }
0x4b: {  	_ =	shalt  }
0x4c: {  	_ =	shalt  }
0x4d: {  	_ =	shalt  }
0x4e: {  	_ =	shalt  }
0x4f: {  	_ =	shalt  }
0x50: {  	_ =	shalt  }
0x51: {  	_ =	shalt  }
0x52: {  	_ =	shalt  }
0x53: {  	_ =	shalt  }
0x54: {  	_ =	shalt  }
0x55: {  	_ =	shalt  }
0x56: {  	_ =	shalt  }
0x57: {  	_ =	shalt  }
0x58: {  	_ =	shalt  }
0x59: {  	_ =	shalt  }
0x5a: {  	_ =	shalt  }
0x5b: {  	_ =	shalt  }
0x5c: {  	_ =	shalt  }
0x5d: {  	_ =	shalt  }
0x5e: {  	_ =	shalt  }
0x5f: {  	_ =	shalt  }
0x60: {  	_ =	shalt  }
0x61: {  	_ =	shalt  }
0x62: {  	_ =	shalt  }
0x63: {  	_ =	shalt  }
0x64: {  	_ =	shalt  }
0x65: {  	_ =	shalt  }
0x66: {  	_ =	shalt  }
0x67: {  	_ =	shalt  }
0x68: {  	_ =	shalt  }
0x69: {  	_ =	shalt  }
0x6a: {  	_ =	shalt  }
0x6b: {  	_ =	shalt  }
0x6c: {  	_ =	shalt  }
0x6d: {  	_ =	shalt  }
0x6e: {  	_ =	shalt  }
0x6f: {  	_ =	shalt  }
0x70: {  	_ =	shalt  }
0x71: {  	_ =	shalt  }
0x72: {  	_ =	shalt  }
0x73: {  	_ =	shalt  }
0x74: {  	_ =	shalt  }
0x75: {  	_ =	shalt  }
0x76: {  	_ =	shalt  }
0x77: {  	_ =	shalt  }
0x78: {  	_ =	shalt  }
0x79: {  	_ =	shalt  }
0x7a: {  	_ =	shalt  }
0x7b: {  	_ =	shalt  }
0x7c: {  	_ =	shalt  }
0x7d: {  	_ =	shalt  }
0x7e: {  	_ =	shalt  }
0x7f: {  	_ =	shalt  }
0x80: {  	_ =	shalt  }
0x81: {  	_ =	shalt  }
0x82: {  	_ =	shalt  }
0x83: {  	_ =	shalt  }
0x84: {  	_ =	shalt  }
0x85: {  	_ =	shalt  }
0x86: {  	_ =	shalt  }
0x87: {  	_ =	shalt  }
.Lfunc_end0:
.L_simem_size_0:
called_computation.1_lowered:
.L_overlay_start_0:
0x88: {  	s2 =	sld [smem:$0x3FD9]  }
0x89: {  	s3 =	sld [smem:$0x3FFE];
	_ =	sdelay $0x1  }
0x8a: {  	s1 =	srdreg.scid  }
0x8b: {  	s0 =	sand.u32 $0x1, s1  }
0x8c: {  	s17 =	sshll.u32 s0, $0xA;
	s2 =	sadd.s32 s3, s2  }
0x8d: {  	s2 =	sadd.s32 s2, s17  }
0x8e: {  	[smem:$0x3FBD] =	sst s2  }
0x8f: {  	_ = 	snop  }
0x90: {  	s2 =	sld [smem:$0x3FD0];
	(tm) =	ssettm $0x1  }
0x91: {  	s18 =	sld [smem:$0x3FFB];
	_ =	sdelay $0x3  }
0x92: {  	_ =	strace s18  }
0x93: {  	s3 =	sld [smem:$0x3FFC];
	_ =	sdelay $0x3  }
0x94: {  	_ =	strace s3  }
0x95: {  	s3 =	sld [smem:$0x3FFD];
	_ =	sdelay $0x3  }
0x96: {  	_ =	strace s3  }
0x97: {  	_ =	strace $0x8FFFFFFF  }
0x98: {  	s19 =	sld [smem:$0x3FDB];
	_ =	sdelay $0x1  }
0x99: {  	s4 =	simm.s32 $_scs_section_size  }
0x9a: {  	s5 =	simm.s32 $_size__tile_overlayer_lowered;
	s6 =	simm.s32 $_tile_overlayer_lowered  }
0x9b: {  	s22 =	simm.s32 $0x1BFF;
	s21 =	sshll.u32 s6, $0x1;
	s3 =	sadd.s32 s4, s19  }
0x9c: {  	s7 =	simm.s32 $0x0;
	s20 =	sshll.u32 s5, $0x1;
	s5 =	sadd.s32 s21, s3  }
0x9d: {  	[timem:s7], [sflag:s22] =	dma.local [hbm:s5], s20  }
0x9e: {  	_ =	swait.ge [sflag:s22], s20  }
0x9f: {  	s4 =	ssub.s32 $0x0, s20;
	[sflag:s22] =	ssyncset.done $0x0  }
0xa0: {  	[sflag:s22] =	ssyncadd.s32 s4;
	_ =	sdelay $0x1  }
0xa1: {  	s23 =	simm.s32 $0x1B8B  }
0xa2: {  	_ =	swait.ge [sflag:s23], $0x1  }
0xa3: {  	[sflag:s23] =	ssyncset.done $0x0  }
0xa4: {  	s25 =	simm.s32 $0x1B8E;
	s24 =	sld [smem:$0x3FFE];
	[sflag:s23] =	ssyncadd.s32 $0xFFFFFFFF  }
0xa5: {  	s26 =	simm.s32 $execute0_lowered;
	[smem:$0x3FD2] =	sst s25  }
0xa6: {  	s5 =	sshll.u32 s26, $0x1;
	_ =	strace $0x80000049;
	[dreg:$0x1] =	wrdreg $0xFFFFFFFF  }
0xa7: {  	s28 =	simm.s32 $_size_execute0_lowered;
	s3 =	sadd.s32 s3, s5;
	[dreg:$0x0] =	wrdreg $0x0  }
0xa8: {  	s5 =	sshll.u32 s28, $0x1;
	[dreg:$0x2] =	wrdreg s3  }
0xa9: {  	[dreg:$0x3] =	wrdreg s5  }
0xaa: {  	[dreg:$0x4] =	wrdreg $0xC0  }
0xab: {  	_ =	task [dreg:s7], $0x5FFFF  }
0xac: {  	[dreg:$0x1] =	wrdreg $0xFFFFFFFF  }
0xad: {  	[dreg:$0x0] =	wrdreg $0x60  }
0xae: {  	[dreg:$0x2] =	wrdreg s2  }
0xaf: {  	[dreg:$0x3] =	wrdreg s24  }
0xb0: {  	[dreg:$0x4] =	wrdreg $0x9  }
0xb1: {  	_ =	task.clear_ibuf [dreg:s7], $0x5FFFF;
	_ =	strace $0x90000049  }
0xb2: {  	s29 =	simm.s32 $0x9;
	_ =	strace $0x8000004B  }
0xb3: {  	_ =	swait.ge [sflag:s29], $0x1  }
0xb4: {  	[sflag:s29] =	ssyncadd.s32 $0xFFFFFFFF  }
0xb5: {  	_ =	strace $0x9000004B  }
0xb6: {  	_ =	sfence  }
0xb7: {  	s30 =	sld [smem:$0x0];
	_ =	sdelay $0x2  }
0xb8: {  	s31 =	sshll.u32 s1, $0xD;
	s1 =	sshrl.u32 s1, $0x2  }
0xb9: {  	s3 =	sand.u32 $0x4000, s31;
	s1 =	sadd.s32 s1, s30  }
0xba: {  	s0 =	sor.u32 s3, s0;
	s1 =	sshll.u32 s1, $0x11  }
0xbb: {  	s0 =	sor.u32 s1, s0  }
0xbc: {  	s0 =	sadd.s32 $0x8F2B, s0  }
0xbd: {  	[sflag:s0] =	ssyncadd.remote.s32 $0x1  }
0xbe: {  	_ =	sfence.sel $0xFFFF  }
0xbf: {  	[dreg:$0x0] =	wrdreg $0xFFFFFFFF;
	(pc) =	sbr.abs _section_cstart, $3  }
0xc0: {  	[dreg:$0x1] =	wrdreg $0xFFFFFFFF  }
0xc1: {  	_ =	task.clear_ibuf [dreg:s7], $0x2FFFF;
	_ =	strace $0x9FFFFFFF  }
0xc2: {  	(tm) =	ssettm $0x7FFFFFFF  }
0xc3: {  	_ =	shalt  }
tec
execute0_lowered:
.L_overlay_start_1:
0x0: {  	(tag) =	ssettag $0x1  }
0x1: {  	s11 =	stileid.u32;
	s7 =	rddreg [dreg:$0x0]  }
0x2: {  	s0 =	srdreg.scid;
	s6 =	rddreg [dreg:$0x1]  }
0x3: {  	s2 =	simm.s32 $0x0;
	s28 =	simm.s32 $0x7680;
	s29 =	simm.s32 $0x9E00  }
0x4: {  	s30 =	simm.s32 $0xC580;
	s31 =	simm.s32 $0xED00;
	s1 =	sshll.u32 s11, $0x1  }
0x5: {  	s0 =	sand.u32 $0x1, s0;
	[smem:$0x7FF] =	sst s2;
	s1 =	sand.u32 $0x6, s1  }
0x6: {  	s10 =	sadd.s32 $0x1800, s6;
	s26 =	sshrl.u32 s11, $0x2;
	s4 =	sor.u32 s0, s1  }
0x7: {  	_ =	strace $0x8000004A;
	s17 =	smul.u32 $0xC8, s26;
	s5 =	sadd.s32 $0xFFFFFFFE, s4  }
0x8: {  	s0 =	ssub.s32 $0x2, s0;
	p1 =	slt.u32 s4, $0x3;
	s3 =	sand.u32 $0x80, s5  }
0x9: {  	s11 =	sshll.u32 s4, $0x2;
	s4 =	smul.u32 $0x28, s26;
	s3 =	sshrl.u32 s3, $0x7  }
0xa: {  	s12 =	smul.u32 $0x186A0, s26;
	s25 =	sshrl.u32 s0, $0x1;
	s8 =	sadd.s32 s3, s5  }
0xb: {  	s0 =	ssub.s32 s0, s25;
	s13 =	sor.u32 $0x1, s4;
	s9 =	sand.u32 $0xFFFFFFFE, s8  }
0xc: {  	s3 =	sadd.s32 $0x3C200, s6;
	s6 =	simm.s32 $0x1;
	s5 =	ssub.s32 s5, s9  }
0xd: {  	s15 =	sshra.s32 s8, $0x1;
	s12 =	sadd.s32 s3, s12;
	p0 =	sne.s32 s5, $0x0  }
0xe: {  	s9 =	sshll.u32 s26, $0x5;
	s5 =	sshll.u32 s5, $0x2;
	p1 =	por !p1, !p0  }
0xf: {  	p0 =	seq.s32 s1, $0x0;
	s1 =	simm.s32 $0x1;
	p1 =	por !p1, !p1  }
0x10: {  	[dreg:$0x3] =	wrdreg s12;
	s16 =	sand.u32 $0x4, s5;
	s1 =	simm.s32 @!p1 $0x0  }
0x11: {  	s14 =	sor.u32 $0x9, s16;
	s1 =	ssub.s32 s15, s1;
	s15 =	smul.u32 $0x5, s13  }
0x12: {  	s14 =	smov.u32 @p0 s11;
	s13 =	smul.u32 $0x9C4, s13;
	s5 =	sadd.s32 $0x2, s1  }
0x13: {  	s18 =	smul.u32 $0x2710, s14;
	s1 =	sshll.u32 s1, $0x3;
	s5 =	simm.s32 @p0 $0x1  }
0x14: {  	s19 =	smul.u32 $0x4E2, s14;
	s1 =	sor.u32 s16, s1;
	s8 =	sadd.s32 s17, s5  }
0x15: {  	s20 =	sshrl.u32 s18, $0x3;
	s15 =	sadd.s32 s15, s5;
	s8 =	smul.u32 $0x1F4, s8  }
0x16: {  	s21 =	sadd.s32 s3, s13;
	s1 =	sadd.s32 $0x8, s1;
	s15 =	smul.u32 $0x1F4, s15  }
0x17: {  	[dreg:$0x5] =	wrdreg s21;
	s1 =	smov.u32 @p0 s11;
	s8 =	sadd.s32 s3, s8  }
0x18: {  	s1 =	sadd.s32 s9, s1;
	s22 =	sadd.s32 s3, s15;
	[dreg:$0x4] =	wrdreg s8  }
0x19: {  	s1 =	smul.u32 $0x2710, s1;
	[dreg:$0x6] =	wrdreg s22;
	s8 =	sadd.s32 s7, s20  }
0x1a: {  	s7 =	sadd.s32 s7, s19;
	s19 =	smax.u32 s0, $0x1;
	s22 =	simm.s32 $0x14C00  }
0x1b: {  	s0 =	simm.s32 $0x2;
	s20 =	simm.s32 $0x0;
	[dreg:$0x7] =	wrdreg s7  }
0x1c: {  	s23 =	sadd.s32 $0x4E2, s8;
	s24 =	sshrl.u32 s1, $0x3;
	s13 =	sadd.s32 $0x9C4, s8  }
0x1d: {  	s14 =	sadd.s32 $0xEA6, s8;
	s25 =	sadd.s32 $0x2710, s1;
	s26 =	sadd.s32 $0x4E20, s1  }
.Ltmp0:
0x1e: {  	s1 =	sadd.s32 $0x7530, s1;
	[dreg:$0x8] =	wrdreg s23;
	(pc) =	sbr.rel .LBB2_1-.Ltmp0, $4  }
0x1f: {  	s15 =	sadd.s32 s10, s24;
	s7 =	sshrl.u32 s25, $0x3;
	s8 =	sshrl.u32 s26, $0x3  }
0x20: {  	s1 =	sshrl.u32 s1, $0x3;
	s23 =	simm.s32 $0x16C00;
	s24 =	simm.s32 $0x3  }
0x21: {  	s25 =	simm.s32 $0x2780;
	s26 =	simm.s32 $0x4F00;
	s16 =	sadd.s32 s10, s7  }
0x22: {  	v0 =	vimm.f32 $0.0e+00;
	s17 =	sadd.s32 s10, s8;
	s18 =	sadd.s32 s10, s1;
	s1 =	simm.s32 $0x11480  }
.LBB2_10:
0x23: {  	[hbm4b:s15+s2] =	stream.linear.scatter [tilespmem:s29], [sflag:$0x3], $0x2710, $0x38;
	[tilespmem:$0x17C00] =	vst v63  }
0x24: {  	_ =	swait.ge [sflag:s24], $0x2710  }
0x25: {  	[sflag:s24] =	ssyncset.done $0x0  }
0x26: {  	[sflag:s24] =	ssyncadd.s32 $0xFFFFD8F0  }
0x27: {  	[hbm4b:s16+s2] =	stream.linear.scatter [tilespmem:s30], [sflag:$0x3], $0x2710, $0x38;
	[tilespmem:$0x17C00] =	vst v63  }
0x28: {  	_ =	swait.ge [sflag:s24], $0x2710  }
0x29: {  	[sflag:s24] =	ssyncset.done $0x0  }
0x2a: {  	[sflag:s24] =	ssyncadd.s32 $0xFFFFD8F0  }
0x2b: {  	[hbm4b:s17+s2] =	stream.linear.scatter [tilespmem:s31], [sflag:$0x3], $0x2710, $0x38;
	[tilespmem:$0x17C00] =	vst v63  }
0x2c: {  	s20 =	sadd.s32 $0x1, s20;
	_ =	swait.ge [sflag:s24], $0x2710  }
0x2d: {  	p0 =	sne.s32 s20, s19;
	[sflag:s24] =	ssyncset.done $0x0  }
.Ltmp1:
0x2e: {  	[sflag:s24] =	ssyncadd.s32 $0xFFFFD8F0;
	(pc) =	sbr.rel @!p0 .LBB2_11-.Ltmp1, $4  }
0x2f: {  	[hbm4b:s18+s2] =	stream.linear.scatter [tilespmem:s1], [sflag:$0x3], $0x2710, $0x38;
	[tilespmem:$0x17C00] =	vst v63  }
0x30: {  	_ =	swait.ge [sflag:s24], $0x2710  }
0x31: {  	[sflag:s24] =	ssyncset.done $0x0  }
0x32: {  	[sflag:s24] =	ssyncadd.s32 $0xFFFFD8F0  }
.LBB2_1:
0x33: {  	s7 =	rddreg [dreg:$0x3];
	s8 =	simm.s32 $0x13C00  }
0x34: {  	[tilespmem:s8], [sflag:$0x1] =	stream.linear.gather [hbm4b:s7+s2], $0xFA0, $0x38;
	[tilespmem:$0x17C00] =	vst v63  }
0x35: {  	s9 =	simm.s32 $0x15C00;
	s8 =	rddreg [dreg:$0x4]  }
0x36: {  	[tilespmem:s9], [sflag:$0x1] =	stream.linear.gather [hbm4b:s8+s2], $0xFA0, $0x38;
	[tilespmem:$0x17C00] =	vst v63  }
0x37: {  	s10 =	rddreg [dreg:$0x5]  }
0x38: {  	[tilespmem:s22], [sflag:$0x2] =	stream.linear.gather [hbm4b:s10+s2], $0xFA0, $0x38;
	[tilespmem:$0x17C00] =	vst v63  }
0x39: {  	s11 =	rddreg [dreg:$0x6]  }
0x3a: {  	[tilespmem:s23], [sflag:$0x2] =	stream.linear.gather [hbm4b:s11+s2], $0xFA0, $0x38;
	[tilespmem:$0x17C00] =	vst v63  }
0x3b: {  	s12 =	rddreg [dreg:$0x7]  }
0x3c: {  	[tilespmem:s2], [sflag:$0x3] =	stream.linear.gather [hbm4b:s12+s2], $0x2710, $0x38;
	[tilespmem:$0x17C00] =	vst v63  }
0x3d: {  	_ =	swait.ge [sflag:s24], $0x2710  }
0x3e: {  	[sflag:s24] =	ssyncset.done $0x0  }
0x3f: {  	s21 =	rddreg [dreg:$0x8];
	[sflag:s24] =	ssyncadd.s32 $0xFFFFD8F0  }
0x40: {  	[tilespmem:s25], [sflag:$0x3] =	stream.linear.gather [hbm4b:s21+s2], $0x2710, $0x38;
	[tilespmem:$0x17C00] =	vst v63  }
0x41: {  	_ =	swait.ge [sflag:s24], $0x2710  }
0x42: {  	[sflag:s24] =	ssyncset.done $0x0  }
0x43: {  	[sflag:s24] =	ssyncadd.s32 $0xFFFFD8F0  }
0x44: {  	[tilespmem:s26], [sflag:$0x3] =	stream.linear.gather [hbm4b:s13+s2], $0x2710, $0x38;
	[tilespmem:$0x17C00] =	vst v63  }
0x45: {  	_ =	swait.ge [sflag:s24], $0x2710  }
0x46: {  	[sflag:s24] =	ssyncset.done $0x0  }
0x47: {  	[sflag:s24] =	ssyncadd.s32 $0xFFFFD8F0  }
0x48: {  	[tilespmem:s28], [sflag:$0x3] =	stream.linear.gather [hbm4b:s14+s2], $0x2710, $0x38;
	[tilespmem:$0x17C00] =	vst v63  }
0x49: {  	_ =	swait.ge [sflag:s24], $0x2710  }
0x4a: {  	[sflag:s24] =	ssyncset.done $0x0  }
0x4b: {  	s8 =	simm.s32 $0x9E40;
	[sflag:s24] =	ssyncadd.s32 $0xFFFFD8F0  }
0x4c: {  	[tilespmem:s8+$0x30] =	vst v0  }
0x4d: {  	[tilespmem:s8+$0xFFFFFFE0] =	vst v0  }
0x4e: {  	[tilespmem:s8+$0xFFFFFFF0] =	vst v0  }
0x4f: {  	[tilespmem:s8+$0x0] =	vst v0  }
0x50: {  	[tilespmem:s8+$0xFFFFFFC0] =	vst v0  }
0x51: {  	[tilespmem:s8+$0x10] =	vst v0  }
0x52: {  	[tilespmem:s8+$0x20] =	vst v0  }
0x53: {  	s21 =	simm.s32 $0xC5C0;
	[tilespmem:s8+$0xFFFFFFD0] =	vst v0  }
0x54: {  	[tilespmem:s21+$0x30] =	vst v0  }
0x55: {  	[tilespmem:s21+$0xFFFFFFC0] =	vst v0  }
0x56: {  	[tilespmem:s21+$0x10] =	vst v0  }
0x57: {  	[tilespmem:s21+$0xFFFFFFD0] =	vst v0  }
0x58: {  	[tilespmem:s21+$0x20] =	vst v0  }
0x59: {  	[tilespmem:s21+$0x0] =	vst v0  }
0x5a: {  	s7 =	simm.s32 $0xED40;
	[tilespmem:s21+$0xFFFFFFF0] =	vst v0  }
0x5b: {  	[tilespmem:s7+$0x30] =	vst v0  }
0x5c: {  	[tilespmem:s7+$0xFFFFFFC0] =	vst v0  }
0x5d: {  	[tilespmem:s7+$0x10] =	vst v0  }
0x5e: {  	[tilespmem:s7+$0xFFFFFFD0] =	vst v0  }
0x5f: {  	[tilespmem:s7+$0x20] =	vst v0  }
0x60: {  	[tilespmem:s7+$0x0] =	vst v0  }
0x61: {  	s9 =	simm.s32 $0x114C0;
	[tilespmem:s7+$0xFFFFFFF0] =	vst v0  }
0x62: {  	[tilespmem:s9+$0x30] =	vst v0  }
0x63: {  	[tilespmem:s9+$0xFFFFFFC0] =	vst v0  }
0x64: {  	[tilespmem:s9+$0x10] =	vst v0  }
0x65: {  	[tilespmem:s9+$0xFFFFFFD0] =	vst v0  }
0x66: {  	s10 =	simm.s32 $0x0;
	s11 =	simm.s32 $0xEDC0;
	s12 =	simm.s32 $0x11540;
	[tilespmem:s9+$0x20] =	vst v0  }
.LBB2_2:
0x67: {  	s10 =	sadd.s32 $0x8, s10;
	[tilespmem:s21+$0xFFFFFFE0] =	vst v0;
	s8 =	sadd.s32 $0x80, s8;
	s21 =	sadd.s32 $0x80, s21  }
0x68: {  	[tilespmem:s8+$0x30] =	vst v0;
	p0 =	slt.u32 s10, $0x268  }
0x69: {  	[tilespmem:s21+$0x30] =	vst v0  }
0x6a: {  	[tilespmem:s11+$0x30] =	vst v0  }
0x6b: {  	[tilespmem:s9+$0xFFFFFFF0] =	vst v0  }
0x6c: {  	[tilespmem:s9+$0x0] =	vst v0  }
0x6d: {  	[tilespmem:s7+$0xFFFFFFE0] =	vst v0;
	s7 =	smov.u32 s11  }
0x6e: {  	[tilespmem:s9+$0xFFFFFFE0] =	vst v0;
	s9 =	smov.u32 s12  }
0x6f: {  	[tilespmem:s12+$0x30] =	vst v0  }
0x70: {  	[tilespmem:s8+$0xFFFFFFE0] =	vst v0  }
0x71: {  	[tilespmem:s8+$0xFFFFFFF0] =	vst v0  }
0x72: {  	[tilespmem:s8+$0x0] =	vst v0  }
0x73: {  	[tilespmem:s8+$0xFFFFFFC0] =	vst v0  }
0x74: {  	[tilespmem:s21+$0xFFFFFFC0] =	vst v0  }
0x75: {  	[tilespmem:s11+$0xFFFFFFC0] =	vst v0  }
0x76: {  	[tilespmem:s12+$0xFFFFFFC0] =	vst v0  }
0x77: {  	[tilespmem:s8+$0x10] =	vst v0  }
0x78: {  	[tilespmem:s21+$0x10] =	vst v0  }
0x79: {  	[tilespmem:s11+$0x10] =	vst v0  }
0x7a: {  	[tilespmem:s12+$0x10] =	vst v0  }
0x7b: {  	[tilespmem:s8+$0x20] =	vst v0  }
0x7c: {  	[tilespmem:s8+$0xFFFFFFD0] =	vst v0  }
0x7d: {  	[tilespmem:s21+$0xFFFFFFD0] =	vst v0  }
0x7e: {  	[tilespmem:s11+$0xFFFFFFD0] =	vst v0  }
0x7f: {  	[tilespmem:s12+$0xFFFFFFD0] =	vst v0  }
0x80: {  	[tilespmem:s21+$0x20] =	vst v0  }
0x81: {  	[tilespmem:s11+$0x20] =	vst v0  }
.Ltmp2:
0x82: {  	[tilespmem:s12+$0x20] =	vst v0;
	(pc) =	sbr.rel @p0 .LBB2_2-.Ltmp2, $4  }
0x83: {  	[tilespmem:s21+$0x0] =	vst v0  }
0x84: {  	[tilespmem:s11+$0x0] =	vst v0  }
0x85: {  	[tilespmem:s21+$0xFFFFFFF0] =	vst v0  }
0x86: {  	s12 =	sadd.s32 $0x80, s12;
	s11 =	sadd.s32 $0x80, s11;
	[tilespmem:s7+$0xFFFFFFF0] =	vst v0  }
0x87: {  	[tilespmem:s21+$0xFFFFFFE0] =	vst v0  }
0x88: {  	[tilespmem:s9+$0xFFFFFFF0] =	vst v0  }
0x89: {  	[tilespmem:s9+$0x0] =	vst v0  }
0x8a: {  	[tilespmem:s7+$0xFFFFFFE0] =	vst v0  }
0x8b: {  	[tilespmem:s9+$0xFFFFFFE0] =	vst v0  }
0x8c: {  	[tilespmem:$0xC500] =	vst v0  }
0x8d: {  	[tilespmem:$0xEC80] =	vst v0  }
0x8e: {  	[tilespmem:$0x11400] =	vst v0  }
0x8f: {  	s21 =	simm.s32 $0x0;
	[tilespmem:$0x13B80] =	vst v0  }
.LBB2_4:
0x90: {  	_ =	swait.ge [sflag:s6], $0xFA0  }
0x91: {  	[sflag:s6] =	ssyncset.done $0x0  }
0x92: {  	[sflag:s6] =	ssyncadd.s32 $0xFFFFF060  }
0x93: {  	_ =	swait.ge [sflag:s6], $0xFA0  }
0x94: {  	[sflag:s6] =	ssyncset.done $0x0  }
0x95: {  	s7 =	simm.s32 $0x13C10;
	[sflag:s6] =	ssyncadd.s32 $0xFFFFF060  }
0x96: {  	v1 =	vld [tilespmem:s7+$0x0];
	_ =	sdelay $0x4  }
0x97: {  	v3 =	vand.u32 $0xFFFF, v1  }
0x98: {  	v2 =	vld [tilespmem:s7+$0xFFFFFFF0];
	_ =	sdelay $0x1  }
0x99: {  	s9 =	simm.s32 $0x15C10  }
0x9a: {  	v7 =	vld [tilespmem:s9+$0x0]  }
0x9b: {  	v4 =	vld.idx.msk [tilespmem:v3+s2+$0x0], $0xffff  }
0x9c: {  	s10 =	simm.s32 $0x13C30;
	v9 =	vand.u32 $0xFFFF, v2  }
0x9d: {  	v10 =	vld [tilespmem:s10+$0x0];
	v8 =	vshra.s32 v1, $0x10;
	_ =	sdelay $0x2  }
0x9e: {  	v12 =	vld [tilespmem:s9+$0xFFFFFFF0];
	v1 =	vmul.f32 v4, v7  }
0x9f: {  	v5 =	vld.idx.msk [tilespmem:v9+s2+$0x0], $0xffff  }
0xa0: {  	v14 =	vand.u32 $0xFFFF, v10;
	[tilespmem:v8+s29+$0x0] =	vst.idx.add.f32.msk $0xffff, v1  }
0xa1: {  	v1 =	vshra.s32 v2, $0x10;
	v2 =	vld.idx.msk [tilespmem:v3+s25+$0x0], $0xffff  }
0xa2: {  	v11 =	vld [tilespmem:s10+$0xFFFFFFF0];
	_ =	sdelay $0x1  }
0xa3: {  	v4 =	vmul.f32 v5, v12  }
0xa4: {  	v15 =	vld.idx.msk [tilespmem:v14+s2+$0x0], $0xffff  }
0xa5: {  	[tilespmem:v1+s29+$0x0] =	vst.idx.add.f32.msk $0xffff, v4;
	v2 =	vmul.f32 v2, v7  }
0xa6: {  	v6 =	vand.u32 $0xFFFF, v11;
	v5 =	vld.idx.msk [tilespmem:v9+s25+$0x0], $0xffff  }
0xa7: {  	[tilespmem:v8+s30+$0x0] =	vst.idx.add.f32.msk $0xffff, v2  }
0xa8: {  	s11 =	simm.s32 $0x15C30;
	v13 =	vld.idx.msk [tilespmem:v3+s26+$0x0], $0xffff  }
0xa9: {  	v4 =	vld [tilespmem:s11+$0x0];
	_ =	sdelay $0x1  }
0xaa: {  	v17 =	vld.idx.msk [tilespmem:v6+s2+$0x0], $0xffff;
	v16 =	vmul.f32 v5, v12;
	v5 =	vshra.s32 v10, $0x10  }
0xab: {  	v2 =	vld [tilespmem:s11+$0xFFFFFFF0]  }
0xac: {  	[tilespmem:v1+s30+$0x0] =	vst.idx.add.f32.msk $0xffff, v16;
	v10 =	vmul.f32 v13, v7  }
0xad: {  	v15 =	vmul.f32 v15, v4;
	v13 =	vld.idx.msk [tilespmem:v9+s26+$0x0], $0xffff  }
0xae: {  	[tilespmem:v8+s31+$0x0] =	vst.idx.add.f32.msk $0xffff, v10  }
0xaf: {  	s12 =	simm.s32 $0x13C50;
	[tilespmem:v5+s29+$0x0] =	vst.idx.add.f32.msk $0xffff, v15  }
0xb0: {  	v15 =	vld [tilespmem:s12+$0x0]  }
0xb1: {  	v10 =	vld.idx.msk [tilespmem:v3+s28+$0x0], $0xffff;
	v3 =	vshra.s32 v11, $0x10  }
0xb2: {  	v11 =	vld.idx.msk [tilespmem:v14+s25+$0x0], $0xffff  }
0xb3: {  	v13 =	vmul.f32 v13, v12  }
0xb4: {  	v16 =	vmul.f32 v17, v2;
	v17 =	vld [tilespmem:s12+$0xFFFFFFF0]  }
0xb5: {  	[tilespmem:v1+s31+$0x0] =	vst.idx.add.f32.msk $0xffff, v13  }
0xb6: {  	[tilespmem:v3+s29+$0x0] =	vst.idx.add.f32.msk $0xffff, v16;
	v10 =	vmul.f32 v10, v7  }
0xb7: {  	v7 =	vand.u32 $0xFFFF, v15;
	v11 =	vmul.f32 v11, v4;
	v16 =	vld.idx.msk [tilespmem:v6+s25+$0x0], $0xffff  }
0xb8: {  	[tilespmem:v8+s1+$0x0] =	vst.idx.add.f32.msk $0xffff, v10  }
0xb9: {  	v8 =	vand.u32 $0xFFFF, v17;
	[tilespmem:v5+s30+$0x0] =	vst.idx.add.f32.msk $0xffff, v11  }
0xba: {  	s7 =	simm.s32 $0x15C50;
	v10 =	vld.idx.msk [tilespmem:v14+s26+$0x0], $0xffff  }
0xbb: {  	v13 =	vld [tilespmem:s7+$0x0]  }
0xbc: {  	v19 =	vld.idx.msk [tilespmem:v7+s2+$0x0], $0xffff  }
0xbd: {  	v18 =	vld.idx.msk [tilespmem:v9+s28+$0x0], $0xffff;
	v9 =	vmul.f32 v16, v2  }
0xbe: {  	v11 =	vshra.s32 v15, $0x10;
	v16 =	vld.idx.msk [tilespmem:v8+s2+$0x0], $0xffff  }
0xbf: {  	[tilespmem:v3+s30+$0x0] =	vst.idx.add.f32.msk $0xffff, v9;
	v10 =	vmul.f32 v10, v4  }
0xc0: {  	v9 =	vld [tilespmem:s7+$0xFFFFFFF0]  }
0xc1: {  	[tilespmem:v5+s31+$0x0] =	vst.idx.add.f32.msk $0xffff, v10;
	v10 =	vmul.f32 v19, v13  }
0xc2: {  	v15 =	vld.idx.msk [tilespmem:v6+s26+$0x0], $0xffff  }
0xc3: {  	[tilespmem:v11+s29+$0x0] =	vst.idx.add.f32.msk $0xffff, v10;
	v10 =	vshra.s32 v17, $0x10  }
0xc4: {  	v14 =	vld.idx.msk [tilespmem:v14+s28+$0x0], $0xffff  }
0xc5: {  	s8 =	simm.s32 $0x4;
	s9 =	simm.s32 $0x13C70;
	v12 =	vmul.f32 v18, v12;
	v17 =	vmul.f32 v16, v9;
	v16 =	vld.idx.msk [tilespmem:v7+s25+$0x0], $0xffff  }
.LBB2_5:
0xc6: {  	v18 =	vld [tilespmem:s9+$0x0];
	s8 =	sadd.s32 $0x2, s8  }
0xc7: {  	v15 =	vmul.f32 v15, v2;
	v19 =	vld [tilespmem:s9+$0xFFFFFFF0];
	p0 =	slt.u32 s8, $0xF8  }
0xc8: {  	[tilespmem:v10+s29+$0x0] =	vst.idx.add.f32.msk $0xffff, v17  }
0xc9: {  	v14 =	vmul.f32 v14, v4;
	v4 =	vmov v13;
	v17 =	vld.idx.msk [tilespmem:v8+s25+$0x0], $0xffff  }
0xca: {  	[tilespmem:v3+s31+$0x0] =	vst.idx.add.f32.msk $0xffff, v15  }
0xcb: {  	v13 =	vmul.f32 v16, v4;
	v20 =	vand.u32 $0xFFFF, v18;
	[tilespmem:v5+s1+$0x0] =	vst.idx.add.f32.msk $0xffff, v14;
	v5 =	vmov v11  }
0xcc: {  	v14 =	vshra.s32 v19, $0x10;
	v15 =	vld.idx.msk [tilespmem:v6+s28+$0x0], $0xffff;
	v6 =	vmov v8;
	v8 =	vand.u32 $0xFFFF, v19  }
0xcd: {  	[tilespmem:v11+s30+$0x0] =	vst.idx.add.f32.msk $0xffff, v13  }
0xce: {  	v16 =	vld.idx.msk [tilespmem:v7+s26+$0x0], $0xffff  }
0xcf: {  	v17 =	vmul.f32 v17, v9;
	[tilespmem:v1+s1+$0x0] =	vst.idx.add.f32.msk $0xffff, v12;
	v1 =	vmovc v3;
	v3 =	vmov v10;
	v10 =	vmov v14  }
0xd0: {  	s7 =	sadd.s32 $0x20, s7;
	v14 =	vld.idx.msk [tilespmem:v20+s2+$0x0], $0xffff  }
0xd1: {  	v13 =	vld [tilespmem:s7+$0x0]  }
0xd2: {  	v12 =	vmul.f32 v15, v2;
	v2 =	vmov v9;
	v19 =	vld.idx.msk [tilespmem:v8+s2+$0x0], $0xffff  }
0xd3: {  	v11 =	vshra.s32 v18, $0x10;
	v9 =	vld [tilespmem:s7+$0xFFFFFFF0]  }
0xd4: {  	v16 =	vmul.f32 v16, v4;
	[tilespmem:v3+s30+$0x0] =	vst.idx.add.f32.msk $0xffff, v17  }
.Ltmp3:
0xd5: {  	v15 =	vld.idx.msk [tilespmem:v6+s26+$0x0], $0xffff;
	(pc) =	sbr.rel @p0 .LBB2_5-.Ltmp3, $4  }
0xd6: {  	v18 =	vmul.f32 v14, v13;
	[tilespmem:v5+s31+$0x0] =	vst.idx.add.f32.msk $0xffff, v16  }
0xd7: {  	v14 =	vld.idx.msk [tilespmem:v7+s28+$0x0], $0xffff;
	v7 =	vmov v20  }
0xd8: {  	v17 =	vmul.f32 v19, v9;
	[tilespmem:v11+s29+$0x0] =	vst.idx.add.f32.msk $0xffff, v18  }
0xd9: {  	s9 =	sadd.s32 $0x20, s9;
	v16 =	vld.idx.msk [tilespmem:v20+s25+$0x0], $0xffff  }
0xda: {  	_ =	sdelay $0x3  }
0xdb: {  	[tilespmem:v10+s29+$0x0] =	vst.idx.add.f32.msk $0xffff, v17  }
0xdc: {  	v17 =	vld.idx.msk [tilespmem:v8+s25+$0x0], $0xffff;
	_ =	sdelay $0x2  }
0xdd: {  	v16 =	vmul.f32 v16, v13;
	_ =	sdelay $0x1  }
0xde: {  	[tilespmem:v11+s30+$0x0] =	vst.idx.add.f32.msk $0xffff, v16;
	v16 =	vmul.f32 v17, v9  }
0xdf: {  	v17 =	vld.idx.msk [tilespmem:v7+s26+$0x0], $0xffff  }
0xe0: {  	[tilespmem:v10+s30+$0x0] =	vst.idx.add.f32.msk $0xffff, v16  }
0xe1: {  	v16 =	vld.idx.msk [tilespmem:v8+s26+$0x0], $0xffff  }
0xe2: {  	v15 =	vmul.f32 v15, v2;
	_ =	sdelay $0x1  }
0xe3: {  	[tilespmem:v3+s31+$0x0] =	vst.idx.add.f32.msk $0xffff, v15;
	v15 =	vmul.f32 v17, v13  }
0xe4: {  	v6 =	vld.idx.msk [tilespmem:v6+s28+$0x0], $0xffff  }
0xe5: {  	[tilespmem:v11+s31+$0x0] =	vst.idx.add.f32.msk $0xffff, v15;
	v15 =	vmul.f32 v16, v9  }
0xe6: {  	s7 =	sshll.u32 s21, $0x1;
	v7 =	vld.idx.msk [tilespmem:v7+s28+$0x0], $0xffff  }
0xe7: {  	p0 =	seq.s32 s21, $0x13;
	s7 =	sadd.s32 s4, s7;
	[tilespmem:v10+s31+$0x0] =	vst.idx.add.f32.msk $0xffff, v15  }
0xe8: {  	s8 =	sadd.s32 @!p0 $0x2, s7;
	v8 =	vld.idx.msk [tilespmem:v8+s28+$0x0], $0xffff  }
0xe9: {  	s9 =	smul.u32 @!p0 $0x9C4, s8  }
0xea: {  	v4 =	vmul.f32 v14, v4;
	s8 =	smul.u32 @!p0 $0x5, s8  }
0xeb: {  	[tilespmem:v1+s1+$0x0] =	vst.idx.add.f32.msk $0xffff, v12;
	v1 =	vmul.f32 v6, v2  }
0xec: {  	[tilespmem:v5+s1+$0x0] =	vst.idx.add.f32.msk $0xffff, v4;
	s8 =	sadd.s32 @!p0 s5, s8;
	v4 =	vmul.f32 v7, v13  }
0xed: {  	s8 =	smul.u32 @!p0 $0xFA0, s8;
	[tilespmem:v3+s1+$0x0] =	vst.idx.add.f32.msk $0xffff, v1;
	v2 =	vmul.f32 v8, v9  }
0xee: {  	s10 =	simm.s32 @!p0 $0x0;
	[tilespmem:v11+s1+$0x0] =	vst.idx.add.f32.msk $0xffff, v4  }
0xef: {  	s11 =	simm.s32 @!p0 $0x13C00;
	s9 =	sadd.s32 @!p0 s3, s9;
	s8 =	sshrl.u32 @!p0 s8, $0x3;
	[tilespmem:v10+s1+$0x0] =	vst.idx.add.f32.msk $0xffff, v2  }
0xf0: {  	[tilespmem:s11], [sflag:$0x1] =	stream.linear.gather @!p0 [hbm4b:s9+s10], $0xFA0, $0x38;
	[tilespmem:$0x17C00] =	vst v63  }
0xf1: {  	s8 =	sadd.s32 @!p0 s3, s8;
	s9 =	simm.s32 @!p0 $0x15C00  }
0xf2: {  	[tilespmem:s9], [sflag:$0x1] =	stream.linear.gather @!p0 [hbm4b:s8+s10], $0xFA0, $0x38;
	[tilespmem:$0x17C00] =	vst v63  }
0xf3: {  	_ =	swait.ge [sflag:s0], $0xFA0  }
0xf4: {  	[sflag:s0] =	ssyncset.done $0x0  }
0xf5: {  	[sflag:s0] =	ssyncadd.s32 $0xFFFFF060  }
0xf6: {  	_ =	swait.ge [sflag:s0], $0xFA0  }
0xf7: {  	[sflag:s0] =	ssyncset.done $0x0  }
0xf8: {  	s12 =	simm.s32 $0x14C10;
	[sflag:s0] =	ssyncadd.s32 $0xFFFFF060  }
0xf9: {  	v1 =	vld [tilespmem:s12+$0x0];
	_ =	sdelay $0x4  }
0xfa: {  	v2 =	vld [tilespmem:s12+$0xFFFFFFF0];
	v6 =	vand.u32 $0xFFFF, v1;
	_ =	sdelay $0x2  }
0xfb: {  	s9 =	simm.s32 $0x16C10  }
0xfc: {  	v7 =	vld [tilespmem:s9+$0x0]  }
0xfd: {  	s10 =	simm.s32 $0x14C30;
	v9 =	vand.u32 $0xFFFF, v2;
	v3 =	vld.idx.msk [tilespmem:v6+s2+$0x0], $0xffff  }
0xfe: {  	v5 =	vld [tilespmem:s10+$0x0]  }
0xff: {  	v8 =	vshra.s32 v1, $0x10;
	_ =	sdelay $0x1  }
0x100: {  	v12 =	vld [tilespmem:s9+$0xFFFFFFF0]  }
0x101: {  	v4 =	vld.idx.msk [tilespmem:v9+s2+$0x0], $0xffff;
	v1 =	vmul.f32 v3, v7  }
0x102: {  	v14 =	vand.u32 $0xFFFF, v5  }
0x103: {  	[tilespmem:v8+s29+$0x0] =	vst.idx.add.f32.msk $0xffff, v1;
	v1 =	vshra.s32 v2, $0x10  }
0x104: {  	v10 =	vld [tilespmem:s10+$0xFFFFFFF0]  }
0x105: {  	v2 =	vld.idx.msk [tilespmem:v6+s25+$0x0], $0xffff  }
0x106: {  	v3 =	vmul.f32 v4, v12  }
0x107: {  	v15 =	vld.idx.msk [tilespmem:v14+s2+$0x0], $0xffff  }
0x108: {  	s11 =	simm.s32 $0x16C30;
	[tilespmem:v1+s29+$0x0] =	vst.idx.add.f32.msk $0xffff, v3  }
0x109: {  	v4 =	vand.u32 $0xFFFF, v10;
	v3 =	vld [tilespmem:s11+$0x0]  }
0x10a: {  	v2 =	vmul.f32 v2, v7;
	v11 =	vld.idx.msk [tilespmem:v9+s25+$0x0], $0xffff  }
0x10b: {  	v5 =	vshra.s32 v5, $0x10  }
0x10c: {  	[tilespmem:v8+s30+$0x0] =	vst.idx.add.f32.msk $0xffff, v2  }
0x10d: {  	v13 =	vld.idx.msk [tilespmem:v6+s26+$0x0], $0xffff  }
0x10e: {  	v16 =	vld.idx.msk [tilespmem:v4+s2+$0x0], $0xffff;
	v15 =	vmul.f32 v15, v3  }
0x10f: {  	v2 =	vld [tilespmem:s11+$0xFFFFFFF0];
	v11 =	vmul.f32 v11, v12  }
0x110: {  	[tilespmem:v5+s29+$0x0] =	vst.idx.add.f32.msk $0xffff, v15  }
0x111: {  	[tilespmem:v1+s30+$0x0] =	vst.idx.add.f32.msk $0xffff, v11  }
0x112: {  	s12 =	simm.s32 $0x14C50;
	v11 =	vmul.f32 v13, v7;
	v13 =	vld.idx.msk [tilespmem:v9+s26+$0x0], $0xffff  }
0x113: {  	v15 =	vld [tilespmem:s12+$0x0]  }
0x114: {  	[tilespmem:v8+s31+$0x0] =	vst.idx.add.f32.msk $0xffff, v11  }
0x115: {  	v11 =	vld.idx.msk [tilespmem:v6+s28+$0x0], $0xffff;
	v6 =	vshra.s32 v10, $0x10  }
0x116: {  	v10 =	vld.idx.msk [tilespmem:v14+s25+$0x0], $0xffff  }
0x117: {  	v13 =	vmul.f32 v13, v12  }
0x118: {  	v17 =	vld [tilespmem:s12+$0xFFFFFFF0];
	v16 =	vmul.f32 v16, v2  }
0x119: {  	[tilespmem:v1+s31+$0x0] =	vst.idx.add.f32.msk $0xffff, v13  }
0x11a: {  	[tilespmem:v6+s29+$0x0] =	vst.idx.add.f32.msk $0xffff, v16;
	v11 =	vmul.f32 v11, v7  }
0x11b: {  	v7 =	vand.u32 $0xFFFF, v15;
	v10 =	vmul.f32 v10, v3;
	v16 =	vld.idx.msk [tilespmem:v4+s25+$0x0], $0xffff  }
0x11c: {  	[tilespmem:v8+s1+$0x0] =	vst.idx.add.f32.msk $0xffff, v11  }
0x11d: {  	v8 =	vand.u32 $0xFFFF, v17;
	[tilespmem:v5+s30+$0x0] =	vst.idx.add.f32.msk $0xffff, v10  }
0x11e: {  	s8 =	simm.s32 $0x16C50;
	v10 =	vld.idx.msk [tilespmem:v14+s26+$0x0], $0xffff  }
0x11f: {  	v13 =	vld [tilespmem:s8+$0x0]  }
0x120: {  	v19 =	vld.idx.msk [tilespmem:v7+s2+$0x0], $0xffff  }
0x121: {  	v18 =	vld.idx.msk [tilespmem:v9+s28+$0x0], $0xffff;
	v9 =	vmul.f32 v16, v2  }
0x122: {  	v11 =	vshra.s32 v15, $0x10;
	v16 =	vld.idx.msk [tilespmem:v8+s2+$0x0], $0xffff  }
0x123: {  	[tilespmem:v6+s30+$0x0] =	vst.idx.add.f32.msk $0xffff, v9;
	v10 =	vmul.f32 v10, v3  }
0x124: {  	v9 =	vld [tilespmem:s8+$0xFFFFFFF0]  }
0x125: {  	[tilespmem:v5+s31+$0x0] =	vst.idx.add.f32.msk $0xffff, v10;
	v10 =	vmul.f32 v19, v13  }
0x126: {  	v15 =	vld.idx.msk [tilespmem:v4+s26+$0x0], $0xffff  }
0x127: {  	[tilespmem:v11+s29+$0x0] =	vst.idx.add.f32.msk $0xffff, v10;
	v10 =	vshra.s32 v17, $0x10  }
0x128: {  	v14 =	vld.idx.msk [tilespmem:v14+s28+$0x0], $0xffff  }
0x129: {  	s9 =	simm.s32 $0x4;
	s10 =	simm.s32 $0x14C70;
	v12 =	vmul.f32 v18, v12;
	v17 =	vmul.f32 v16, v9;
	v16 =	vld.idx.msk [tilespmem:v7+s25+$0x0], $0xffff  }
.LBB2_7:
0x12a: {  	v18 =	vld [tilespmem:s10+$0x0];
	s9 =	sadd.s32 $0x2, s9  }
0x12b: {  	v15 =	vmul.f32 v15, v2;
	v19 =	vld [tilespmem:s10+$0xFFFFFFF0];
	p1 =	slt.u32 s9, $0xF8  }
0x12c: {  	[tilespmem:v10+s29+$0x0] =	vst.idx.add.f32.msk $0xffff, v17  }
0x12d: {  	v14 =	vmul.f32 v14, v3;
	v3 =	vmov v13;
	v17 =	vld.idx.msk [tilespmem:v8+s25+$0x0], $0xffff  }
0x12e: {  	[tilespmem:v6+s31+$0x0] =	vst.idx.add.f32.msk $0xffff, v15  }
0x12f: {  	v13 =	vmul.f32 v16, v3;
	v20 =	vand.u32 $0xFFFF, v18;
	[tilespmem:v5+s1+$0x0] =	vst.idx.add.f32.msk $0xffff, v14;
	v5 =	vmov v11  }
0x130: {  	v14 =	vshra.s32 v19, $0x10;
	v15 =	vld.idx.msk [tilespmem:v4+s28+$0x0], $0xffff;
	v4 =	vmov v8;
	v8 =	vand.u32 $0xFFFF, v19  }
0x131: {  	[tilespmem:v11+s30+$0x0] =	vst.idx.add.f32.msk $0xffff, v13  }
0x132: {  	v16 =	vld.idx.msk [tilespmem:v7+s26+$0x0], $0xffff  }
0x133: {  	v17 =	vmul.f32 v17, v9;
	[tilespmem:v1+s1+$0x0] =	vst.idx.add.f32.msk $0xffff, v12;
	v1 =	vmovc v6;
	v6 =	vmov v10;
	v10 =	vmov v14  }
0x134: {  	s8 =	sadd.s32 $0x20, s8;
	v14 =	vld.idx.msk [tilespmem:v20+s2+$0x0], $0xffff  }
0x135: {  	v13 =	vld [tilespmem:s8+$0x0]  }
0x136: {  	v12 =	vmul.f32 v15, v2;
	v2 =	vmov v9;
	v19 =	vld.idx.msk [tilespmem:v8+s2+$0x0], $0xffff  }
0x137: {  	v11 =	vshra.s32 v18, $0x10;
	v9 =	vld [tilespmem:s8+$0xFFFFFFF0]  }
0x138: {  	v16 =	vmul.f32 v16, v3;
	[tilespmem:v6+s30+$0x0] =	vst.idx.add.f32.msk $0xffff, v17  }
.Ltmp4:
0x139: {  	v15 =	vld.idx.msk [tilespmem:v4+s26+$0x0], $0xffff;
	(pc) =	sbr.rel @p1 .LBB2_7-.Ltmp4, $4  }
0x13a: {  	v18 =	vmul.f32 v14, v13;
	[tilespmem:v5+s31+$0x0] =	vst.idx.add.f32.msk $0xffff, v16  }
0x13b: {  	v14 =	vld.idx.msk [tilespmem:v7+s28+$0x0], $0xffff;
	v7 =	vmov v20  }
0x13c: {  	v17 =	vmul.f32 v19, v9;
	[tilespmem:v11+s29+$0x0] =	vst.idx.add.f32.msk $0xffff, v18  }
0x13d: {  	s10 =	sadd.s32 $0x20, s10;
	v16 =	vld.idx.msk [tilespmem:v20+s25+$0x0], $0xffff  }
0x13e: {  	_ =	sdelay $0x3  }
0x13f: {  	[tilespmem:v10+s29+$0x0] =	vst.idx.add.f32.msk $0xffff, v17  }
0x140: {  	v17 =	vld.idx.msk [tilespmem:v8+s25+$0x0], $0xffff;
	_ =	sdelay $0x2  }
0x141: {  	v16 =	vmul.f32 v16, v13;
	_ =	sdelay $0x1  }
0x142: {  	[tilespmem:v11+s30+$0x0] =	vst.idx.add.f32.msk $0xffff, v16;
	v58 =	vmul.f32 v17, v9  }
0x143: {  	v59 =	vld.idx.msk [tilespmem:v7+s26+$0x0], $0xffff  }
0x144: {  	[tilespmem:v10+s30+$0x0] =	vst.idx.add.f32.msk $0xffff, v58  }
0x145: {  	v16 =	vld.idx.msk [tilespmem:v8+s26+$0x0], $0xffff  }
0x146: {  	v15 =	vmul.f32 v15, v2;
	_ =	sdelay $0x1  }
0x147: {  	[tilespmem:v6+s31+$0x0] =	vst.idx.add.f32.msk $0xffff, v15;
	v60 =	vmul.f32 v59, v13  }
0x148: {  	v4 =	vld.idx.msk [tilespmem:v4+s28+$0x0], $0xffff  }
0x149: {  	[tilespmem:v11+s31+$0x0] =	vst.idx.add.f32.msk $0xffff, v60;
	v61 =	vmul.f32 v16, v9  }
0x14a: {  	v62 =	vld.idx.msk [tilespmem:v7+s28+$0x0], $0xffff  }
0x14b: {  	[tilespmem:v10+s31+$0x0] =	vst.idx.add.f32.msk $0xffff, v61  }
0x14c: {  	v63 =	vld.idx.msk [tilespmem:v8+s28+$0x0], $0xffff;
	_ =	sdelay $0x1  }
0x14d: {  	v3 =	vmul.f32 v14, v3  }
.Ltmp5:
0x14e: {  	[tilespmem:v1+s1+$0x0] =	vst.idx.add.f32.msk $0xffff, v12;
	v1 =	vmul.f32 v4, v2;
	(pc) =	sbr.rel @p0 .LBB2_10-.Ltmp5, $4  }
0x14f: {  	[tilespmem:v5+s1+$0x0] =	vst.idx.add.f32.msk $0xffff, v3;
	v3 =	vmul.f32 v62, v13  }
0x150: {  	[tilespmem:v6+s1+$0x0] =	vst.idx.add.f32.msk $0xffff, v1;
	v2 =	vmul.f32 v63, v9  }
0x151: {  	[tilespmem:v11+s1+$0x0] =	vst.idx.add.f32.msk $0xffff, v3  }
0x152: {  	[tilespmem:v10+s1+$0x0] =	vst.idx.add.f32.msk $0xffff, v2  }
0x153: {  	s7 =	sadd.s32 $0x3, s7  }
0x154: {  	s8 =	smul.u32 $0x5, s7;
	_ =	sdelay $0x1  }
0x155: {  	s7 =	smul.u32 $0x9C4, s7;
	s8 =	sadd.s32 s5, s8  }
0x156: {  	s8 =	smul.u32 $0xFA0, s8  }
.Ltmp6:
0x157: {  	s7 =	sadd.s32 s3, s7;
	(pc) =	sbr.rel .LBB2_4-.Ltmp6, $4  }
0x158: {  	[tilespmem:s22], [sflag:$0x2] =	stream.linear.gather [hbm4b:s7+s2], $0xFA0, $0x38;
	[tilespmem:$0x17C00] =	vst v63  }
0x159: {  	s12 =	sshrl.u32 s8, $0x3  }
0x15a: {  	s21 =	sadd.s32 $0x1, s21;
	s7 =	sadd.s32 s3, s12  }
0x15b: {  	[tilespmem:s23], [sflag:$0x2] =	stream.linear.gather [hbm4b:s7+s2], $0xFA0, $0x38;
	[tilespmem:$0x17C00] =	vst v63  }
.LBB2_11:
0x15c: {  	_ =	sfence.sel $0x180000  }
0x15d: {  	[bflag:$0x0] =	sbarrier.arrive $0xFFFF  }
0x15e: {  	_ =	strace $0x9000004A  }
0x15f: {  	s0 =	stileid.u32;
	[bflag:$0x2] =	sbarrier.arrive $0xFFFF  }
0x160: {  	p0 =	sne.s32 s0, $0x0;
	s0 =	rddreg [dreg:$0x2]  }
0x161: {  	s0 =	sadd.s32 @!p0 $0x100000, s0  }
0x162: {  	[sflag:s0] =	ssyncadd.tile.s32 @!p0 $0x1;
	_ =	shalt  }
.Lfunc_end2:
_tile_overlayer_lowered:
.L_overlay_start_2:
0x163: {  	(tag) =	ssettag $0x2  }
0x164: {  	s0 =	rddreg [dreg:$0x0];
	s2 =	stileid.u32  }
0x165: {  	s1 =	rddreg [dreg:$0x1];
	p0 =	sne.s32 s2, $0x0  }
0x166: {  	s3 =	rddreg [dreg:$0x2];
	[bflag:$0x3] =	sbarrier.arrive $0xFFFF;
	s2 =	simm.s32 @!p0 $0x1C03  }
0x167: {  	[timem:s3], [sflag:s2] =	dma.local @!p0 [hbm:s0], s1  }
0x168: {  	s0 =	simm.s32 @!p0 $0x3  }
0x169: {  	_ =	swait.ge @!p0 [sflag:s0], s1  }
0x16a: {  	s1 =	ssub.s32 @!p0 $0x0, s1;
	[sflag:s0] =	ssyncset.done @!p0 $0x0  }
0x16b: {  	[sflag:s0] =	ssyncadd.s32 @!p0 s1  }
0x16c: {  	[bflag:$0x3] =	sbarrier.arrive $0xFFFF  }
0x16d: {  	_ =	shalt  }

</sc_bundles>
